<compile_context>
chip_gen: v7x
topology: tpu7x:2x2x1
jax: 0.10.2.dev20260603
libtpu: 0.0.44.dev20260713+nightly
codegen_flags: <defaults>
</compile_context>

<pallas_src>
import jax
import jax.numpy as jnp
from jax import lax
from jax.experimental import pallas as pl
from jax.experimental.pallas import tpu as pltpu
from jax.experimental.pallas import tpu_sc as plsc

NUM_HEADS = 32
EDGE_HIDDEN = 32
MULTI_HOP_MAX_DIST = 5
NUM_EDGES = 1536
N_GRAPH = 16
N_NODE = 64

_NPAIR = N_GRAPH * N_NODE * N_NODE
_TBL_ROWS = NUM_EDGES + 1
_TROWS_P = 1544
_TSTRIDE = 17
_TSIZE = _TROWS_P * _TSTRIDE
_SP_ROWS = 528
_SP_SIZE = _SP_ROWS * _TSTRIDE

_info = plsc.get_sparse_core_info()
_NC, _NS = _info.num_cores, _info.num_subcores
_NW = _NC * _NS
_CHUNK = _NPAIR // _NW
_GROUPS = _CHUNK // 16


def _tpre_body(e_ref, w_ref, o_ref):
    o_ref[0] = jnp.dot(e_ref[...], w_ref[0], preferred_element_type=jnp.float32)


def _tc_pre(edge_enc_w_pad, w):
    return pl.pallas_call(
        _tpre_body,
        grid=(MULTI_HOP_MAX_DIST,),
        in_specs=[
            pl.BlockSpec((_TROWS_P, EDGE_HIDDEN), lambda d: (0, 0)),
            pl.BlockSpec((1, EDGE_HIDDEN, NUM_HEADS), lambda d: (d, 0, 0)),
        ],
        out_specs=pl.BlockSpec((1, _TROWS_P, NUM_HEADS), lambda d: (d, 0, 0)),
        out_shape=jax.ShapeDtypeStruct(
            (MULTI_HOP_MAX_DIST, _TROWS_P, NUM_HEADS), jnp.float32),
    )(edge_enc_w_pad, w)


_NSLOT = MULTI_HOP_MAX_DIST * 3


def _tr_body(e_ref, o_ref):
    o_ref[...] = e_ref[...].T


def _tc_tr(edge_idx_2d):
    return pl.pallas_call(
        _tr_body,
        grid=(_NW,),
        in_specs=[pl.BlockSpec((_CHUNK, _NSLOT), lambda g: (g, 0))],
        out_specs=pl.BlockSpec((_NSLOT, _CHUNK), lambda g: (0, g)),
        out_shape=jax.ShapeDtypeStruct((_NSLOT, _NPAIR), jnp.int32),
    )(edge_idx_2d)




def _gather_bf(tbl, addr):
    return plsc.bitcast(plsc.load_gather(tbl, [addr]), jnp.bfloat16)


def _sc_body(tp_hbm, spp_hbm, idx_hbm, spos_hbm, out_hbm,
             tbl_a, tbl_b, spt, acc, idx15, spos, sem):
    wid = lax.axis_index("s") * _NC + lax.axis_index("c")
    base = wid * _CHUNK

    def tbl_dmas(da, db):
        cps = [pltpu.async_copy(
            tp_hbm.at[pl.ds(da * _TSIZE, _TSIZE)], tbl_a, sem)]
        if db is not None:
            cps.append(pltpu.async_copy(
                tp_hbm.at[pl.ds(db * _TSIZE, _TSIZE)], tbl_b, sem))
        return cps

    start = tbl_dmas(0, 1)
    start.append(pltpu.async_copy(spp_hbm, spt, sem))
    start.append(pltpu.async_copy(spos_hbm.at[pl.ds(base, _CHUNK)],
                                  spos, sem))
    for s in range(_NSLOT):
        start.append(pltpu.async_copy(
            idx_hbm.at[pl.ds(s * _NPAIR + base, _CHUNK)],
            idx15.at[pl.ds(s * _CHUNK, _CHUNK)], sem))
    for c in start:
        c.wait()

    for rnd, (da, db) in enumerate(((0, 1), (2, 3))):
        if rnd > 0:
            for c in tbl_dmas(da, db):
                c.wait()

        def eround(g, carry, first=(rnd == 0), da=da, db=db):
            p0 = pl.multiple_of(g * 16, 16)
            ia = [idx15[pl.ds((da * 3 + k) * _CHUNK + p0, 16)] * _TSTRIDE
                  for k in range(3)]
            ib = [idx15[pl.ds((db * 3 + k) * _CHUNK + p0, 16)] * _TSTRIDE
                  for k in range(3)]
            for cp in range(NUM_HEADS // 2):
                cc = jnp.full((16,), cp, jnp.int32)
                sa = (_gather_bf(tbl_a, ia[0] + cc)
                      + _gather_bf(tbl_a, ia[1] + cc))
                sb = (_gather_bf(tbl_a, ia[2] + cc)
                      + _gather_bf(tbl_b, ib[0] + cc))
                sc = (_gather_bf(tbl_b, ib[1] + cc)
                      + _gather_bf(tbl_b, ib[2] + cc))
                s = sa + sb + sc
                slot = acc.at[cp, pl.ds(p0, 16)]
                if first:
                    slot[...] = plsc.bitcast(s, jnp.int32)
                else:
                    prev = plsc.bitcast(slot[...], jnp.bfloat16)
                    slot[...] = plsc.bitcast(prev + s, jnp.int32)
            return carry

        lax.fori_loop(0, _GROUPS, eround, 0)

    for c in tbl_dmas(4, None):
        c.wait()

    def sround(g, carry):
        p0 = pl.multiple_of(g * 16, 16)
        ia = [idx15[pl.ds((12 + k) * _CHUNK + p0, 16)] * _TSTRIDE
              for k in range(3)]
        sv = spos[pl.ds(p0, 16)]
        sp = jnp.where(sv == 0, 1, sv)
        sp = jnp.where(sp > 1, sp - 1, sp)
        sp = jnp.minimum(sp, MULTI_HOP_MAX_DIST)
        recip = (1.0 / 3.0) / sp.astype(jnp.float32)
        recip2 = plsc.pack(recip, recip, format=plsc.PackFormat.INTERLEAVED)
        svs = sv * _TSTRIDE
        for cp in range(NUM_HEADS // 2):
            cc = jnp.full((16,), cp, jnp.int32)
            s = ((_gather_bf(tbl_a, ia[0] + cc)
                  + _gather_bf(tbl_a, ia[1] + cc))
                 + _gather_bf(tbl_a, ia[2] + cc))
            spb = _gather_bf(spt, svs + cc)
            slot = acc.at[cp, pl.ds(p0, 16)]
            prev = plsc.bitcast(slot[...], jnp.bfloat16)
            slot[...] = plsc.bitcast((prev + s) * recip2 + spb, jnp.int32)
        return carry

    lax.fori_loop(0, _GROUPS, sround, 0)

    pltpu.sync_copy(acc, out_hbm.at[:, pl.ds(base, _CHUNK)])


_sc_kernel = pl.kernel(
    _sc_body,
    out_type=jax.ShapeDtypeStruct((NUM_HEADS // 2, _NPAIR), jnp.int32),
    mesh=plsc.VectorSubcoreMesh(core_axis_name="c", subcore_axis_name="s"),
    compiler_params=pltpu.CompilerParams(needs_layout_passes=False),
    scratch_types=[
        pltpu.VMEM((_TSIZE,), jnp.int32),
        pltpu.VMEM((_TSIZE,), jnp.int32),
        pltpu.VMEM((_SP_SIZE,), jnp.int32),
        pltpu.VMEM((NUM_HEADS // 2, _CHUNK), jnp.int32),
        pltpu.VMEM((_NSLOT * _CHUNK,), jnp.int32),
        pltpu.VMEM((_CHUNK,), jnp.int32),
        pltpu.SemaphoreType.DMA,
    ],
)


def _asm_body(ab_ref, rt_ref, t_ref, o_ref):
    ab2 = ab_ref[0] * 2.0
    w = rt_ref[...]
    lo = lax.bitcast_convert_type(w << 16, jnp.float32)
    hi = lax.bitcast_convert_type(w & jnp.int32(-65536), jnp.float32)
    inner = jnp.concatenate([lo, hi], axis=0).reshape(
        NUM_HEADS, N_NODE, N_NODE)
    t = t_ref[0]
    n1 = N_NODE + 1
    ii = lax.broadcasted_iota(jnp.int32, (NUM_HEADS, n1, n1), 1)
    jj = lax.broadcasted_iota(jnp.int32, (NUM_HEADS, n1, n1), 2)
    border = (ii == 0) | (jj == 0)
    tb = jnp.where(border,
                   jnp.broadcast_to(t[:, None, None], (NUM_HEADS, n1, n1)),
                   jnp.zeros((NUM_HEADS, n1, n1), jnp.float32))
    z_col = jnp.zeros((NUM_HEADS, N_NODE, 1), jnp.float32)
    z_row = jnp.zeros((NUM_HEADS, 1, n1), jnp.float32)
    padded = jnp.concatenate(
        [z_row, jnp.concatenate([z_col, inner], axis=2)], axis=1)
    o_ref[0] = ab2[None] + tb + padded


def _tc_asm(attn_bias, rt, gtvd_w):
    n1 = N_NODE + 1
    return pl.pallas_call(
        _asm_body,
        grid=(N_GRAPH,),
        in_specs=[
            pl.BlockSpec((1, n1, n1), lambda g: (g, 0, 0)),
            pl.BlockSpec((NUM_HEADS // 2, N_NODE * N_NODE), lambda g: (0, g)),
            pl.BlockSpec((1, NUM_HEADS), lambda g: (0, 0)),
        ],
        out_specs=pl.BlockSpec((1, NUM_HEADS, n1, n1), lambda g: (g, 0, 0, 0)),
        out_shape=jax.ShapeDtypeStruct(
            (N_GRAPH, NUM_HEADS, n1, n1), jnp.float32),
    )(attn_bias, rt, gtvd_w)


def kernel(attn_bias, node_attr, is_molecule, spatial_pos, edge_input,
           spatial_pos_w, gtvd_w, edge_enc_w, edge_dis_w):
    w = edge_dis_w.reshape(-1, EDGE_HIDDEN, NUM_HEADS)[:MULTI_HOP_MAX_DIST]
    eew_pad = jnp.zeros((_TROWS_P, EDGE_HIDDEN), jnp.float32)
    eew_pad = eew_pad.at[:_TBL_ROWS].set(edge_enc_w)
    t5 = _tc_pre(eew_pad, w)

    def _pack_tbl(t):
        lo = lax.bitcast_convert_type(
            t[..., :16].astype(jnp.bfloat16), jnp.uint16).astype(jnp.uint32)
        hi = lax.bitcast_convert_type(
            t[..., 16:].astype(jnp.bfloat16), jnp.uint16).astype(jnp.uint32)
        p = lax.bitcast_convert_type(lo | (hi << 16), jnp.int32)
        widths = [(0, 0)] * (p.ndim - 1) + [(0, 1)]
        return jnp.pad(p, widths).reshape(-1)

    packed = _pack_tbl(t5)
    spw_pad = jnp.zeros((_SP_ROWS, NUM_HEADS), jnp.float32)
    spw_pad = spw_pad.at[:spatial_pos_w.shape[0]].set(spatial_pos_w)
    spp = _pack_tbl(spw_pad)

    idx_t = jnp.swapaxes(edge_input.reshape(_NPAIR, _NSLOT), 0, 1)
    idx_t = idx_t.reshape(_NSLOT * _NPAIR)
    spos_flat = spatial_pos.reshape(_NPAIR)

    rt = _sc_kernel(packed, spp, idx_t, spos_flat)
    return _tc_asm(attn_bias, rt, gtvd_w)

# --- scband reference (transcript-rebuilt; emitter-appended) ---
"""Pipeline reference for scband-graph-attn-bias-29205777613766 (READ-ONLY COPY).

The authoritative reference and input builder live on the scoring server;
editing this copy changes nothing except your own understanding.
"""

import jax, jax.numpy as jnp
import numpy as np

NUM_HEADS = 32
EDGE_HIDDEN = 32
MULTI_HOP_MAX_DIST = 5
NUM_SPATIAL = 512
NUM_EDGES = 1536
NUM_EDGE_DIS = 128
N_GRAPH = 16
N_NODE = 64


def setup_inputs(seed: int = 0):
    key = jax.random.key(seed)
    ks = jax.random.split(key, 9)
    attn_bias = jax.random.normal(ks[0], (N_GRAPH, N_NODE + 1, N_NODE + 1), dtype=jnp.float32)
    node_attr = jax.random.randint(ks[1], (N_GRAPH, N_NODE, 9), 0, 100, dtype=jnp.int32)
    is_molecule = jnp.ones((N_GRAPH,), dtype=bool)
    spatial_pos = jax.random.randint(ks[2], (N_GRAPH, N_NODE, N_NODE), 0, NUM_SPATIAL, dtype=jnp.int32)
    edge_input = jax.random.randint(ks[3], (N_GRAPH, N_NODE, N_NODE, MULTI_HOP_MAX_DIST, 3), 0, NUM_EDGES + 1, dtype=jnp.int32)
    spatial_pos_w = jax.random.normal(ks[4], (NUM_SPATIAL + 10, NUM_HEADS), dtype=jnp.float32) * 0.02
    spatial_pos_w = spatial_pos_w.at[0].set(0.0)
    gtvd_w = jax.random.normal(ks[5], (1, NUM_HEADS), dtype=jnp.float32) * 0.02
    edge_enc_w = jax.random.normal(ks[6], (NUM_EDGES + 1, EDGE_HIDDEN), dtype=jnp.float32) * 0.02
    edge_enc_w = edge_enc_w.at[0].set(0.0)
    edge_dis_w = jax.random.normal(ks[7], (NUM_EDGE_DIS * EDGE_HIDDEN * NUM_HEADS, 1), dtype=jnp.float32) * 0.02
    return {"attn_bias": attn_bias, "node_attr": node_attr, "is_molecule": is_molecule,
            "spatial_pos": spatial_pos, "edge_input": edge_input,
            "spatial_pos_w": spatial_pos_w, "gtvd_w": gtvd_w,
            "edge_enc_w": edge_enc_w, "edge_dis_w": edge_dis_w}


def reference(attn_bias, node_attr, is_molecule, spatial_pos, edge_input,
              spatial_pos_w, gtvd_w, edge_enc_w, edge_dis_w):
    n_graph, n_node = node_attr.shape[0], node_attr.shape[1]
    gab = jnp.repeat(attn_bias[:, None, :, :], NUM_HEADS, axis=1)
    spb = jnp.transpose(spatial_pos_w[spatial_pos], (0, 3, 1, 2))
    gab = gab.at[:, :, 1:, 1:].add(spb)
    t = gtvd_w.reshape(1, NUM_HEADS, 1)
    gab = gab.at[:, :, 1:, 0].add(t)
    gab = gab.at[:, :, 0, :].add(t)
    sp = jnp.where(spatial_pos == 0, 1, spatial_pos)
    sp = jnp.where(sp > 1, sp - 1, sp)
    sp = jnp.clip(sp, 0, MULTI_HOP_MAX_DIST)
    ei = edge_input[:, :, :, :MULTI_HOP_MAX_DIST, :]
    ei = edge_enc_w[ei].mean(axis=-2)
    max_dist = ei.shape[-2]
    ei_flat = jnp.transpose(ei, (3, 0, 1, 2, 4)).reshape(max_dist, n_node * n_node * n_graph, EDGE_HIDDEN)
    w = edge_dis_w.reshape(-1, EDGE_HIDDEN, NUM_HEADS)[:max_dist]
    ei_flat = jnp.einsum('dbe,deh->dbh', ei_flat, w)
    ei = jnp.transpose(ei_flat.reshape(max_dist, n_graph, n_node, n_node, NUM_HEADS), (1, 2, 3, 0, 4))
    ei = jnp.transpose(ei.sum(axis=-2) / sp.astype(jnp.float32)[..., None], (0, 3, 1, 2))
    gab = gab.at[:, :, 1:, 1:].add(ei)
    gab = gab + attn_bias[:, None, :, :]
    return gab

if __name__ == "__main__":
    import jax
    _d = setup_inputs()
    print(jax.jit(kernel)(*tuple(_d.values())))

</pallas_src>

<mosaic_0001>
#map = affine_map<(d0, d1) -> (0)>
#map1 = affine_map<(d0, d1) -> (0, 0)>
module attributes {stable_mosaic.version = 14 : i64} {
  func.func @_sc_body(%arg0: i32, %arg1: i32, %arg2: memref<131240xi32, #tpu.memory_space<hbm>>, %arg3: memref<8976xi32, #tpu.memory_space<hbm>>, %arg4: memref<983040xi32, #tpu.memory_space<hbm>>, %arg5: memref<65536xi32, #tpu.memory_space<hbm>>, %arg6: memref<16x65536xi32, #tpu.memory_space<hbm>>, %arg7: memref<26248xi32, #tpu.memory_space<vmem>>, %arg8: memref<26248xi32, #tpu.memory_space<vmem>>, %arg9: memref<8976xi32, #tpu.memory_space<vmem>>, %arg10: memref<16x2048xi32, #tpu.memory_space<vmem>>, %arg11: memref<30720xi32, #tpu.memory_space<vmem>>, %arg12: memref<2048xi32, #tpu.memory_space<vmem>>, %arg13: memref<!tpu.dma_semaphore, #tpu.memory_space<semaphore_mem>>) attributes {dimension_semantics = [#tpu.dimension_semantics<core_parallel>, #tpu.dimension_semantics<subcore_parallel>], iteration_bounds = array<i64: 2, 16>, scalar_prefetch = 0 : i64, scratch_operands = 7 : i64, tpu.core_type = #tpu.core_type<sc_vector_subcore>, window_params = [{transform_indices = #map}, {transform_indices = #map}, {transform_indices = #map}, {transform_indices = #map}, {transform_indices = #map1}]} {
    %mul3A = arith.constant 2 : i32
    %mul3A_0 = arith.muli %arg1, %mul3A : i32
    %add3A = arith.addi %mul3A_0, %arg0 : i32
    %mul3A_1 = arith.constant 2048 : i32
    %mul3A_2 = arith.muli %add3A, %mul3A_1 : i32
    %dma_start3A = arith.constant 0 : i32
    %dma_start3A_3 = tpu.memref_slice %arg2[%dma_start3A] : memref<131240xi32, #tpu.memory_space<hbm>> -> memref<26248xi32, #tpu.memory_space<hbm>>
    %dma_start3A_4 = arith.constant 0 : i32
    %dma_start3A_5 = tpu.memref_slice %arg2[%dma_start3A_4] : memref<131240xi32, #tpu.memory_space<hbm>> -> memref<26248xi32, #tpu.memory_space<hbm>>
    tpu.enqueue_dma source(%dma_start3A_5 : memref<26248xi32, #tpu.memory_space<hbm>>) target(%arg7 : memref<26248xi32, #tpu.memory_space<vmem>>) target_semaphore(%arg13 : memref<!tpu.dma_semaphore, #tpu.memory_space<semaphore_mem>>)
    %dma_start3A_6 = arith.constant 26248 : i32
    %dma_start3A_7 = tpu.memref_slice %arg2[%dma_start3A_6] : memref<131240xi32, #tpu.memory_space<hbm>> -> memref<26248xi32, #tpu.memory_space<hbm>>
    %dma_start3A_8 = arith.constant 26248 : i32
    %dma_start3A_9 = tpu.memref_slice %arg2[%dma_start3A_8] : memref<131240xi32, #tpu.memory_space<hbm>> -> memref<26248xi32, #tpu.memory_space<hbm>>
    tpu.enqueue_dma source(%dma_start3A_9 : memref<26248xi32, #tpu.memory_space<hbm>>) target(%arg8 : memref<26248xi32, #tpu.memory_space<vmem>>) target_semaphore(%arg13 : memref<!tpu.dma_semaphore, #tpu.memory_space<semaphore_mem>>)
    tpu.enqueue_dma source(%arg3 : memref<8976xi32, #tpu.memory_space<hbm>>) target(%arg9 : memref<8976xi32, #tpu.memory_space<vmem>>) target_semaphore(%arg13 : memref<!tpu.dma_semaphore, #tpu.memory_space<semaphore_mem>>)
    %dma_start3A_10 = tpu.memref_slice %arg5[%mul3A_2] : memref<65536xi32, #tpu.memory_space<hbm>> -> memref<2048xi32, #tpu.memory_space<hbm>>
    %dma_start3A_11 = tpu.memref_slice %arg5[%mul3A_2] : memref<65536xi32, #tpu.memory_space<hbm>> -> memref<2048xi32, #tpu.memory_space<hbm>>
    tpu.enqueue_dma source(%dma_start3A_11 : memref<2048xi32, #tpu.memory_space<hbm>>) target(%arg12 : memref<2048xi32, #tpu.memory_space<vmem>>) target_semaphore(%arg13 : memref<!tpu.dma_semaphore, #tpu.memory_space<semaphore_mem>>)
    %add3A_12 = arith.constant 0 : i32
    %add3A_13 = arith.addi %add3A_12, %mul3A_2 : i32
    %dma_start3A_14 = arith.constant 0 : i32
    %dma_start3A_15 = tpu.memref_slice %arg11[%dma_start3A_14] : memref<30720xi32, #tpu.memory_space<vmem>> -> memref<2048xi32, #tpu.memory_space<vmem>>
    %dma_start3A_16 = tpu.memref_slice %arg4[%add3A_13] : memref<983040xi32, #tpu.memory_space<hbm>> -> memref<2048xi32, #tpu.memory_space<hbm>>
    %dma_start3A_17 = arith.constant 0 : i32
    %dma_start3A_18 = tpu.memref_slice %arg11[%dma_start3A_17] : memref<30720xi32, #tpu.memory_space<vmem>> -> memref<2048xi32, #tpu.memory_space<vmem>>
    %dma_start3A_19 = tpu.memref_slice %arg4[%add3A_13] : memref<983040xi32, #tpu.memory_space<hbm>> -> memref<2048xi32, #tpu.memory_space<hbm>>
    tpu.enqueue_dma source(%dma_start3A_19 : memref<2048xi32, #tpu.memory_space<hbm>>) target(%dma_start3A_18 : memref<2048xi32, #tpu.memory_space<vmem>>) target_semaphore(%arg13 : memref<!tpu.dma_semaphore, #tpu.memory_space<semaphore_mem>>)
    %add3A_20 = arith.constant 65536 : i32
    %add3A_21 = arith.addi %add3A_20, %mul3A_2 : i32
    %dma_start3A_22 = arith.constant 2048 : i32
    %dma_start3A_23 = tpu.memref_slice %arg11[%dma_start3A_22] : memref<30720xi32, #tpu.memory_space<vmem>> -> memref<2048xi32, #tpu.memory_space<vmem>>
    %dma_start3A_24 = tpu.memref_slice %arg4[%add3A_21] : memref<983040xi32, #tpu.memory_space<hbm>> -> memref<2048xi32, #tpu.memory_space<hbm>>
    %dma_start3A_25 = arith.constant 2048 : i32
    %dma_start3A_26 = tpu.memref_slice %arg11[%dma_start3A_25] : memref<30720xi32, #tpu.memory_space<vmem>> -> memref<2048xi32, #tpu.memory_space<vmem>>
    %dma_start3A_27 = tpu.memref_slice %arg4[%add3A_21] : memref<983040xi32, #tpu.memory_space<hbm>> -> memref<2048xi32, #tpu.memory_space<hbm>>
    tpu.enqueue_dma source(%dma_start3A_27 : memref<2048xi32, #tpu.memory_space<hbm>>) target(%dma_start3A_26 : memref<2048xi32, #tpu.memory_space<vmem>>) target_semaphore(%arg13 : memref<!tpu.dma_semaphore, #tpu.memory_space<semaphore_mem>>)
    %add3A_28 = arith.constant 131072 : i32
    %add3A_29 = arith.addi %add3A_28, %mul3A_2 : i32
    %dma_start3A_30 = arith.constant 4096 : i32
    %dma_start3A_31 = tpu.memref_slice %arg11[%dma_start3A_30] : memref<30720xi32, #tpu.memory_space<vmem>> -> memref<2048xi32, #tpu.memory_space<vmem>>
    %dma_start3A_32 = tpu.memref_slice %arg4[%add3A_29] : memref<983040xi32, #tpu.memory_space<hbm>> -> memref<2048xi32, #tpu.memory_space<hbm>>
    %dma_start3A_33 = arith.constant 4096 : i32
    %dma_start3A_34 = tpu.memref_slice %arg11[%dma_start3A_33] : memref<30720xi32, #tpu.memory_space<vmem>> -> memref<2048xi32, #tpu.memory_space<vmem>>
    %dma_start3A_35 = tpu.memref_slice %arg4[%add3A_29] : memref<983040xi32, #tpu.memory_space<hbm>> -> memref<2048xi32, #tpu.memory_space<hbm>>
    tpu.enqueue_dma source(%dma_start3A_35 : memref<2048xi32, #tpu.memory_space<hbm>>) target(%dma_start3A_34 : memref<2048xi32, #tpu.memory_space<vmem>>) target_semaphore(%arg13 : memref<!tpu.dma_semaphore, #tpu.memory_space<semaphore_mem>>)
    %add3A_36 = arith.constant 196608 : i32
    %add3A_37 = arith.addi %add3A_36, %mul3A_2 : i32
    %dma_start3A_38 = arith.constant 6144 : i32
    %dma_start3A_39 = tpu.memref_slice %arg11[%dma_start3A_38] : memref<30720xi32, #tpu.memory_space<vmem>> -> memref<2048xi32, #tpu.memory_space<vmem>>
    %dma_start3A_40 = tpu.memref_slice %arg4[%add3A_37] : memref<983040xi32, #tpu.memory_space<hbm>> -> memref<2048xi32, #tpu.memory_space<hbm>>
    %dma_start3A_41 = arith.constant 6144 : i32
    %dma_start3A_42 = tpu.memref_slice %arg11[%dma_start3A_41] : memref<30720xi32, #tpu.memory_space<vmem>> -> memref<2048xi32, #tpu.memory_space<vmem>>
    %dma_start3A_43 = tpu.memref_slice %arg4[%add3A_37] : memref<983040xi32, #tpu.memory_space<hbm>> -> memref<2048xi32, #tpu.memory_space<hbm>>
    tpu.enqueue_dma source(%dma_start3A_43 : memref<2048xi32, #tpu.memory_space<hbm>>) target(%dma_start3A_42 : memref<2048xi32, #tpu.memory_space<vmem>>) target_semaphore(%arg13 : memref<!tpu.dma_semaphore, #tpu.memory_space<semaphore_mem>>)
    %add3A_44 = arith.constant 262144 : i32
    %add3A_45 = arith.addi %add3A_44, %mul3A_2 : i32
    %dma_start3A_46 = arith.constant 8192 : i32
    %dma_start3A_47 = tpu.memref_slice %arg11[%dma_start3A_46] : memref<30720xi32, #tpu.memory_space<vmem>> -> memref<2048xi32, #tpu.memory_space<vmem>>
    %dma_start3A_48 = tpu.memref_slice %arg4[%add3A_45] : memref<983040xi32, #tpu.memory_space<hbm>> -> memref<2048xi32, #tpu.memory_space<hbm>>
    %dma_start3A_49 = arith.constant 8192 : i32
    %dma_start3A_50 = tpu.memref_slice %arg11[%dma_start3A_49] : memref<30720xi32, #tpu.memory_space<vmem>> -> memref<2048xi32, #tpu.memory_space<vmem>>
    %dma_start3A_51 = tpu.memref_slice %arg4[%add3A_45] : memref<983040xi32, #tpu.memory_space<hbm>> -> memref<2048xi32, #tpu.memory_space<hbm>>
    tpu.enqueue_dma source(%dma_start3A_51 : memref<2048xi32, #tpu.memory_space<hbm>>) target(%dma_start3A_50 : memref<2048xi32, #tpu.memory_space<vmem>>) target_semaphore(%arg13 : memref<!tpu.dma_semaphore, #tpu.memory_space<semaphore_mem>>)
    %add3A_52 = arith.constant 327680 : i32
    %add3A_53 = arith.addi %add3A_52, %mul3A_2 : i32
    %dma_start3A_54 = arith.constant 10240 : i32
    %dma_start3A_55 = tpu.memref_slice %arg11[%dma_start3A_54] : memref<30720xi32, #tpu.memory_space<vmem>> -> memref<2048xi32, #tpu.memory_space<vmem>>
    %dma_start3A_56 = tpu.memref_slice %arg4[%add3A_53] : memref<983040xi32, #tpu.memory_space<hbm>> -> memref<2048xi32, #tpu.memory_space<hbm>>
    %dma_start3A_57 = arith.constant 10240 : i32
    %dma_start3A_58 = tpu.memref_slice %arg11[%dma_start3A_57] : memref<30720xi32, #tpu.memory_space<vmem>> -> memref<2048xi32, #tpu.memory_space<vmem>>
    %dma_start3A_59 = tpu.memref_slice %arg4[%add3A_53] : memref<983040xi32, #tpu.memory_space<hbm>> -> memref<2048xi32, #tpu.memory_space<hbm>>
    tpu.enqueue_dma source(%dma_start3A_59 : memref<2048xi32, #tpu.memory_space<hbm>>) target(%dma_start3A_58 : memref<2048xi32, #tpu.memory_space<vmem>>) target_semaphore(%arg13 : memref<!tpu.dma_semaphore, #tpu.memory_space<semaphore_mem>>)
    %add3A_60 = arith.constant 393216 : i32
    %add3A_61 = arith.addi %add3A_60, %mul3A_2 : i32
    %dma_start3A_62 = arith.constant 12288 : i32
    %dma_start3A_63 = tpu.memref_slice %arg11[%dma_start3A_62] : memref<30720xi32, #tpu.memory_space<vmem>> -> memref<2048xi32, #tpu.memory_space<vmem>>
    %dma_start3A_64 = tpu.memref_slice %arg4[%add3A_61] : memref<983040xi32, #tpu.memory_space<hbm>> -> memref<2048xi32, #tpu.memory_space<hbm>>
    %dma_start3A_65 = arith.constant 12288 : i32
    %dma_start3A_66 = tpu.memref_slice %arg11[%dma_start3A_65] : memref<30720xi32, #tpu.memory_space<vmem>> -> memref<2048xi32, #tpu.memory_space<vmem>>
    %dma_start3A_67 = tpu.memref_slice %arg4[%add3A_61] : memref<983040xi32, #tpu.memory_space<hbm>> -> memref<2048xi32, #tpu.memory_space<hbm>>
    tpu.enqueue_dma source(%dma_start3A_67 : memref<2048xi32, #tpu.memory_space<hbm>>) target(%dma_start3A_66 : memref<2048xi32, #tpu.memory_space<vmem>>) target_semaphore(%arg13 : memref<!tpu.dma_semaphore, #tpu.memory_space<semaphore_mem>>)
    %add3A_68 = arith.constant 458752 : i32
    %add3A_69 = arith.addi %add3A_68, %mul3A_2 : i32
    %dma_start3A_70 = arith.constant 14336 : i32
    %dma_start3A_71 = tpu.memref_slice %arg11[%dma_start3A_70] : memref<30720xi32, #tpu.memory_space<vmem>> -> memref<2048xi32, #tpu.memory_space<vmem>>
    %dma_start3A_72 = tpu.memref_slice %arg4[%add3A_69] : memref<983040xi32, #tpu.memory_space<hbm>> -> memref<2048xi32, #tpu.memory_space<hbm>>
    %dma_start3A_73 = arith.constant 14336 : i32
    %dma_start3A_74 = tpu.memref_slice %arg11[%dma_start3A_73] : memref<30720xi32, #tpu.memory_space<vmem>> -> memref<2048xi32, #tpu.memory_space<vmem>>
    %dma_start3A_75 = tpu.memref_slice %arg4[%add3A_69] : memref<983040xi32, #tpu.memory_space<hbm>> -> memref<2048xi32, #tpu.memory_space<hbm>>
    tpu.enqueue_dma source(%dma_start3A_75 : memref<2048xi32, #tpu.memory_space<hbm>>) target(%dma_start3A_74 : memref<2048xi32, #tpu.memory_space<vmem>>) target_semaphore(%arg13 : memref<!tpu.dma_semaphore, #tpu.memory_space<semaphore_mem>>)
    %add3A_76 = arith.constant 524288 : i32
    %add3A_77 = arith.addi %add3A_76, %mul3A_2 : i32
    %dma_start3A_78 = arith.constant 16384 : i32
    %dma_start3A_79 = tpu.memref_slice %arg11[%dma_start3A_78] : memref<30720xi32, #tpu.memory_space<vmem>> -> memref<2048xi32, #tpu.memory_space<vmem>>
    %dma_start3A_80 = tpu.memref_slice %arg4[%add3A_77] : memref<983040xi32, #tpu.memory_space<hbm>> -> memref<2048xi32, #tpu.memory_space<hbm>>
    %dma_start3A_81 = arith.constant 16384 : i32
    %dma_start3A_82 = tpu.memref_slice %arg11[%dma_start3A_81] : memref<30720xi32, #tpu.memory_space<vmem>> -> memref<2048xi32, #tpu.memory_space<vmem>>
    %dma_start3A_83 = tpu.memref_slice %arg4[%add3A_77] : memref<983040xi32, #tpu.memory_space<hbm>> -> memref<2048xi32, #tpu.memory_space<hbm>>
    tpu.enqueue_dma source(%dma_start3A_83 : memref<2048xi32, #tpu.memory_space<hbm>>) target(%dma_start3A_82 : memref<2048xi32, #tpu.memory_space<vmem>>) target_semaphore(%arg13 : memref<!tpu.dma_semaphore, #tpu.memory_space<semaphore_mem>>)
    %add3A_84 = arith.constant 589824 : i32
    %add3A_85 = arith.addi %add3A_84, %mul3A_2 : i32
    %dma_start3A_86 = arith.constant 18432 : i32
    %dma_start3A_87 = tpu.memref_slice %arg11[%dma_start3A_86] : memref<30720xi32, #tpu.memory_space<vmem>> -> memref<2048xi32, #tpu.memory_space<vmem>>
    %dma_start3A_88 = tpu.memref_slice %arg4[%add3A_85] : memref<983040xi32, #tpu.memory_space<hbm>> -> memref<2048xi32, #tpu.memory_space<hbm>>
    %dma_start3A_89 = arith.constant 18432 : i32
    %dma_start3A_90 = tpu.memref_slice %arg11[%dma_start3A_89] : memref<30720xi32, #tpu.memory_space<vmem>> -> memref<2048xi32, #tpu.memory_space<vmem>>
    %dma_start3A_91 = tpu.memref_slice %arg4[%add3A_85] : memref<983040xi32, #tpu.memory_space<hbm>> -> memref<2048xi32, #tpu.memory_space<hbm>>
    tpu.enqueue_dma source(%dma_start3A_91 : memref<2048xi32, #tpu.memory_space<hbm>>) target(%dma_start3A_90 : memref<2048xi32, #tpu.memory_space<vmem>>) target_semaphore(%arg13 : memref<!tpu.dma_semaphore, #tpu.memory_space<semaphore_mem>>)
    %add3A_92 = arith.constant 655360 : i32
    %add3A_93 = arith.addi %add3A_92, %mul3A_2 : i32
    %dma_start3A_94 = arith.constant 20480 : i32
    %dma_start3A_95 = tpu.memref_slice %arg11[%dma_start3A_94] : memref<30720xi32, #tpu.memory_space<vmem>> -> memref<2048xi32, #tpu.memory_space<vmem>>
    %dma_start3A_96 = tpu.memref_slice %arg4[%add3A_93] : memref<983040xi32, #tpu.memory_space<hbm>> -> memref<2048xi32, #tpu.memory_space<hbm>>
    %dma_start3A_97 = arith.constant 20480 : i32
    %dma_start3A_98 = tpu.memref_slice %arg11[%dma_start3A_97] : memref<30720xi32, #tpu.memory_space<vmem>> -> memref<2048xi32, #tpu.memory_space<vmem>>
    %dma_start3A_99 = tpu.memref_slice %arg4[%add3A_93] : memref<983040xi32, #tpu.memory_space<hbm>> -> memref<2048xi32, #tpu.memory_space<hbm>>
    tpu.enqueue_dma source(%dma_start3A_99 : memref<2048xi32, #tpu.memory_space<hbm>>) target(%dma_start3A_98 : memref<2048xi32, #tpu.memory_space<vmem>>) target_semaphore(%arg13 : memref<!tpu.dma_semaphore, #tpu.memory_space<semaphore_mem>>)
    %add3A_100 = arith.constant 720896 : i32
    %add3A_101 = arith.addi %add3A_100, %mul3A_2 : i32
    %dma_start3A_102 = arith.constant 22528 : i32
    %dma_start3A_103 = tpu.memref_slice %arg11[%dma_start3A_102] : memref<30720xi32, #tpu.memory_space<vmem>> -> memref<2048xi32, #tpu.memory_space<vmem>>
    %dma_start3A_104 = tpu.memref_slice %arg4[%add3A_101] : memref<983040xi32, #tpu.memory_space<hbm>> -> memref<2048xi32, #tpu.memory_space<hbm>>
    %dma_start3A_105 = arith.constant 22528 : i32
    %dma_start3A_106 = tpu.memref_slice %arg11[%dma_start3A_105] : memref<30720xi32, #tpu.memory_space<vmem>> -> memref<2048xi32, #tpu.memory_space<vmem>>
    %dma_start3A_107 = tpu.memref_slice %arg4[%add3A_101] : memref<983040xi32, #tpu.memory_space<hbm>> -> memref<2048xi32, #tpu.memory_space<hbm>>
    tpu.enqueue_dma source(%dma_start3A_107 : memref<2048xi32, #tpu.memory_space<hbm>>) target(%dma_start3A_106 : memref<2048xi32, #tpu.memory_space<vmem>>) target_semaphore(%arg13 : memref<!tpu.dma_semaphore, #tpu.memory_space<semaphore_mem>>)
    %add3A_108 = arith.constant 786432 : i32
    %add3A_109 = arith.addi %add3A_108, %mul3A_2 : i32
    %dma_start3A_110 = arith.constant 24576 : i32
    %dma_start3A_111 = tpu.memref_slice %arg11[%dma_start3A_110] : memref<30720xi32, #tpu.memory_space<vmem>> -> memref<2048xi32, #tpu.memory_space<vmem>>
    %dma_start3A_112 = tpu.memref_slice %arg4[%add3A_109] : memref<983040xi32, #tpu.memory_space<hbm>> -> memref<2048xi32, #tpu.memory_space<hbm>>
    %dma_start3A_113 = arith.constant 24576 : i32
    %dma_start3A_114 = tpu.memref_slice %arg11[%dma_start3A_113] : memref<30720xi32, #tpu.memory_space<vmem>> -> memref<2048xi32, #tpu.memory_space<vmem>>
    %dma_start3A_115 = tpu.memref_slice %arg4[%add3A_109] : memref<983040xi32, #tpu.memory_space<hbm>> -> memref<2048xi32, #tpu.memory_space<hbm>>
    tpu.enqueue_dma source(%dma_start3A_115 : memref<2048xi32, #tpu.memory_space<hbm>>) target(%dma_start3A_114 : memref<2048xi32, #tpu.memory_space<vmem>>) target_semaphore(%arg13 : memref<!tpu.dma_semaphore, #tpu.memory_space<semaphore_mem>>)
    %add3A_116 = arith.constant 851968 : i32
    %add3A_117 = arith.addi %add3A_116, %mul3A_2 : i32
    %dma_start3A_118 = arith.constant 26624 : i32
    %dma_start3A_119 = tpu.memref_slice %arg11[%dma_start3A_118] : memref<30720xi32, #tpu.memory_space<vmem>> -> memref<2048xi32, #tpu.memory_space<vmem>>
    %dma_start3A_120 = tpu.memref_slice %arg4[%add3A_117] : memref<983040xi32, #tpu.memory_space<hbm>> -> memref<2048xi32, #tpu.memory_space<hbm>>
    %dma_start3A_121 = arith.constant 26624 : i32
    %dma_start3A_122 = tpu.memref_slice %arg11[%dma_start3A_121] : memref<30720xi32, #tpu.memory_space<vmem>> -> memref<2048xi32, #tpu.memory_space<vmem>>
    %dma_start3A_123 = tpu.memref_slice %arg4[%add3A_117] : memref<983040xi32, #tpu.memory_space<hbm>> -> memref<2048xi32, #tpu.memory_space<hbm>>
    tpu.enqueue_dma source(%dma_start3A_123 : memref<2048xi32, #tpu.memory_space<hbm>>) target(%dma_start3A_122 : memref<2048xi32, #tpu.memory_space<vmem>>) target_semaphore(%arg13 : memref<!tpu.dma_semaphore, #tpu.memory_space<semaphore_mem>>)
    %add3A_124 = arith.constant 917504 : i32
    %add3A_125 = arith.addi %add3A_124, %mul3A_2 : i32
    %dma_start3A_126 = arith.constant 28672 : i32
    %dma_start3A_127 = tpu.memref_slice %arg11[%dma_start3A_126] : memref<30720xi32, #tpu.memory_space<vmem>> -> memref<2048xi32, #tpu.memory_space<vmem>>
    %dma_start3A_128 = tpu.memref_slice %arg4[%add3A_125] : memref<983040xi32, #tpu.memory_space<hbm>> -> memref<2048xi32, #tpu.memory_space<hbm>>
    %dma_start3A_129 = arith.constant 28672 : i32
    %dma_start3A_130 = tpu.memref_slice %arg11[%dma_start3A_129] : memref<30720xi32, #tpu.memory_space<vmem>> -> memref<2048xi32, #tpu.memory_space<vmem>>
    %dma_start3A_131 = tpu.memref_slice %arg4[%add3A_125] : memref<983040xi32, #tpu.memory_space<hbm>> -> memref<2048xi32, #tpu.memory_space<hbm>>
    tpu.enqueue_dma source(%dma_start3A_131 : memref<2048xi32, #tpu.memory_space<hbm>>) target(%dma_start3A_130 : memref<2048xi32, #tpu.memory_space<vmem>>) target_semaphore(%arg13 : memref<!tpu.dma_semaphore, #tpu.memory_space<semaphore_mem>>)
    %dma_wait3A = arith.constant 0 : i32
    %dma_wait3A_132 = tpu.memref_slice %arg2[%dma_wait3A] : memref<131240xi32, #tpu.memory_space<hbm>> -> memref<26248xi32, #tpu.memory_space<hbm>>
    %dma_wait3A_133 = arith.constant 0 : i32
    %dma_wait3A_134 = tpu.memref_slice %arg2[%dma_wait3A_133] : memref<131240xi32, #tpu.memory_space<hbm>> -> memref<26248xi32, #tpu.memory_space<hbm>>
    tpu.wait_dma2 semaphore(%arg13 : memref<!tpu.dma_semaphore, #tpu.memory_space<semaphore_mem>>) src(%dma_wait3A_134 : memref<26248xi32, #tpu.memory_space<hbm>>) dst(%arg7 : memref<26248xi32, #tpu.memory_space<vmem>>)
    %dma_wait3A_135 = arith.constant 26248 : i32
    %dma_wait3A_136 = tpu.memref_slice %arg2[%dma_wait3A_135] : memref<131240xi32, #tpu.memory_space<hbm>> -> memref<26248xi32, #tpu.memory_space<hbm>>
    %dma_wait3A_137 = arith.constant 26248 : i32
    %dma_wait3A_138 = tpu.memref_slice %arg2[%dma_wait3A_137] : memref<131240xi32, #tpu.memory_space<hbm>> -> memref<26248xi32, #tpu.memory_space<hbm>>
    tpu.wait_dma2 semaphore(%arg13 : memref<!tpu.dma_semaphore, #tpu.memory_space<semaphore_mem>>) src(%dma_wait3A_138 : memref<26248xi32, #tpu.memory_space<hbm>>) dst(%arg8 : memref<26248xi32, #tpu.memory_space<vmem>>)
    tpu.wait_dma2 semaphore(%arg13 : memref<!tpu.dma_semaphore, #tpu.memory_space<semaphore_mem>>) src(%arg3 : memref<8976xi32, #tpu.memory_space<hbm>>) dst(%arg9 : memref<8976xi32, #tpu.memory_space<vmem>>)
    %dma_wait3A_139 = tpu.memref_slice %arg5[%mul3A_2] : memref<65536xi32, #tpu.memory_space<hbm>> -> memref<2048xi32, #tpu.memory_space<hbm>>
    %dma_wait3A_140 = tpu.memref_slice %arg5[%mul3A_2] : memref<65536xi32, #tpu.memory_space<hbm>> -> memref<2048xi32, #tpu.memory_space<hbm>>
    tpu.wait_dma2 semaphore(%arg13 : memref<!tpu.dma_semaphore, #tpu.memory_space<semaphore_mem>>) src(%dma_wait3A_140 : memref<2048xi32, #tpu.memory_space<hbm>>) dst(%arg12 : memref<2048xi32, #tpu.memory_space<vmem>>)
    %dma_wait3A_141 = arith.constant 0 : i32
    %dma_wait3A_142 = tpu.memref_slice %arg11[%dma_wait3A_141] : memref<30720xi32, #tpu.memory_space<vmem>> -> memref<2048xi32, #tpu.memory_space<vmem>>
    %dma_wait3A_143 = tpu.memref_slice %arg4[%add3A_13] : memref<983040xi32, #tpu.memory_space<hbm>> -> memref<2048xi32, #tpu.memory_space<hbm>>
    %dma_wait3A_144 = arith.constant 0 : i32
    %dma_wait3A_145 = tpu.memref_slice %arg11[%dma_wait3A_144] : memref<30720xi32, #tpu.memory_space<vmem>> -> memref<2048xi32, #tpu.memory_space<vmem>>
    %dma_wait3A_146 = tpu.memref_slice %arg4[%add3A_13] : memref<983040xi32, #tpu.memory_space<hbm>> -> memref<2048xi32, #tpu.memory_space<hbm>>
    tpu.wait_dma2 semaphore(%arg13 : memref<!tpu.dma_semaphore, #tpu.memory_space<semaphore_mem>>) src(%dma_wait3A_146 : memref<2048xi32, #tpu.memory_space<hbm>>) dst(%dma_wait3A_145 : memref<2048xi32, #tpu.memory_space<vmem>>)
    %dma_wait3A_147 = arith.constant 2048 : i32
    %dma_wait3A_148 = tpu.memref_slice %arg11[%dma_wait3A_147] : memref<30720xi32, #tpu.memory_space<vmem>> -> memref<2048xi32, #tpu.memory_space<vmem>>
    %dma_wait3A_149 = tpu.memref_slice %arg4[%add3A_21] : memref<983040xi32, #tpu.memory_space<hbm>> -> memref<2048xi32, #tpu.memory_space<hbm>>
    %dma_wait3A_150 = arith.constant 2048 : i32
    %dma_wait3A_151 = tpu.memref_slice %arg11[%dma_wait3A_150] : memref<30720xi32, #tpu.memory_space<vmem>> -> memref<2048xi32, #tpu.memory_space<vmem>>
    %dma_wait3A_152 = tpu.memref_slice %arg4[%add3A_21] : memref<983040xi32, #tpu.memory_space<hbm>> -> memref<2048xi32, #tpu.memory_space<hbm>>
    tpu.wait_dma2 semaphore(%arg13 : memref<!tpu.dma_semaphore, #tpu.memory_space<semaphore_mem>>) src(%dma_wait3A_152 : memref<2048xi32, #tpu.memory_space<hbm>>) dst(%dma_wait3A_151 : memref<2048xi32, #tpu.memory_space<vmem>>)
    %dma_wait3A_153 = arith.constant 4096 : i32
    %dma_wait3A_154 = tpu.memref_slice %arg11[%dma_wait3A_153] : memref<30720xi32, #tpu.memory_space<vmem>> -> memref<2048xi32, #tpu.memory_space<vmem>>
    %dma_wait3A_155 = tpu.memref_slice %arg4[%add3A_29] : memref<983040xi32, #tpu.memory_space<hbm>> -> memref<2048xi32, #tpu.memory_space<hbm>>
    %dma_wait3A_156 = arith.constant 4096 : i32
    %dma_wait3A_157 = tpu.memref_slice %arg11[%dma_wait3A_156] : memref<30720xi32, #tpu.memory_space<vmem>> -> memref<2048xi32, #tpu.memory_space<vmem>>
    %dma_wait3A_158 = tpu.memref_slice %arg4[%add3A_29] : memref<983040xi32, #tpu.memory_space<hbm>> -> memref<2048xi32, #tpu.memory_space<hbm>>
    tpu.wait_dma2 semaphore(%arg13 : memref<!tpu.dma_semaphore, #tpu.memory_space<semaphore_mem>>) src(%dma_wait3A_158 : memref<2048xi32, #tpu.memory_space<hbm>>) dst(%dma_wait3A_157 : memref<2048xi32, #tpu.memory_space<vmem>>)
    %dma_wait3A_159 = arith.constant 6144 : i32
    %dma_wait3A_160 = tpu.memref_slice %arg11[%dma_wait3A_159] : memref<30720xi32, #tpu.memory_space<vmem>> -> memref<2048xi32, #tpu.memory_space<vmem>>
    %dma_wait3A_161 = tpu.memref_slice %arg4[%add3A_37] : memref<983040xi32, #tpu.memory_space<hbm>> -> memref<2048xi32, #tpu.memory_space<hbm>>
    %dma_wait3A_162 = arith.constant 6144 : i32
    %dma_wait3A_163 = tpu.memref_slice %arg11[%dma_wait3A_162] : memref<30720xi32, #tpu.memory_space<vmem>> -> memref<2048xi32, #tpu.memory_space<vmem>>
    %dma_wait3A_164 = tpu.memref_slice %arg4[%add3A_37] : memref<983040xi32, #tpu.memory_space<hbm>> -> memref<2048xi32, #tpu.memory_space<hbm>>
    tpu.wait_dma2 semaphore(%arg13 : memref<!tpu.dma_semaphore, #tpu.memory_space<semaphore_mem>>) src(%dma_wait3A_164 : memref<2048xi32, #tpu.memory_space<hbm>>) dst(%dma_wait3A_163 : memref<2048xi32, #tpu.memory_space<vmem>>)
    %dma_wait3A_165 = arith.constant 8192 : i32
    %dma_wait3A_166 = tpu.memref_slice %arg11[%dma_wait3A_165] : memref<30720xi32, #tpu.memory_space<vmem>> -> memref<2048xi32, #tpu.memory_space<vmem>>
    %dma_wait3A_167 = tpu.memref_slice %arg4[%add3A_45] : memref<983040xi32, #tpu.memory_space<hbm>> -> memref<2048xi32, #tpu.memory_space<hbm>>
    %dma_wait3A_168 = arith.constant 8192 : i32
    %dma_wait3A_169 = tpu.memref_slice %arg11[%dma_wait3A_168] : memref<30720xi32, #tpu.memory_space<vmem>> -> memref<2048xi32, #tpu.memory_space<vmem>>
    %dma_wait3A_170 = tpu.memref_slice %arg4[%add3A_45] : memref<983040xi32, #tpu.memory_space<hbm>> -> memref<2048xi32, #tpu.memory_space<hbm>>
    tpu.wait_dma2 semaphore(%arg13 : memref<!tpu.dma_semaphore, #tpu.memory_space<semaphore_mem>>) src(%dma_wait3A_170 : memref<2048xi32, #tpu.memory_space<hbm>>) dst(%dma_wait3A_169 : memref<2048xi32, #tpu.memory_space<vmem>>)
    %dma_wait3A_171 = arith.constant 10240 : i32
    %dma_wait3A_172 = tpu.memref_slice %arg11[%dma_wait3A_171] : memref<30720xi32, #tpu.memory_space<vmem>> -> memref<2048xi32, #tpu.memory_space<vmem>>
    %dma_wait3A_173 = tpu.memref_slice %arg4[%add3A_53] : memref<983040xi32, #tpu.memory_space<hbm>> -> memref<2048xi32, #tpu.memory_space<hbm>>
    %dma_wait3A_174 = arith.constant 10240 : i32
    %dma_wait3A_175 = tpu.memref_slice %arg11[%dma_wait3A_174] : memref<30720xi32, #tpu.memory_space<vmem>> -> memref<2048xi32, #tpu.memory_space<vmem>>
    %dma_wait3A_176 = tpu.memref_slice %arg4[%add3A_53] : memref<983040xi32, #tpu.memory_space<hbm>> -> memref<2048xi32, #tpu.memory_space<hbm>>
    tpu.wait_dma2 semaphore(%arg13 : memref<!tpu.dma_semaphore, #tpu.memory_space<semaphore_mem>>) src(%dma_wait3A_176 : memref<2048xi32, #tpu.memory_space<hbm>>) dst(%dma_wait3A_175 : memref<2048xi32, #tpu.memory_space<vmem>>)
    %dma_wait3A_177 = arith.constant 12288 : i32
    %dma_wait3A_178 = tpu.memref_slice %arg11[%dma_wait3A_177] : memref<30720xi32, #tpu.memory_space<vmem>> -> memref<2048xi32, #tpu.memory_space<vmem>>
    %dma_wait3A_179 = tpu.memref_slice %arg4[%add3A_61] : memref<983040xi32, #tpu.memory_space<hbm>> -> memref<2048xi32, #tpu.memory_space<hbm>>
    %dma_wait3A_180 = arith.constant 12288 : i32
    %dma_wait3A_181 = tpu.memref_slice %arg11[%dma_wait3A_180] : memref<30720xi32, #tpu.memory_space<vmem>> -> memref<2048xi32, #tpu.memory_space<vmem>>
    %dma_wait3A_182 = tpu.memref_slice %arg4[%add3A_61] : memref<983040xi32, #tpu.memory_space<hbm>> -> memref<2048xi32, #tpu.memory_space<hbm>>
    tpu.wait_dma2 semaphore(%arg13 : memref<!tpu.dma_semaphore, #tpu.memory_space<semaphore_mem>>) src(%dma_wait3A_182 : memref<2048xi32, #tpu.memory_space<hbm>>) dst(%dma_wait3A_181 : memref<2048xi32, #tpu.memory_space<vmem>>)
    %dma_wait3A_183 = arith.constant 14336 : i32
    %dma_wait3A_184 = tpu.memref_slice %arg11[%dma_wait3A_183] : memref<30720xi32, #tpu.memory_space<vmem>> -> memref<2048xi32, #tpu.memory_space<vmem>>
    %dma_wait3A_185 = tpu.memref_slice %arg4[%add3A_69] : memref<983040xi32, #tpu.memory_space<hbm>> -> memref<2048xi32, #tpu.memory_space<hbm>>
    %dma_wait3A_186 = arith.constant 14336 : i32
    %dma_wait3A_187 = tpu.memref_slice %arg11[%dma_wait3A_186] : memref<30720xi32, #tpu.memory_space<vmem>> -> memref<2048xi32, #tpu.memory_space<vmem>>
    %dma_wait3A_188 = tpu.memref_slice %arg4[%add3A_69] : memref<983040xi32, #tpu.memory_space<hbm>> -> memref<2048xi32, #tpu.memory_space<hbm>>
    tpu.wait_dma2 semaphore(%arg13 : memref<!tpu.dma_semaphore, #tpu.memory_space<semaphore_mem>>) src(%dma_wait3A_188 : memref<2048xi32, #tpu.memory_space<hbm>>) dst(%dma_wait3A_187 : memref<2048xi32, #tpu.memory_space<vmem>>)
    %dma_wait3A_189 = arith.constant 16384 : i32
    %dma_wait3A_190 = tpu.memref_slice %arg11[%dma_wait3A_189] : memref<30720xi32, #tpu.memory_space<vmem>> -> memref<2048xi32, #tpu.memory_space<vmem>>
    %dma_wait3A_191 = tpu.memref_slice %arg4[%add3A_77] : memref<983040xi32, #tpu.memory_space<hbm>> -> memref<2048xi32, #tpu.memory_space<hbm>>
    %dma_wait3A_192 = arith.constant 16384 : i32
    %dma_wait3A_193 = tpu.memref_slice %arg11[%dma_wait3A_192] : memref<30720xi32, #tpu.memory_space<vmem>> -> memref<2048xi32, #tpu.memory_space<vmem>>
    %dma_wait3A_194 = tpu.memref_slice %arg4[%add3A_77] : memref<983040xi32, #tpu.memory_space<hbm>> -> memref<2048xi32, #tpu.memory_space<hbm>>
    tpu.wait_dma2 semaphore(%arg13 : memref<!tpu.dma_semaphore, #tpu.memory_space<semaphore_mem>>) src(%dma_wait3A_194 : memref<2048xi32, #tpu.memory_space<hbm>>) dst(%dma_wait3A_193 : memref<2048xi32, #tpu.memory_space<vmem>>)
    %dma_wait3A_195 = arith.constant 18432 : i32
    %dma_wait3A_196 = tpu.memref_slice %arg11[%dma_wait3A_195] : memref<30720xi32, #tpu.memory_space<vmem>> -> memref<2048xi32, #tpu.memory_space<vmem>>
    %dma_wait3A_197 = tpu.memref_slice %arg4[%add3A_85] : memref<983040xi32, #tpu.memory_space<hbm>> -> memref<2048xi32, #tpu.memory_space<hbm>>
    %dma_wait3A_198 = arith.constant 18432 : i32
    %dma_wait3A_199 = tpu.memref_slice %arg11[%dma_wait3A_198] : memref<30720xi32, #tpu.memory_space<vmem>> -> memref<2048xi32, #tpu.memory_space<vmem>>
    %dma_wait3A_200 = tpu.memref_slice %arg4[%add3A_85] : memref<983040xi32, #tpu.memory_space<hbm>> -> memref<2048xi32, #tpu.memory_space<hbm>>
    tpu.wait_dma2 semaphore(%arg13 : memref<!tpu.dma_semaphore, #tpu.memory_space<semaphore_mem>>) src(%dma_wait3A_200 : memref<2048xi32, #tpu.memory_space<hbm>>) dst(%dma_wait3A_199 : memref<2048xi32, #tpu.memory_space<vmem>>)
    %dma_wait3A_201 = arith.constant 20480 : i32
    %dma_wait3A_202 = tpu.memref_slice %arg11[%dma_wait3A_201] : memref<30720xi32, #tpu.memory_space<vmem>> -> memref<2048xi32, #tpu.memory_space<vmem>>
    %dma_wait3A_203 = tpu.memref_slice %arg4[%add3A_93] : memref<983040xi32, #tpu.memory_space<hbm>> -> memref<2048xi32, #tpu.memory_space<hbm>>
    %dma_wait3A_204 = arith.constant 20480 : i32
    %dma_wait3A_205 = tpu.memref_slice %arg11[%dma_wait3A_204] : memref<30720xi32, #tpu.memory_space<vmem>> -> memref<2048xi32, #tpu.memory_space<vmem>>
    %dma_wait3A_206 = tpu.memref_slice %arg4[%add3A_93] : memref<983040xi32, #tpu.memory_space<hbm>> -> memref<2048xi32, #tpu.memory_space<hbm>>
    tpu.wait_dma2 semaphore(%arg13 : memref<!tpu.dma_semaphore, #tpu.memory_space<semaphore_mem>>) src(%dma_wait3A_206 : memref<2048xi32, #tpu.memory_space<hbm>>) dst(%dma_wait3A_205 : memref<2048xi32, #tpu.memory_space<vmem>>)
    %dma_wait3A_207 = arith.constant 22528 : i32
    %dma_wait3A_208 = tpu.memref_slice %arg11[%dma_wait3A_207] : memref<30720xi32, #tpu.memory_space<vmem>> -> memref<2048xi32, #tpu.memory_space<vmem>>
    %dma_wait3A_209 = tpu.memref_slice %arg4[%add3A_101] : memref<983040xi32, #tpu.memory_space<hbm>> -> memref<2048xi32, #tpu.memory_space<hbm>>
    %dma_wait3A_210 = arith.constant 22528 : i32
    %dma_wait3A_211 = tpu.memref_slice %arg11[%dma_wait3A_210] : memref<30720xi32, #tpu.memory_space<vmem>> -> memref<2048xi32, #tpu.memory_space<vmem>>
    %dma_wait3A_212 = tpu.memref_slice %arg4[%add3A_101] : memref<983040xi32, #tpu.memory_space<hbm>> -> memref<2048xi32, #tpu.memory_space<hbm>>
    tpu.wait_dma2 semaphore(%arg13 : memref<!tpu.dma_semaphore, #tpu.memory_space<semaphore_mem>>) src(%dma_wait3A_212 : memref<2048xi32, #tpu.memory_space<hbm>>) dst(%dma_wait3A_211 : memref<2048xi32, #tpu.memory_space<vmem>>)
    %dma_wait3A_213 = arith.constant 24576 : i32
    %dma_wait3A_214 = tpu.memref_slice %arg11[%dma_wait3A_213] : memref<30720xi32, #tpu.memory_space<vmem>> -> memref<2048xi32, #tpu.memory_space<vmem>>
    %dma_wait3A_215 = tpu.memref_slice %arg4[%add3A_109] : memref<983040xi32, #tpu.memory_space<hbm>> -> memref<2048xi32, #tpu.memory_space<hbm>>
    %dma_wait3A_216 = arith.constant 24576 : i32
    %dma_wait3A_217 = tpu.memref_slice %arg11[%dma_wait3A_216] : memref<30720xi32, #tpu.memory_space<vmem>> -> memref<2048xi32, #tpu.memory_space<vmem>>
    %dma_wait3A_218 = tpu.memref_slice %arg4[%add3A_109] : memref<983040xi32, #tpu.memory_space<hbm>> -> memref<2048xi32, #tpu.memory_space<hbm>>
    tpu.wait_dma2 semaphore(%arg13 : memref<!tpu.dma_semaphore, #tpu.memory_space<semaphore_mem>>) src(%dma_wait3A_218 : memref<2048xi32, #tpu.memory_space<hbm>>) dst(%dma_wait3A_217 : memref<2048xi32, #tpu.memory_space<vmem>>)
    %dma_wait3A_219 = arith.constant 26624 : i32
    %dma_wait3A_220 = tpu.memref_slice %arg11[%dma_wait3A_219] : memref<30720xi32, #tpu.memory_space<vmem>> -> memref<2048xi32, #tpu.memory_space<vmem>>
    %dma_wait3A_221 = tpu.memref_slice %arg4[%add3A_117] : memref<983040xi32, #tpu.memory_space<hbm>> -> memref<2048xi32, #tpu.memory_space<hbm>>
    %dma_wait3A_222 = arith.constant 26624 : i32
    %dma_wait3A_223 = tpu.memref_slice %arg11[%dma_wait3A_222] : memref<30720xi32, #tpu.memory_space<vmem>> -> memref<2048xi32, #tpu.memory_space<vmem>>
    %dma_wait3A_224 = tpu.memref_slice %arg4[%add3A_117] : memref<983040xi32, #tpu.memory_space<hbm>> -> memref<2048xi32, #tpu.memory_space<hbm>>
    tpu.wait_dma2 semaphore(%arg13 : memref<!tpu.dma_semaphore, #tpu.memory_space<semaphore_mem>>) src(%dma_wait3A_224 : memref<2048xi32, #tpu.memory_space<hbm>>) dst(%dma_wait3A_223 : memref<2048xi32, #tpu.memory_space<vmem>>)
    %dma_wait3A_225 = arith.constant 28672 : i32
    %dma_wait3A_226 = tpu.memref_slice %arg11[%dma_wait3A_225] : memref<30720xi32, #tpu.memory_space<vmem>> -> memref<2048xi32, #tpu.memory_space<vmem>>
    %dma_wait3A_227 = tpu.memref_slice %arg4[%add3A_125] : memref<983040xi32, #tpu.memory_space<hbm>> -> memref<2048xi32, #tpu.memory_space<hbm>>
    %dma_wait3A_228 = arith.constant 28672 : i32
    %dma_wait3A_229 = tpu.memref_slice %arg11[%dma_wait3A_228] : memref<30720xi32, #tpu.memory_space<vmem>> -> memref<2048xi32, #tpu.memory_space<vmem>>
    %dma_wait3A_230 = tpu.memref_slice %arg4[%add3A_125] : memref<983040xi32, #tpu.memory_space<hbm>> -> memref<2048xi32, #tpu.memory_space<hbm>>
    tpu.wait_dma2 semaphore(%arg13 : memref<!tpu.dma_semaphore, #tpu.memory_space<semaphore_mem>>) src(%dma_wait3A_230 : memref<2048xi32, #tpu.memory_space<hbm>>) dst(%dma_wait3A_229 : memref<2048xi32, #tpu.memory_space<vmem>>)
    %scan3A = arith.constant 0 : i32
    %scan3A_231 = arith.constant 0 : i32
    %scan3A_232 = arith.constant 128 : i32
    %scan3A_233 = arith.addi %scan3A_231, %scan3A_232 : i32
    %scan3A_234 = arith.constant 1 : i32
    scf.for %scan3A_272 = %scan3A_231 to %scan3A_233 step %scan3A_234  : i32 {
      %mul3A_273 = arith.constant 16 : i32
      %mul3A_274 = arith.muli %scan3A_272, %mul3A_273 : i32
      %multiple_of3A = tpu.assume_multiple %mul3A_274, 16 : i32
      %add3A_275 = arith.constant 0 : i32
      %add3A_276 = arith.addi %add3A_275, %multiple_of3A : i32
      %get3A = arith.index_cast %add3A_276 : i32 to index
      %get3A_277 = tpu.vector_load %arg11[%get3A] {strides = array<i32>} : memref<30720xi32, #tpu.memory_space<vmem>>, vector<16xi32>,
      %mul3A_278 = arith.constant 17 : i32
      %mul3A_279 = vector.broadcast %mul3A_278 : i32 to vector<16xi32>
      %mul3A_280 = arith.muli %get3A_277, %mul3A_279 : vector<16xi32>
      %add3A_281 = arith.constant 2048 : i32
      %add3A_282 = arith.addi %add3A_281, %multiple_of3A : i32
      %get3A_283 = arith.index_cast %add3A_282 : i32 to index
      %get3A_284 = tpu.vector_load %arg11[%get3A_283] {strides = array<i32>} : memref<30720xi32, #tpu.memory_space<vmem>>, vector<16xi32>,
      %mul3A_285 = arith.constant 17 : i32
      %mul3A_286 = vector.broadcast %mul3A_285 : i32 to vector<16xi32>
      %mul3A_287 = arith.muli %get3A_284, %mul3A_286 : vector<16xi32>
      %add3A_288 = arith.constant 4096 : i32
      %add3A_289 = arith.addi %add3A_288, %multiple_of3A : i32
      %get3A_290 = arith.index_cast %add3A_289 : i32 to index
      %get3A_291 = tpu.vector_load %arg11[%get3A_290] {strides = array<i32>} : memref<30720xi32, #tpu.memory_space<vmem>>, vector<16xi32>,
      %mul3A_292 = arith.constant 17 : i32
      %mul3A_293 = vector.broadcast %mul3A_292 : i32 to vector<16xi32>
      %mul3A_294 = arith.muli %get3A_291, %mul3A_293 : vector<16xi32>
      %add3A_295 = arith.constant 6144 : i32
      %add3A_296 = arith.addi %add3A_295, %multiple_of3A : i32
      %get3A_297 = arith.index_cast %add3A_296 : i32 to index
      %get3A_298 = tpu.vector_load %arg11[%get3A_297] {strides = array<i32>} : memref<30720xi32, #tpu.memory_space<vmem>>, vector<16xi32>,
      %mul3A_299 = arith.constant 17 : i32
      %mul3A_300 = vector.broadcast %mul3A_299 : i32 to vector<16xi32>
      %mul3A_301 = arith.muli %get3A_298, %mul3A_300 : vector<16xi32>
      %add3A_302 = arith.constant 8192 : i32
      %add3A_303 = arith.addi %add3A_302, %multiple_of3A : i32
      %get3A_304 = arith.index_cast %add3A_303 : i32 to index
      %get3A_305 = tpu.vector_load %arg11[%get3A_304] {strides = array<i32>} : memref<30720xi32, #tpu.memory_space<vmem>>, vector<16xi32>,
      %mul3A_306 = arith.constant 17 : i32
      %mul3A_307 = vector.broadcast %mul3A_306 : i32 to vector<16xi32>
      %mul3A_308 = arith.muli %get3A_305, %mul3A_307 : vector<16xi32>
      %add3A_309 = arith.constant 10240 : i32
      %add3A_310 = arith.addi %add3A_309, %multiple_of3A : i32
      %get3A_311 = arith.index_cast %add3A_310 : i32 to index
      %get3A_312 = tpu.vector_load %arg11[%get3A_311] {strides = array<i32>} : memref<30720xi32, #tpu.memory_space<vmem>>, vector<16xi32>,
      %mul3A_313 = arith.constant 17 : i32
      %mul3A_314 = vector.broadcast %mul3A_313 : i32 to vector<16xi32>
      %mul3A_315 = arith.muli %get3A_312, %mul3A_314 : vector<16xi32>
      %broadcast_in_dim3A = arith.constant 0 : i32
      %broadcast_in_dim3A_316 = vector.broadcast %broadcast_in_dim3A : i32 to vector<16xi32>
      %add3A_317 = arith.addi %mul3A_280, %broadcast_in_dim3A_316 : vector<16xi32>
      %gather3A = tpu.vector_load_idx %arg7[%add3A_317] : memref<26248xi32, #tpu.memory_space<vmem>>[vector<16xi32>], vector<16xi32>,
      %bitcast3A = vector.bitcast %gather3A : vector<16xi32> to vector<32xbf16>
      %add3A_318 = arith.addi %mul3A_287, %broadcast_in_dim3A_316 : vector<16xi32>
      %gather3A_319 = tpu.vector_load_idx %arg7[%add3A_318] : memref<26248xi32, #tpu.memory_space<vmem>>[vector<16xi32>], vector<16xi32>,
      %bitcast3A_320 = vector.bitcast %gather3A_319 : vector<16xi32> to vector<32xbf16>
      %add3A_321 = arith.addf %bitcast3A, %bitcast3A_320 : vector<32xbf16>
      %add3A_322 = arith.addi %mul3A_294, %broadcast_in_dim3A_316 : vector<16xi32>
      %gather3A_323 = tpu.vector_load_idx %arg7[%add3A_322] : memref<26248xi32, #tpu.memory_space<vmem>>[vector<16xi32>], vector<16xi32>,
      %bitcast3A_324 = vector.bitcast %gather3A_323 : vector<16xi32> to vector<32xbf16>
      %add3A_325 = arith.addi %mul3A_301, %broadcast_in_dim3A_316 : vector<16xi32>
      %gather3A_326 = tpu.vector_load_idx %arg8[%add3A_325] : memref<26248xi32, #tpu.memory_space<vmem>>[vector<16xi32>], vector<16xi32>,
      %bitcast3A_327 = vector.bitcast %gather3A_326 : vector<16xi32> to vector<32xbf16>
      %add3A_328 = arith.addf %bitcast3A_324, %bitcast3A_327 : vector<32xbf16>
      %add3A_329 = arith.addi %mul3A_308, %broadcast_in_dim3A_316 : vector<16xi32>
      %gather3A_330 = tpu.vector_load_idx %arg8[%add3A_329] : memref<26248xi32, #tpu.memory_space<vmem>>[vector<16xi32>], vector<16xi32>,
      %bitcast3A_331 = vector.bitcast %gather3A_330 : vector<16xi32> to vector<32xbf16>
      %add3A_332 = arith.addi %mul3A_315, %broadcast_in_dim3A_316 : vector<16xi32>
      %gather3A_333 = tpu.vector_load_idx %arg8[%add3A_332] : memref<26248xi32, #tpu.memory_space<vmem>>[vector<16xi32>], vector<16xi32>,
      %bitcast3A_334 = vector.bitcast %gather3A_333 : vector<16xi32> to vector<32xbf16>
      %add3A_335 = arith.addf %bitcast3A_331, %bitcast3A_334 : vector<32xbf16>
      %add3A_336 = arith.addf %add3A_321, %add3A_328 : vector<32xbf16>
      %add3A_337 = arith.addf %add3A_336, %add3A_335 : vector<32xbf16>
      %bitcast3A_338 = vector.bitcast %add3A_337 : vector<32xbf16> to vector<16xi32>
      %swap3A = arith.constant 0 : i32
      %swap3A_339 = arith.index_cast %swap3A : i32 to index
      %swap3A_340 = arith.index_cast %multiple_of3A : i32 to index
      %swap3A_341 = tpu.vector_load %arg10[%swap3A_339, %swap3A_340] {strides = array<i32>} : memref<16x2048xi32, #tpu.memory_space<vmem>>, vector<16xi32>,
      tpu.vector_store %arg10[%swap3A_339, %swap3A_340], %bitcast3A_338 {strides = array<i32>} : memref<16x2048xi32, #tpu.memory_space<vmem>>, vector<16xi32>,
      %broadcast_in_dim3A_342 = arith.constant 1 : i32
      %broadcast_in_dim3A_343 = vector.broadcast %broadcast_in_dim3A_342 : i32 to vector<16xi32>
      %add3A_344 = arith.addi %mul3A_280, %broadcast_in_dim3A_343 : vector<16xi32>
      %gather3A_345 = tpu.vector_load_idx %arg7[%add3A_344] : memref<26248xi32, #tpu.memory_space<vmem>>[vector<16xi32>], vector<16xi32>,
      %bitcast3A_346 = vector.bitcast %gather3A_345 : vector<16xi32> to vector<32xbf16>
      %add3A_347 = arith.addi %mul3A_287, %broadcast_in_dim3A_343 : vector<16xi32>
      %gather3A_348 = tpu.vector_load_idx %arg7[%add3A_347] : memref<26248xi32, #tpu.memory_space<vmem>>[vector<16xi32>], vector<16xi32>,
      %bitcast3A_349 = vector.bitcast %gather3A_348 : vector<16xi32> to vector<32xbf16>
      %add3A_350 = arith.addf %bitcast3A_346, %bitcast3A_349 : vector<32xbf16>
      %add3A_351 = arith.addi %mul3A_294, %broadcast_in_dim3A_343 : vector<16xi32>
      %gather3A_352 = tpu.vector_load_idx %arg7[%add3A_351] : memref<26248xi32, #tpu.memory_space<vmem>>[vector<16xi32>], vector<16xi32>,
      %bitcast3A_353 = vector.bitcast %gather3A_352 : vector<16xi32> to vector<32xbf16>
      %add3A_354 = arith.addi %mul3A_301, %broadcast_in_dim3A_343 : vector<16xi32>
      %gather3A_355 = tpu.vector_load_idx %arg8[%add3A_354] : memref<26248xi32, #tpu.memory_space<vmem>>[vector<16xi32>], vector<16xi32>,
      %bitcast3A_356 = vector.bitcast %gather3A_355 : vector<16xi32> to vector<32xbf16>
      %add3A_357 = arith.addf %bitcast3A_353, %bitcast3A_356 : vector<32xbf16>
      %add3A_358 = arith.addi %mul3A_308, %broadcast_in_dim3A_343 : vector<16xi32>
      %gather3A_359 = tpu.vector_load_idx %arg8[%add3A_358] : memref<26248xi32, #tpu.memory_space<vmem>>[vector<16xi32>], vector<16xi32>,
      %bitcast3A_360 = vector.bitcast %gather3A_359 : vector<16xi32> to vector<32xbf16>
      %add3A_361 = arith.addi %mul3A_315, %broadcast_in_dim3A_343 : vector<16xi32>
      %gather3A_362 = tpu.vector_load_idx %arg8[%add3A_361] : memref<26248xi32, #tpu.memory_space<vmem>>[vector<16xi32>], vector<16xi32>,
      %bitcast3A_363 = vector.bitcast %gather3A_362 : vector<16xi32> to vector<32xbf16>
      %add3A_364 = arith.addf %bitcast3A_360, %bitcast3A_363 : vector<32xbf16>
      %add3A_365 = arith.addf %add3A_350, %add3A_357 : vector<32xbf16>
      %add3A_366 = arith.addf %add3A_365, %add3A_364 : vector<32xbf16>
      %bitcast3A_367 = vector.bitcast %add3A_366 : vector<32xbf16> to vector<16xi32>
      %swap3A_368 = arith.constant 1 : i32
      %swap3A_369 = arith.index_cast %swap3A_368 : i32 to index
      %swap3A_370 = arith.index_cast %multiple_of3A : i32 to index
      %swap3A_371 = tpu.vector_load %arg10[%swap3A_369, %swap3A_370] {strides = array<i32>} : memref<16x2048xi32, #tpu.memory_space<vmem>>, vector<16xi32>,
      tpu.vector_store %arg10[%swap3A_369, %swap3A_370], %bitcast3A_367 {strides = array<i32>} : memref<16x2048xi32, #tpu.memory_space<vmem>>, vector<16xi32>,
      %broadcast_in_dim3A_372 = arith.constant 2 : i32
      %broadcast_in_dim3A_373 = vector.broadcast %broadcast_in_dim3A_372 : i32 to vector<16xi32>
      %add3A_374 = arith.addi %mul3A_280, %broadcast_in_dim3A_373 : vector<16xi32>
      %gather3A_375 = tpu.vector_load_idx %arg7[%add3A_374] : memref<26248xi32, #tpu.memory_space<vmem>>[vector<16xi32>], vector<16xi32>,
      %bitcast3A_376 = vector.bitcast %gather3A_375 : vector<16xi32> to vector<32xbf16>
      %add3A_377 = arith.addi %mul3A_287, %broadcast_in_dim3A_373 : vector<16xi32>
      %gather3A_378 = tpu.vector_load_idx %arg7[%add3A_377] : memref<26248xi32, #tpu.memory_space<vmem>>[vector<16xi32>], vector<16xi32>,
      %bitcast3A_379 = vector.bitcast %gather3A_378 : vector<16xi32> to vector<32xbf16>
      %add3A_380 = arith.addf %bitcast3A_376, %bitcast3A_379 : vector<32xbf16>
      %add3A_381 = arith.addi %mul3A_294, %broadcast_in_dim3A_373 : vector<16xi32>
      %gather3A_382 = tpu.vector_load_idx %arg7[%add3A_381] : memref<26248xi32, #tpu.memory_space<vmem>>[vector<16xi32>], vector<16xi32>,
      %bitcast3A_383 = vector.bitcast %gather3A_382 : vector<16xi32> to vector<32xbf16>
      %add3A_384 = arith.addi %mul3A_301, %broadcast_in_dim3A_373 : vector<16xi32>
      %gather3A_385 = tpu.vector_load_idx %arg8[%add3A_384] : memref<26248xi32, #tpu.memory_space<vmem>>[vector<16xi32>], vector<16xi32>,
      %bitcast3A_386 = vector.bitcast %gather3A_385 : vector<16xi32> to vector<32xbf16>
      %add3A_387 = arith.addf %bitcast3A_383, %bitcast3A_386 : vector<32xbf16>
      %add3A_388 = arith.addi %mul3A_308, %broadcast_in_dim3A_373 : vector<16xi32>
      %gather3A_389 = tpu.vector_load_idx %arg8[%add3A_388] : memref<26248xi32, #tpu.memory_space<vmem>>[vector<16xi32>], vector<16xi32>,
      %bitcast3A_390 = vector.bitcast %gather3A_389 : vector<16xi32> to vector<32xbf16>
      %add3A_391 = arith.addi %mul3A_315, %broadcast_in_dim3A_373 : vector<16xi32>
      %gather3A_392 = tpu.vector_load_idx %arg8[%add3A_391] : memref<26248xi32, #tpu.memory_space<vmem>>[vector<16xi32>], vector<16xi32>,
      %bitcast3A_393 = vector.bitcast %gather3A_392 : vector<16xi32> to vector<32xbf16>
      %add3A_394 = arith.addf %bitcast3A_390, %bitcast3A_393 : vector<32xbf16>
      %add3A_395 = arith.addf %add3A_380, %add3A_387 : vector<32xbf16>
      %add3A_396 = arith.addf %add3A_395, %add3A_394 : vector<32xbf16>
      %bitcast3A_397 = vector.bitcast %add3A_396 : vector<32xbf16> to vector<16xi32>
      %swap3A_398 = arith.constant 2 : i32
      %swap3A_399 = arith.index_cast %swap3A_398 : i32 to index
      %swap3A_400 = arith.index_cast %multiple_of3A : i32 to index
      %swap3A_401 = tpu.vector_load %arg10[%swap3A_399, %swap3A_400] {strides = array<i32>} : memref<16x2048xi32, #tpu.memory_space<vmem>>, vector<16xi32>,
      tpu.vector_store %arg10[%swap3A_399, %swap3A_400], %bitcast3A_397 {strides = array<i32>} : memref<16x2048xi32, #tpu.memory_space<vmem>>, vector<16xi32>,
      %broadcast_in_dim3A_402 = arith.constant 3 : i32
      %broadcast_in_dim3A_403 = vector.broadcast %broadcast_in_dim3A_402 : i32 to vector<16xi32>
      %add3A_404 = arith.addi %mul3A_280, %broadcast_in_dim3A_403 : vector<16xi32>
      %gather3A_405 = tpu.vector_load_idx %arg7[%add3A_404] : memref<26248xi32, #tpu.memory_space<vmem>>[vector<16xi32>], vector<16xi32>,
      %bitcast3A_406 = vector.bitcast %gather3A_405 : vector<16xi32> to vector<32xbf16>
      %add3A_407 = arith.addi %mul3A_287, %broadcast_in_dim3A_403 : vector<16xi32>
      %gather3A_408 = tpu.vector_load_idx %arg7[%add3A_407] : memref<26248xi32, #tpu.memory_space<vmem>>[vector<16xi32>], vector<16xi32>,
      %bitcast3A_409 = vector.bitcast %gather3A_408 : vector<16xi32> to vector<32xbf16>
      %add3A_410 = arith.addf %bitcast3A_406, %bitcast3A_409 : vector<32xbf16>
      %add3A_411 = arith.addi %mul3A_294, %broadcast_in_dim3A_403 : vector<16xi32>
      %gather3A_412 = tpu.vector_load_idx %arg7[%add3A_411] : memref<26248xi32, #tpu.memory_space<vmem>>[vector<16xi32>], vector<16xi32>,
      %bitcast3A_413 = vector.bitcast %gather3A_412 : vector<16xi32> to vector<32xbf16>
      %add3A_414 = arith.addi %mul3A_301, %broadcast_in_dim3A_403 : vector<16xi32>
      %gather3A_415 = tpu.vector_load_idx %arg8[%add3A_414] : memref<26248xi32, #tpu.memory_space<vmem>>[vector<16xi32>], vector<16xi32>,
      %bitcast3A_416 = vector.bitcast %gather3A_415 : vector<16xi32> to vector<32xbf16>
      %add3A_417 = arith.addf %bitcast3A_413, %bitcast3A_416 : vector<32xbf16>
      %add3A_418 = arith.addi %mul3A_308, %broadcast_in_dim3A_403 : vector<16xi32>
      %gather3A_419 = tpu.vector_load_idx %arg8[%add3A_418] : memref<26248xi32, #tpu.memory_space<vmem>>[vector<16xi32>], vector<16xi32>,
      %bitcast3A_420 = vector.bitcast %gather3A_419 : vector<16xi32> to vector<32xbf16>
      %add3A_421 = arith.addi %mul3A_315, %broadcast_in_dim3A_403 : vector<16xi32>
      %gather3A_422 = tpu.vector_load_idx %arg8[%add3A_421] : memref<26248xi32, #tpu.memory_space<vmem>>[vector<16xi32>], vector<16xi32>,
      %bitcast3A_423 = vector.bitcast %gather3A_422 : vector<16xi32> to vector<32xbf16>
      %add3A_424 = arith.addf %bitcast3A_420, %bitcast3A_423 : vector<32xbf16>
      %add3A_425 = arith.addf %add3A_410, %add3A_417 : vector<32xbf16>
      %add3A_426 = arith.addf %add3A_425, %add3A_424 : vector<32xbf16>
      %bitcast3A_427 = vector.bitcast %add3A_426 : vector<32xbf16> to vector<16xi32>
      %swap3A_428 = arith.constant 3 : i32
      %swap3A_429 = arith.index_cast %swap3A_428 : i32 to index
      %swap3A_430 = arith.index_cast %multiple_of3A : i32 to index
      %swap3A_431 = tpu.vector_load %arg10[%swap3A_429, %swap3A_430] {strides = array<i32>} : memref<16x2048xi32, #tpu.memory_space<vmem>>, vector<16xi32>,
      tpu.vector_store %arg10[%swap3A_429, %swap3A_430], %bitcast3A_427 {strides = array<i32>} : memref<16x2048xi32, #tpu.memory_space<vmem>>, vector<16xi32>,
      %broadcast_in_dim3A_432 = arith.constant 4 : i32
      %broadcast_in_dim3A_433 = vector.broadcast %broadcast_in_dim3A_432 : i32 to vector<16xi32>
      %add3A_434 = arith.addi %mul3A_280, %broadcast_in_dim3A_433 : vector<16xi32>
      %gather3A_435 = tpu.vector_load_idx %arg7[%add3A_434] : memref<26248xi32, #tpu.memory_space<vmem>>[vector<16xi32>], vector<16xi32>,
      %bitcast3A_436 = vector.bitcast %gather3A_435 : vector<16xi32> to vector<32xbf16>
      %add3A_437 = arith.addi %mul3A_287, %broadcast_in_dim3A_433 : vector<16xi32>
      %gather3A_438 = tpu.vector_load_idx %arg7[%add3A_437] : memref<26248xi32, #tpu.memory_space<vmem>>[vector<16xi32>], vector<16xi32>,
      %bitcast3A_439 = vector.bitcast %gather3A_438 : vector<16xi32> to vector<32xbf16>
      %add3A_440 = arith.addf %bitcast3A_436, %bitcast3A_439 : vector<32xbf16>
      %add3A_441 = arith.addi %mul3A_294, %broadcast_in_dim3A_433 : vector<16xi32>
      %gather3A_442 = tpu.vector_load_idx %arg7[%add3A_441] : memref<26248xi32, #tpu.memory_space<vmem>>[vector<16xi32>], vector<16xi32>,
      %bitcast3A_443 = vector.bitcast %gather3A_442 : vector<16xi32> to vector<32xbf16>
      %add3A_444 = arith.addi %mul3A_301, %broadcast_in_dim3A_433 : vector<16xi32>
      %gather3A_445 = tpu.vector_load_idx %arg8[%add3A_444] : memref<26248xi32, #tpu.memory_space<vmem>>[vector<16xi32>], vector<16xi32>,
      %bitcast3A_446 = vector.bitcast %gather3A_445 : vector<16xi32> to vector<32xbf16>
      %add3A_447 = arith.addf %bitcast3A_443, %bitcast3A_446 : vector<32xbf16>
      %add3A_448 = arith.addi %mul3A_308, %broadcast_in_dim3A_433 : vector<16xi32>
      %gather3A_449 = tpu.vector_load_idx %arg8[%add3A_448] : memref<26248xi32, #tpu.memory_space<vmem>>[vector<16xi32>], vector<16xi32>,
      %bitcast3A_450 = vector.bitcast %gather3A_449 : vector<16xi32> to vector<32xbf16>
      %add3A_451 = arith.addi %mul3A_315, %broadcast_in_dim3A_433 : vector<16xi32>
      %gather3A_452 = tpu.vector_load_idx %arg8[%add3A_451] : memref<26248xi32, #tpu.memory_space<vmem>>[vector<16xi32>], vector<16xi32>,
      %bitcast3A_453 = vector.bitcast %gather3A_452 : vector<16xi32> to vector<32xbf16>
      %add3A_454 = arith.addf %bitcast3A_450, %bitcast3A_453 : vector<32xbf16>
      %add3A_455 = arith.addf %add3A_440, %add3A_447 : vector<32xbf16>
      %add3A_456 = arith.addf %add3A_455, %add3A_454 : vector<32xbf16>
      %bitcast3A_457 = vector.bitcast %add3A_456 : vector<32xbf16> to vector<16xi32>
      %swap3A_458 = arith.constant 4 : i32
      %swap3A_459 = arith.index_cast %swap3A_458 : i32 to index
      %swap3A_460 = arith.index_cast %multiple_of3A : i32 to index
      %swap3A_461 = tpu.vector_load %arg10[%swap3A_459, %swap3A_460] {strides = array<i32>} : memref<16x2048xi32, #tpu.memory_space<vmem>>, vector<16xi32>,
      tpu.vector_store %arg10[%swap3A_459, %swap3A_460], %bitcast3A_457 {strides = array<i32>} : memref<16x2048xi32, #tpu.memory_space<vmem>>, vector<16xi32>,
      %broadcast_in_dim3A_462 = arith.constant 5 : i32
      %broadcast_in_dim3A_463 = vector.broadcast %broadcast_in_dim3A_462 : i32 to vector<16xi32>
      %add3A_464 = arith.addi %mul3A_280, %broadcast_in_dim3A_463 : vector<16xi32>
      %gather3A_465 = tpu.vector_load_idx %arg7[%add3A_464] : memref<26248xi32, #tpu.memory_space<vmem>>[vector<16xi32>], vector<16xi32>,
      %bitcast3A_466 = vector.bitcast %gather3A_465 : vector<16xi32> to vector<32xbf16>
      %add3A_467 = arith.addi %mul3A_287, %broadcast_in_dim3A_463 : vector<16xi32>
      %gather3A_468 = tpu.vector_load_idx %arg7[%add3A_467] : memref<26248xi32, #tpu.memory_space<vmem>>[vector<16xi32>], vector<16xi32>,
      %bitcast3A_469 = vector.bitcast %gather3A_468 : vector<16xi32> to vector<32xbf16>
      %add3A_470 = arith.addf %bitcast3A_466, %bitcast3A_469 : vector<32xbf16>
      %add3A_471 = arith.addi %mul3A_294, %broadcast_in_dim3A_463 : vector<16xi32>
      %gather3A_472 = tpu.vector_load_idx %arg7[%add3A_471] : memref<26248xi32, #tpu.memory_space<vmem>>[vector<16xi32>], vector<16xi32>,
      %bitcast3A_473 = vector.bitcast %gather3A_472 : vector<16xi32> to vector<32xbf16>
      %add3A_474 = arith.addi %mul3A_301, %broadcast_in_dim3A_463 : vector<16xi32>
      %gather3A_475 = tpu.vector_load_idx %arg8[%add3A_474] : memref<26248xi32, #tpu.memory_space<vmem>>[vector<16xi32>], vector<16xi32>,
      %bitcast3A_476 = vector.bitcast %gather3A_475 : vector<16xi32> to vector<32xbf16>
      %add3A_477 = arith.addf %bitcast3A_473, %bitcast3A_476 : vector<32xbf16>
      %add3A_478 = arith.addi %mul3A_308, %broadcast_in_dim3A_463 : vector<16xi32>
      %gather3A_479 = tpu.vector_load_idx %arg8[%add3A_478] : memref<26248xi32, #tpu.memory_space<vmem>>[vector<16xi32>], vector<16xi32>,
      %bitcast3A_480 = vector.bitcast %gather3A_479 : vector<16xi32> to vector<32xbf16>
      %add3A_481 = arith.addi %mul3A_315, %broadcast_in_dim3A_463 : vector<16xi32>
      %gather3A_482 = tpu.vector_load_idx %arg8[%add3A_481] : memref<26248xi32, #tpu.memory_space<vmem>>[vector<16xi32>], vector<16xi32>,
      %bitcast3A_483 = vector.bitcast %gather3A_482 : vector<16xi32> to vector<32xbf16>
      %add3A_484 = arith.addf %bitcast3A_480, %bitcast3A_483 : vector<32xbf16>
      %add3A_485 = arith.addf %add3A_470, %add3A_477 : vector<32xbf16>
      %add3A_486 = arith.addf %add3A_485, %add3A_484 : vector<32xbf16>
      %bitcast3A_487 = vector.bitcast %add3A_486 : vector<32xbf16> to vector<16xi32>
      %swap3A_488 = arith.constant 5 : i32
      %swap3A_489 = arith.index_cast %swap3A_488 : i32 to index
      %swap3A_490 = arith.index_cast %multiple_of3A : i32 to index
      %swap3A_491 = tpu.vector_load %arg10[%swap3A_489, %swap3A_490] {strides = array<i32>} : memref<16x2048xi32, #tpu.memory_space<vmem>>, vector<16xi32>,
      tpu.vector_store %arg10[%swap3A_489, %swap3A_490], %bitcast3A_487 {strides = array<i32>} : memref<16x2048xi32, #tpu.memory_space<vmem>>, vector<16xi32>,
      %broadcast_in_dim3A_492 = arith.constant 6 : i32
      %broadcast_in_dim3A_493 = vector.broadcast %broadcast_in_dim3A_492 : i32 to vector<16xi32>
      %add3A_494 = arith.addi %mul3A_280, %broadcast_in_dim3A_493 : vector<16xi32>
      %gather3A_495 = tpu.vector_load_idx %arg7[%add3A_494] : memref<26248xi32, #tpu.memory_space<vmem>>[vector<16xi32>], vector<16xi32>,
      %bitcast3A_496 = vector.bitcast %gather3A_495 : vector<16xi32> to vector<32xbf16>
      %add3A_497 = arith.addi %mul3A_287, %broadcast_in_dim3A_493 : vector<16xi32>
      %gather3A_498 = tpu.vector_load_idx %arg7[%add3A_497] : memref<26248xi32, #tpu.memory_space<vmem>>[vector<16xi32>], vector<16xi32>,
      %bitcast3A_499 = vector.bitcast %gather3A_498 : vector<16xi32> to vector<32xbf16>
      %add3A_500 = arith.addf %bitcast3A_496, %bitcast3A_499 : vector<32xbf16>
      %add3A_501 = arith.addi %mul3A_294, %broadcast_in_dim3A_493 : vector<16xi32>
      %gather3A_502 = tpu.vector_load_idx %arg7[%add3A_501] : memref<26248xi32, #tpu.memory_space<vmem>>[vector<16xi32>], vector<16xi32>,
      %bitcast3A_503 = vector.bitcast %gather3A_502 : vector<16xi32> to vector<32xbf16>
      %add3A_504 = arith.addi %mul3A_301, %broadcast_in_dim3A_493 : vector<16xi32>
      %gather3A_505 = tpu.vector_load_idx %arg8[%add3A_504] : memref<26248xi32, #tpu.memory_space<vmem>>[vector<16xi32>], vector<16xi32>,
      %bitcast3A_506 = vector.bitcast %gather3A_505 : vector<16xi32> to vector<32xbf16>
      %add3A_507 = arith.addf %bitcast3A_503, %bitcast3A_506 : vector<32xbf16>
      %add3A_508 = arith.addi %mul3A_308, %broadcast_in_dim3A_493 : vector<16xi32>
      %gather3A_509 = tpu.vector_load_idx %arg8[%add3A_508] : memref<26248xi32, #tpu.memory_space<vmem>>[vector<16xi32>], vector<16xi32>,
      %bitcast3A_510 = vector.bitcast %gather3A_509 : vector<16xi32> to vector<32xbf16>
      %add3A_511 = arith.addi %mul3A_315, %broadcast_in_dim3A_493 : vector<16xi32>
      %gather3A_512 = tpu.vector_load_idx %arg8[%add3A_511] : memref<26248xi32, #tpu.memory_space<vmem>>[vector<16xi32>], vector<16xi32>,
      %bitcast3A_513 = vector.bitcast %gather3A_512 : vector<16xi32> to vector<32xbf16>
      %add3A_514 = arith.addf %bitcast3A_510, %bitcast3A_513 : vector<32xbf16>
      %add3A_515 = arith.addf %add3A_500, %add3A_507 : vector<32xbf16>
      %add3A_516 = arith.addf %add3A_515, %add3A_514 : vector<32xbf16>
      %bitcast3A_517 = vector.bitcast %add3A_516 : vector<32xbf16> to vector<16xi32>
      %swap3A_518 = arith.constant 6 : i32
      %swap3A_519 = arith.index_cast %swap3A_518 : i32 to index
      %swap3A_520 = arith.index_cast %multiple_of3A : i32 to index
      %swap3A_521 = tpu.vector_load %arg10[%swap3A_519, %swap3A_520] {strides = array<i32>} : memref<16x2048xi32, #tpu.memory_space<vmem>>, vector<16xi32>,
      tpu.vector_store %arg10[%swap3A_519, %swap3A_520], %bitcast3A_517 {strides = array<i32>} : memref<16x2048xi32, #tpu.memory_space<vmem>>, vector<16xi32>,
      %broadcast_in_dim3A_522 = arith.constant 7 : i32
      %broadcast_in_dim3A_523 = vector.broadcast %broadcast_in_dim3A_522 : i32 to vector<16xi32>
      %add3A_524 = arith.addi %mul3A_280, %broadcast_in_dim3A_523 : vector<16xi32>
      %gather3A_525 = tpu.vector_load_idx %arg7[%add3A_524] : memref<26248xi32, #tpu.memory_space<vmem>>[vector<16xi32>], vector<16xi32>,
      %bitcast3A_526 = vector.bitcast %gather3A_525 : vector<16xi32> to vector<32xbf16>
      %add3A_527 = arith.addi %mul3A_287, %broadcast_in_dim3A_523 : vector<16xi32>
      %gather3A_528 = tpu.vector_load_idx %arg7[%add3A_527] : memref<26248xi32, #tpu.memory_space<vmem>>[vector<16xi32>], vector<16xi32>,
      %bitcast3A_529 = vector.bitcast %gather3A_528 : vector<16xi32> to vector<32xbf16>
      %add3A_530 = arith.addf %bitcast3A_526, %bitcast3A_529 : vector<32xbf16>
      %add3A_531 = arith.addi %mul3A_294, %broadcast_in_dim3A_523 : vector<16xi32>
      %gather3A_532 = tpu.vector_load_idx %arg7[%add3A_531] : memref<26248xi32, #tpu.memory_space<vmem>>[vector<16xi32>], vector<16xi32>,
      %bitcast3A_533 = vector.bitcast %gather3A_532 : vector<16xi32> to vector<32xbf16>
      %add3A_534 = arith.addi %mul3A_301, %broadcast_in_dim3A_523 : vector<16xi32>
      %gather3A_535 = tpu.vector_load_idx %arg8[%add3A_534] : memref<26248xi32, #tpu.memory_space<vmem>>[vector<16xi32>], vector<16xi32>,
      %bitcast3A_536 = vector.bitcast %gather3A_535 : vector<16xi32> to vector<32xbf16>
      %add3A_537 = arith.addf %bitcast3A_533, %bitcast3A_536 : vector<32xbf16>
      %add3A_538 = arith.addi %mul3A_308, %broadcast_in_dim3A_523 : vector<16xi32>
      %gather3A_539 = tpu.vector_load_idx %arg8[%add3A_538] : memref<26248xi32, #tpu.memory_space<vmem>>[vector<16xi32>], vector<16xi32>,
      %bitcast3A_540 = vector.bitcast %gather3A_539 : vector<16xi32> to vector<32xbf16>
      %add3A_541 = arith.addi %mul3A_315, %broadcast_in_dim3A_523 : vector<16xi32>
      %gather3A_542 = tpu.vector_load_idx %arg8[%add3A_541] : memref<26248xi32, #tpu.memory_space<vmem>>[vector<16xi32>], vector<16xi32>,
      %bitcast3A_543 = vector.bitcast %gather3A_542 : vector<16xi32> to vector<32xbf16>
      %add3A_544 = arith.addf %bitcast3A_540, %bitcast3A_543 : vector<32xbf16>
      %add3A_545 = arith.addf %add3A_530, %add3A_537 : vector<32xbf16>
      %add3A_546 = arith.addf %add3A_545, %add3A_544 : vector<32xbf16>
      %bitcast3A_547 = vector.bitcast %add3A_546 : vector<32xbf16> to vector<16xi32>
      %swap3A_548 = arith.constant 7 : i32
      %swap3A_549 = arith.index_cast %swap3A_548 : i32 to index
      %swap3A_550 = arith.index_cast %multiple_of3A : i32 to index
      %swap3A_551 = tpu.vector_load %arg10[%swap3A_549, %swap3A_550] {strides = array<i32>} : memref<16x2048xi32, #tpu.memory_space<vmem>>, vector<16xi32>,
      tpu.vector_store %arg10[%swap3A_549, %swap3A_550], %bitcast3A_547 {strides = array<i32>} : memref<16x2048xi32, #tpu.memory_space<vmem>>, vector<16xi32>,
      %broadcast_in_dim3A_552 = arith.constant 8 : i32
      %broadcast_in_dim3A_553 = vector.broadcast %broadcast_in_dim3A_552 : i32 to vector<16xi32>
      %add3A_554 = arith.addi %mul3A_280, %broadcast_in_dim3A_553 : vector<16xi32>
      %gather3A_555 = tpu.vector_load_idx %arg7[%add3A_554] : memref<26248xi32, #tpu.memory_space<vmem>>[vector<16xi32>], vector<16xi32>,
      %bitcast3A_556 = vector.bitcast %gather3A_555 : vector<16xi32> to vector<32xbf16>
      %add3A_557 = arith.addi %mul3A_287, %broadcast_in_dim3A_553 : vector<16xi32>
      %gather3A_558 = tpu.vector_load_idx %arg7[%add3A_557] : memref<26248xi32, #tpu.memory_space<vmem>>[vector<16xi32>], vector<16xi32>,
      %bitcast3A_559 = vector.bitcast %gather3A_558 : vector<16xi32> to vector<32xbf16>
      %add3A_560 = arith.addf %bitcast3A_556, %bitcast3A_559 : vector<32xbf16>
      %add3A_561 = arith.addi %mul3A_294, %broadcast_in_dim3A_553 : vector<16xi32>
      %gather3A_562 = tpu.vector_load_idx %arg7[%add3A_561] : memref<26248xi32, #tpu.memory_space<vmem>>[vector<16xi32>], vector<16xi32>,
      %bitcast3A_563 = vector.bitcast %gather3A_562 : vector<16xi32> to vector<32xbf16>
      %add3A_564 = arith.addi %mul3A_301, %broadcast_in_dim3A_553 : vector<16xi32>
      %gather3A_565 = tpu.vector_load_idx %arg8[%add3A_564] : memref<26248xi32, #tpu.memory_space<vmem>>[vector<16xi32>], vector<16xi32>,
      %bitcast3A_566 = vector.bitcast %gather3A_565 : vector<16xi32> to vector<32xbf16>
      %add3A_567 = arith.addf %bitcast3A_563, %bitcast3A_566 : vector<32xbf16>
      %add3A_568 = arith.addi %mul3A_308, %broadcast_in_dim3A_553 : vector<16xi32>
      %gather3A_569 = tpu.vector_load_idx %arg8[%add3A_568] : memref<26248xi32, #tpu.memory_space<vmem>>[vector<16xi32>], vector<16xi32>,
      %bitcast3A_570 = vector.bitcast %gather3A_569 : vector<16xi32> to vector<32xbf16>
      %add3A_571 = arith.addi %mul3A_315, %broadcast_in_dim3A_553 : vector<16xi32>
      %gather3A_572 = tpu.vector_load_idx %arg8[%add3A_571] : memref<26248xi32, #tpu.memory_space<vmem>>[vector<16xi32>], vector<16xi32>,
      %bitcast3A_573 = vector.bitcast %gather3A_572 : vector<16xi32> to vector<32xbf16>
      %add3A_574 = arith.addf %bitcast3A_570, %bitcast3A_573 : vector<32xbf16>
      %add3A_575 = arith.addf %add3A_560, %add3A_567 : vector<32xbf16>
      %add3A_576 = arith.addf %add3A_575, %add3A_574 : vector<32xbf16>
      %bitcast3A_577 = vector.bitcast %add3A_576 : vector<32xbf16> to vector<16xi32>
      %swap3A_578 = arith.constant 8 : i32
      %swap3A_579 = arith.index_cast %swap3A_578 : i32 to index
      %swap3A_580 = arith.index_cast %multiple_of3A : i32 to index
      %swap3A_581 = tpu.vector_load %arg10[%swap3A_579, %swap3A_580] {strides = array<i32>} : memref<16x2048xi32, #tpu.memory_space<vmem>>, vector<16xi32>,
      tpu.vector_store %arg10[%swap3A_579, %swap3A_580], %bitcast3A_577 {strides = array<i32>} : memref<16x2048xi32, #tpu.memory_space<vmem>>, vector<16xi32>,
      %broadcast_in_dim3A_582 = arith.constant 9 : i32
      %broadcast_in_dim3A_583 = vector.broadcast %broadcast_in_dim3A_582 : i32 to vector<16xi32>
      %add3A_584 = arith.addi %mul3A_280, %broadcast_in_dim3A_583 : vector<16xi32>
      %gather3A_585 = tpu.vector_load_idx %arg7[%add3A_584] : memref<26248xi32, #tpu.memory_space<vmem>>[vector<16xi32>], vector<16xi32>,
      %bitcast3A_586 = vector.bitcast %gather3A_585 : vector<16xi32> to vector<32xbf16>
      %add3A_587 = arith.addi %mul3A_287, %broadcast_in_dim3A_583 : vector<16xi32>
      %gather3A_588 = tpu.vector_load_idx %arg7[%add3A_587] : memref<26248xi32, #tpu.memory_space<vmem>>[vector<16xi32>], vector<16xi32>,
      %bitcast3A_589 = vector.bitcast %gather3A_588 : vector<16xi32> to vector<32xbf16>
      %add3A_590 = arith.addf %bitcast3A_586, %bitcast3A_589 : vector<32xbf16>
      %add3A_591 = arith.addi %mul3A_294, %broadcast_in_dim3A_583 : vector<16xi32>
      %gather3A_592 = tpu.vector_load_idx %arg7[%add3A_591] : memref<26248xi32, #tpu.memory_space<vmem>>[vector<16xi32>], vector<16xi32>,
      %bitcast3A_593 = vector.bitcast %gather3A_592 : vector<16xi32> to vector<32xbf16>
      %add3A_594 = arith.addi %mul3A_301, %broadcast_in_dim3A_583 : vector<16xi32>
      %gather3A_595 = tpu.vector_load_idx %arg8[%add3A_594] : memref<26248xi32, #tpu.memory_space<vmem>>[vector<16xi32>], vector<16xi32>,
      %bitcast3A_596 = vector.bitcast %gather3A_595 : vector<16xi32> to vector<32xbf16>
      %add3A_597 = arith.addf %bitcast3A_593, %bitcast3A_596 : vector<32xbf16>
      %add3A_598 = arith.addi %mul3A_308, %broadcast_in_dim3A_583 : vector<16xi32>
      %gather3A_599 = tpu.vector_load_idx %arg8[%add3A_598] : memref<26248xi32, #tpu.memory_space<vmem>>[vector<16xi32>], vector<16xi32>,
      %bitcast3A_600 = vector.bitcast %gather3A_599 : vector<16xi32> to vector<32xbf16>
      %add3A_601 = arith.addi %mul3A_315, %broadcast_in_dim3A_583 : vector<16xi32>
      %gather3A_602 = tpu.vector_load_idx %arg8[%add3A_601] : memref<26248xi32, #tpu.memory_space<vmem>>[vector<16xi32>], vector<16xi32>,
      %bitcast3A_603 = vector.bitcast %gather3A_602 : vector<16xi32> to vector<32xbf16>
      %add3A_604 = arith.addf %bitcast3A_600, %bitcast3A_603 : vector<32xbf16>
      %add3A_605 = arith.addf %add3A_590, %add3A_597 : vector<32xbf16>
      %add3A_606 = arith.addf %add3A_605, %add3A_604 : vector<32xbf16>
      %bitcast3A_607 = vector.bitcast %add3A_606 : vector<32xbf16> to vector<16xi32>
      %swap3A_608 = arith.constant 9 : i32
      %swap3A_609 = arith.index_cast %swap3A_608 : i32 to index
      %swap3A_610 = arith.index_cast %multiple_of3A : i32 to index
      %swap3A_611 = tpu.vector_load %arg10[%swap3A_609, %swap3A_610] {strides = array<i32>} : memref<16x2048xi32, #tpu.memory_space<vmem>>, vector<16xi32>,
      tpu.vector_store %arg10[%swap3A_609, %swap3A_610], %bitcast3A_607 {strides = array<i32>} : memref<16x2048xi32, #tpu.memory_space<vmem>>, vector<16xi32>,
      %broadcast_in_dim3A_612 = arith.constant 10 : i32
      %broadcast_in_dim3A_613 = vector.broadcast %broadcast_in_dim3A_612 : i32 to vector<16xi32>
      %add3A_614 = arith.addi %mul3A_280, %broadcast_in_dim3A_613 : vector<16xi32>
      %gather3A_615 = tpu.vector_load_idx %arg7[%add3A_614] : memref<26248xi32, #tpu.memory_space<vmem>>[vector<16xi32>], vector<16xi32>,
      %bitcast3A_616 = vector.bitcast %gather3A_615 : vector<16xi32> to vector<32xbf16>
      %add3A_617 = arith.addi %mul3A_287, %broadcast_in_dim3A_613 : vector<16xi32>
      %gather3A_618 = tpu.vector_load_idx %arg7[%add3A_617] : memref<26248xi32, #tpu.memory_space<vmem>>[vector<16xi32>], vector<16xi32>,
      %bitcast3A_619 = vector.bitcast %gather3A_618 : vector<16xi32> to vector<32xbf16>
      %add3A_620 = arith.addf %bitcast3A_616, %bitcast3A_619 : vector<32xbf16>
      %add3A_621 = arith.addi %mul3A_294, %broadcast_in_dim3A_613 : vector<16xi32>
      %gather3A_622 = tpu.vector_load_idx %arg7[%add3A_621] : memref<26248xi32, #tpu.memory_space<vmem>>[vector<16xi32>], vector<16xi32>,
      %bitcast3A_623 = vector.bitcast %gather3A_622 : vector<16xi32> to vector<32xbf16>
      %add3A_624 = arith.addi %mul3A_301, %broadcast_in_dim3A_613 : vector<16xi32>
      %gather3A_625 = tpu.vector_load_idx %arg8[%add3A_624] : memref<26248xi32, #tpu.memory_space<vmem>>[vector<16xi32>], vector<16xi32>,
      %bitcast3A_626 = vector.bitcast %gather3A_625 : vector<16xi32> to vector<32xbf16>
      %add3A_627 = arith.addf %bitcast3A_623, %bitcast3A_626 : vector<32xbf16>
      %add3A_628 = arith.addi %mul3A_308, %broadcast_in_dim3A_613 : vector<16xi32>
      %gather3A_629 = tpu.vector_load_idx %arg8[%add3A_628] : memref<26248xi32, #tpu.memory_space<vmem>>[vector<16xi32>], vector<16xi32>,
      %bitcast3A_630 = vector.bitcast %gather3A_629 : vector<16xi32> to vector<32xbf16>
      %add3A_631 = arith.addi %mul3A_315, %broadcast_in_dim3A_613 : vector<16xi32>
      %gather3A_632 = tpu.vector_load_idx %arg8[%add3A_631] : memref<26248xi32, #tpu.memory_space<vmem>>[vector<16xi32>], vector<16xi32>,
      %bitcast3A_633 = vector.bitcast %gather3A_632 : vector<16xi32> to vector<32xbf16>
      %add3A_634 = arith.addf %bitcast3A_630, %bitcast3A_633 : vector<32xbf16>
      %add3A_635 = arith.addf %add3A_620, %add3A_627 : vector<32xbf16>
      %add3A_636 = arith.addf %add3A_635, %add3A_634 : vector<32xbf16>
      %bitcast3A_637 = vector.bitcast %add3A_636 : vector<32xbf16> to vector<16xi32>
      %swap3A_638 = arith.constant 10 : i32
      %swap3A_639 = arith.index_cast %swap3A_638 : i32 to index
      %swap3A_640 = arith.index_cast %multiple_of3A : i32 to index
      %swap3A_641 = tpu.vector_load %arg10[%swap3A_639, %swap3A_640] {strides = array<i32>} : memref<16x2048xi32, #tpu.memory_space<vmem>>, vector<16xi32>,
      tpu.vector_store %arg10[%swap3A_639, %swap3A_640], %bitcast3A_637 {strides = array<i32>} : memref<16x2048xi32, #tpu.memory_space<vmem>>, vector<16xi32>,
      %broadcast_in_dim3A_642 = arith.constant 11 : i32
      %broadcast_in_dim3A_643 = vector.broadcast %broadcast_in_dim3A_642 : i32 to vector<16xi32>
      %add3A_644 = arith.addi %mul3A_280, %broadcast_in_dim3A_643 : vector<16xi32>
      %gather3A_645 = tpu.vector_load_idx %arg7[%add3A_644] : memref<26248xi32, #tpu.memory_space<vmem>>[vector<16xi32>], vector<16xi32>,
      %bitcast3A_646 = vector.bitcast %gather3A_645 : vector<16xi32> to vector<32xbf16>
      %add3A_647 = arith.addi %mul3A_287, %broadcast_in_dim3A_643 : vector<16xi32>
      %gather3A_648 = tpu.vector_load_idx %arg7[%add3A_647] : memref<26248xi32, #tpu.memory_space<vmem>>[vector<16xi32>], vector<16xi32>,
      %bitcast3A_649 = vector.bitcast %gather3A_648 : vector<16xi32> to vector<32xbf16>
      %add3A_650 = arith.addf %bitcast3A_646, %bitcast3A_649 : vector<32xbf16>
      %add3A_651 = arith.addi %mul3A_294, %broadcast_in_dim3A_643 : vector<16xi32>
      %gather3A_652 = tpu.vector_load_idx %arg7[%add3A_651] : memref<26248xi32, #tpu.memory_space<vmem>>[vector<16xi32>], vector<16xi32>,
      %bitcast3A_653 = vector.bitcast %gather3A_652 : vector<16xi32> to vector<32xbf16>
      %add3A_654 = arith.addi %mul3A_301, %broadcast_in_dim3A_643 : vector<16xi32>
      %gather3A_655 = tpu.vector_load_idx %arg8[%add3A_654] : memref<26248xi32, #tpu.memory_space<vmem>>[vector<16xi32>], vector<16xi32>,
      %bitcast3A_656 = vector.bitcast %gather3A_655 : vector<16xi32> to vector<32xbf16>
      %add3A_657 = arith.addf %bitcast3A_653, %bitcast3A_656 : vector<32xbf16>
      %add3A_658 = arith.addi %mul3A_308, %broadcast_in_dim3A_643 : vector<16xi32>
      %gather3A_659 = tpu.vector_load_idx %arg8[%add3A_658] : memref<26248xi32, #tpu.memory_space<vmem>>[vector<16xi32>], vector<16xi32>,
      %bitcast3A_660 = vector.bitcast %gather3A_659 : vector<16xi32> to vector<32xbf16>
      %add3A_661 = arith.addi %mul3A_315, %broadcast_in_dim3A_643 : vector<16xi32>
      %gather3A_662 = tpu.vector_load_idx %arg8[%add3A_661] : memref<26248xi32, #tpu.memory_space<vmem>>[vector<16xi32>], vector<16xi32>,
      %bitcast3A_663 = vector.bitcast %gather3A_662 : vector<16xi32> to vector<32xbf16>
      %add3A_664 = arith.addf %bitcast3A_660, %bitcast3A_663 : vector<32xbf16>
      %add3A_665 = arith.addf %add3A_650, %add3A_657 : vector<32xbf16>
      %add3A_666 = arith.addf %add3A_665, %add3A_664 : vector<32xbf16>
      %bitcast3A_667 = vector.bitcast %add3A_666 : vector<32xbf16> to vector<16xi32>
      %swap3A_668 = arith.constant 11 : i32
      %swap3A_669 = arith.index_cast %swap3A_668 : i32 to index
      %swap3A_670 = arith.index_cast %multiple_of3A : i32 to index
      %swap3A_671 = tpu.vector_load %arg10[%swap3A_669, %swap3A_670] {strides = array<i32>} : memref<16x2048xi32, #tpu.memory_space<vmem>>, vector<16xi32>,
      tpu.vector_store %arg10[%swap3A_669, %swap3A_670], %bitcast3A_667 {strides = array<i32>} : memref<16x2048xi32, #tpu.memory_space<vmem>>, vector<16xi32>,
      %broadcast_in_dim3A_672 = arith.constant 12 : i32
      %broadcast_in_dim3A_673 = vector.broadcast %broadcast_in_dim3A_672 : i32 to vector<16xi32>
      %add3A_674 = arith.addi %mul3A_280, %broadcast_in_dim3A_673 : vector<16xi32>
      %gather3A_675 = tpu.vector_load_idx %arg7[%add3A_674] : memref<26248xi32, #tpu.memory_space<vmem>>[vector<16xi32>], vector<16xi32>,
      %bitcast3A_676 = vector.bitcast %gather3A_675 : vector<16xi32> to vector<32xbf16>
      %add3A_677 = arith.addi %mul3A_287, %broadcast_in_dim3A_673 : vector<16xi32>
      %gather3A_678 = tpu.vector_load_idx %arg7[%add3A_677] : memref<26248xi32, #tpu.memory_space<vmem>>[vector<16xi32>], vector<16xi32>,
      %bitcast3A_679 = vector.bitcast %gather3A_678 : vector<16xi32> to vector<32xbf16>
      %add3A_680 = arith.addf %bitcast3A_676, %bitcast3A_679 : vector<32xbf16>
      %add3A_681 = arith.addi %mul3A_294, %broadcast_in_dim3A_673 : vector<16xi32>
      %gather3A_682 = tpu.vector_load_idx %arg7[%add3A_681] : memref<26248xi32, #tpu.memory_space<vmem>>[vector<16xi32>], vector<16xi32>,
      %bitcast3A_683 = vector.bitcast %gather3A_682 : vector<16xi32> to vector<32xbf16>
      %add3A_684 = arith.addi %mul3A_301, %broadcast_in_dim3A_673 : vector<16xi32>
      %gather3A_685 = tpu.vector_load_idx %arg8[%add3A_684] : memref<26248xi32, #tpu.memory_space<vmem>>[vector<16xi32>], vector<16xi32>,
      %bitcast3A_686 = vector.bitcast %gather3A_685 : vector<16xi32> to vector<32xbf16>
      %add3A_687 = arith.addf %bitcast3A_683, %bitcast3A_686 : vector<32xbf16>
      %add3A_688 = arith.addi %mul3A_308, %broadcast_in_dim3A_673 : vector<16xi32>
      %gather3A_689 = tpu.vector_load_idx %arg8[%add3A_688] : memref<26248xi32, #tpu.memory_space<vmem>>[vector<16xi32>], vector<16xi32>,
      %bitcast3A_690 = vector.bitcast %gather3A_689 : vector<16xi32> to vector<32xbf16>
      %add3A_691 = arith.addi %mul3A_315, %broadcast_in_dim3A_673 : vector<16xi32>
      %gather3A_692 = tpu.vector_load_idx %arg8[%add3A_691] : memref<26248xi32, #tpu.memory_space<vmem>>[vector<16xi32>], vector<16xi32>,
      %bitcast3A_693 = vector.bitcast %gather3A_692 : vector<16xi32> to vector<32xbf16>
      %add3A_694 = arith.addf %bitcast3A_690, %bitcast3A_693 : vector<32xbf16>
      %add3A_695 = arith.addf %add3A_680, %add3A_687 : vector<32xbf16>
      %add3A_696 = arith.addf %add3A_695, %add3A_694 : vector<32xbf16>
      %bitcast3A_697 = vector.bitcast %add3A_696 : vector<32xbf16> to vector<16xi32>
      %swap3A_698 = arith.constant 12 : i32
      %swap3A_699 = arith.index_cast %swap3A_698 : i32 to index
      %swap3A_700 = arith.index_cast %multiple_of3A : i32 to index
      %swap3A_701 = tpu.vector_load %arg10[%swap3A_699, %swap3A_700] {strides = array<i32>} : memref<16x2048xi32, #tpu.memory_space<vmem>>, vector<16xi32>,
      tpu.vector_store %arg10[%swap3A_699, %swap3A_700], %bitcast3A_697 {strides = array<i32>} : memref<16x2048xi32, #tpu.memory_space<vmem>>, vector<16xi32>,
      %broadcast_in_dim3A_702 = arith.constant 13 : i32
      %broadcast_in_dim3A_703 = vector.broadcast %broadcast_in_dim3A_702 : i32 to vector<16xi32>
      %add3A_704 = arith.addi %mul3A_280, %broadcast_in_dim3A_703 : vector<16xi32>
      %gather3A_705 = tpu.vector_load_idx %arg7[%add3A_704] : memref<26248xi32, #tpu.memory_space<vmem>>[vector<16xi32>], vector<16xi32>,
      %bitcast3A_706 = vector.bitcast %gather3A_705 : vector<16xi32> to vector<32xbf16>
      %add3A_707 = arith.addi %mul3A_287, %broadcast_in_dim3A_703 : vector<16xi32>
      %gather3A_708 = tpu.vector_load_idx %arg7[%add3A_707] : memref<26248xi32, #tpu.memory_space<vmem>>[vector<16xi32>], vector<16xi32>,
      %bitcast3A_709 = vector.bitcast %gather3A_708 : vector<16xi32> to vector<32xbf16>
      %add3A_710 = arith.addf %bitcast3A_706, %bitcast3A_709 : vector<32xbf16>
      %add3A_711 = arith.addi %mul3A_294, %broadcast_in_dim3A_703 : vector<16xi32>
      %gather3A_712 = tpu.vector_load_idx %arg7[%add3A_711] : memref<26248xi32, #tpu.memory_space<vmem>>[vector<16xi32>], vector<16xi32>,
      %bitcast3A_713 = vector.bitcast %gather3A_712 : vector<16xi32> to vector<32xbf16>
      %add3A_714 = arith.addi %mul3A_301, %broadcast_in_dim3A_703 : vector<16xi32>
      %gather3A_715 = tpu.vector_load_idx %arg8[%add3A_714] : memref<26248xi32, #tpu.memory_space<vmem>>[vector<16xi32>], vector<16xi32>,
      %bitcast3A_716 = vector.bitcast %gather3A_715 : vector<16xi32> to vector<32xbf16>
      %add3A_717 = arith.addf %bitcast3A_713, %bitcast3A_716 : vector<32xbf16>
      %add3A_718 = arith.addi %mul3A_308, %broadcast_in_dim3A_703 : vector<16xi32>
      %gather3A_719 = tpu.vector_load_idx %arg8[%add3A_718] : memref<26248xi32, #tpu.memory_space<vmem>>[vector<16xi32>], vector<16xi32>,
      %bitcast3A_720 = vector.bitcast %gather3A_719 : vector<16xi32> to vector<32xbf16>
      %add3A_721 = arith.addi %mul3A_315, %broadcast_in_dim3A_703 : vector<16xi32>
      %gather3A_722 = tpu.vector_load_idx %arg8[%add3A_721] : memref<26248xi32, #tpu.memory_space<vmem>>[vector<16xi32>], vector<16xi32>,
      %bitcast3A_723 = vector.bitcast %gather3A_722 : vector<16xi32> to vector<32xbf16>
      %add3A_724 = arith.addf %bitcast3A_720, %bitcast3A_723 : vector<32xbf16>
      %add3A_725 = arith.addf %add3A_710, %add3A_717 : vector<32xbf16>
      %add3A_726 = arith.addf %add3A_725, %add3A_724 : vector<32xbf16>
      %bitcast3A_727 = vector.bitcast %add3A_726 : vector<32xbf16> to vector<16xi32>
      %swap3A_728 = arith.constant 13 : i32
      %swap3A_729 = arith.index_cast %swap3A_728 : i32 to index
      %swap3A_730 = arith.index_cast %multiple_of3A : i32 to index
      %swap3A_731 = tpu.vector_load %arg10[%swap3A_729, %swap3A_730] {strides = array<i32>} : memref<16x2048xi32, #tpu.memory_space<vmem>>, vector<16xi32>,
      tpu.vector_store %arg10[%swap3A_729, %swap3A_730], %bitcast3A_727 {strides = array<i32>} : memref<16x2048xi32, #tpu.memory_space<vmem>>, vector<16xi32>,
      %broadcast_in_dim3A_732 = arith.constant 14 : i32
      %broadcast_in_dim3A_733 = vector.broadcast %broadcast_in_dim3A_732 : i32 to vector<16xi32>
      %add3A_734 = arith.addi %mul3A_280, %broadcast_in_dim3A_733 : vector<16xi32>
      %gather3A_735 = tpu.vector_load_idx %arg7[%add3A_734] : memref<26248xi32, #tpu.memory_space<vmem>>[vector<16xi32>], vector<16xi32>,
      %bitcast3A_736 = vector.bitcast %gather3A_735 : vector<16xi32> to vector<32xbf16>
      %add3A_737 = arith.addi %mul3A_287, %broadcast_in_dim3A_733 : vector<16xi32>
      %gather3A_738 = tpu.vector_load_idx %arg7[%add3A_737] : memref<26248xi32, #tpu.memory_space<vmem>>[vector<16xi32>], vector<16xi32>,
      %bitcast3A_739 = vector.bitcast %gather3A_738 : vector<16xi32> to vector<32xbf16>
      %add3A_740 = arith.addf %bitcast3A_736, %bitcast3A_739 : vector<32xbf16>
      %add3A_741 = arith.addi %mul3A_294, %broadcast_in_dim3A_733 : vector<16xi32>
      %gather3A_742 = tpu.vector_load_idx %arg7[%add3A_741] : memref<26248xi32, #tpu.memory_space<vmem>>[vector<16xi32>], vector<16xi32>,
      %bitcast3A_743 = vector.bitcast %gather3A_742 : vector<16xi32> to vector<32xbf16>
      %add3A_744 = arith.addi %mul3A_301, %broadcast_in_dim3A_733 : vector<16xi32>
      %gather3A_745 = tpu.vector_load_idx %arg8[%add3A_744] : memref<26248xi32, #tpu.memory_space<vmem>>[vector<16xi32>], vector<16xi32>,
      %bitcast3A_746 = vector.bitcast %gather3A_745 : vector<16xi32> to vector<32xbf16>
      %add3A_747 = arith.addf %bitcast3A_743, %bitcast3A_746 : vector<32xbf16>
      %add3A_748 = arith.addi %mul3A_308, %broadcast_in_dim3A_733 : vector<16xi32>
      %gather3A_749 = tpu.vector_load_idx %arg8[%add3A_748] : memref<26248xi32, #tpu.memory_space<vmem>>[vector<16xi32>], vector<16xi32>,
      %bitcast3A_750 = vector.bitcast %gather3A_749 : vector<16xi32> to vector<32xbf16>
      %add3A_751 = arith.addi %mul3A_315, %broadcast_in_dim3A_733 : vector<16xi32>
      %gather3A_752 = tpu.vector_load_idx %arg8[%add3A_751] : memref<26248xi32, #tpu.memory_space<vmem>>[vector<16xi32>], vector<16xi32>,
      %bitcast3A_753 = vector.bitcast %gather3A_752 : vector<16xi32> to vector<32xbf16>
      %add3A_754 = arith.addf %bitcast3A_750, %bitcast3A_753 : vector<32xbf16>
      %add3A_755 = arith.addf %add3A_740, %add3A_747 : vector<32xbf16>
      %add3A_756 = arith.addf %add3A_755, %add3A_754 : vector<32xbf16>
      %bitcast3A_757 = vector.bitcast %add3A_756 : vector<32xbf16> to vector<16xi32>
      %swap3A_758 = arith.constant 14 : i32
      %swap3A_759 = arith.index_cast %swap3A_758 : i32 to index
      %swap3A_760 = arith.index_cast %multiple_of3A : i32 to index
      %swap3A_761 = tpu.vector_load %arg10[%swap3A_759, %swap3A_760] {strides = array<i32>} : memref<16x2048xi32, #tpu.memory_space<vmem>>, vector<16xi32>,
      tpu.vector_store %arg10[%swap3A_759, %swap3A_760], %bitcast3A_757 {strides = array<i32>} : memref<16x2048xi32, #tpu.memory_space<vmem>>, vector<16xi32>,
      %broadcast_in_dim3A_762 = arith.constant 15 : i32
      %broadcast_in_dim3A_763 = vector.broadcast %broadcast_in_dim3A_762 : i32 to vector<16xi32>
      %add3A_764 = arith.addi %mul3A_280, %broadcast_in_dim3A_763 : vector<16xi32>
      %gather3A_765 = tpu.vector_load_idx %arg7[%add3A_764] : memref<26248xi32, #tpu.memory_space<vmem>>[vector<16xi32>], vector<16xi32>,
      %bitcast3A_766 = vector.bitcast %gather3A_765 : vector<16xi32> to vector<32xbf16>
      %add3A_767 = arith.addi %mul3A_287, %broadcast_in_dim3A_763 : vector<16xi32>
      %gather3A_768 = tpu.vector_load_idx %arg7[%add3A_767] : memref<26248xi32, #tpu.memory_space<vmem>>[vector<16xi32>], vector<16xi32>,
      %bitcast3A_769 = vector.bitcast %gather3A_768 : vector<16xi32> to vector<32xbf16>
      %add3A_770 = arith.addf %bitcast3A_766, %bitcast3A_769 : vector<32xbf16>
      %add3A_771 = arith.addi %mul3A_294, %broadcast_in_dim3A_763 : vector<16xi32>
      %gather3A_772 = tpu.vector_load_idx %arg7[%add3A_771] : memref<26248xi32, #tpu.memory_space<vmem>>[vector<16xi32>], vector<16xi32>,
      %bitcast3A_773 = vector.bitcast %gather3A_772 : vector<16xi32> to vector<32xbf16>
      %add3A_774 = arith.addi %mul3A_301, %broadcast_in_dim3A_763 : vector<16xi32>
      %gather3A_775 = tpu.vector_load_idx %arg8[%add3A_774] : memref<26248xi32, #tpu.memory_space<vmem>>[vector<16xi32>], vector<16xi32>,
      %bitcast3A_776 = vector.bitcast %gather3A_775 : vector<16xi32> to vector<32xbf16>
      %add3A_777 = arith.addf %bitcast3A_773, %bitcast3A_776 : vector<32xbf16>
      %add3A_778 = arith.addi %mul3A_308, %broadcast_in_dim3A_763 : vector<16xi32>
      %gather3A_779 = tpu.vector_load_idx %arg8[%add3A_778] : memref<26248xi32, #tpu.memory_space<vmem>>[vector<16xi32>], vector<16xi32>,
      %bitcast3A_780 = vector.bitcast %gather3A_779 : vector<16xi32> to vector<32xbf16>
      %add3A_781 = arith.addi %mul3A_315, %broadcast_in_dim3A_763 : vector<16xi32>
      %gather3A_782 = tpu.vector_load_idx %arg8[%add3A_781] : memref<26248xi32, #tpu.memory_space<vmem>>[vector<16xi32>], vector<16xi32>,
      %bitcast3A_783 = vector.bitcast %gather3A_782 : vector<16xi32> to vector<32xbf16>
      %add3A_784 = arith.addf %bitcast3A_780, %bitcast3A_783 : vector<32xbf16>
      %add3A_785 = arith.addf %add3A_770, %add3A_777 : vector<32xbf16>
      %add3A_786 = arith.addf %add3A_785, %add3A_784 : vector<32xbf16>
      %bitcast3A_787 = vector.bitcast %add3A_786 : vector<32xbf16> to vector<16xi32>
      %swap3A_788 = arith.constant 15 : i32
      %swap3A_789 = arith.index_cast %swap3A_788 : i32 to index
      %swap3A_790 = arith.index_cast %multiple_of3A : i32 to index
      %swap3A_791 = tpu.vector_load %arg10[%swap3A_789, %swap3A_790] {strides = array<i32>} : memref<16x2048xi32, #tpu.memory_space<vmem>>, vector<16xi32>,
      tpu.vector_store %arg10[%swap3A_789, %swap3A_790], %bitcast3A_787 {strides = array<i32>} : memref<16x2048xi32, #tpu.memory_space<vmem>>, vector<16xi32>,
    }
    %scan3A_235 = arith.constant 128 : i32
    %dma_start3A_236 = arith.constant 52496 : i32
    %dma_start3A_237 = tpu.memref_slice %arg2[%dma_start3A_236] : memref<131240xi32, #tpu.memory_space<hbm>> -> memref<26248xi32, #tpu.memory_space<hbm>>
    %dma_start3A_238 = arith.constant 52496 : i32
    %dma_start3A_239 = tpu.memref_slice %arg2[%dma_start3A_238] : memref<131240xi32, #tpu.memory_space<hbm>> -> memref<26248xi32, #tpu.memory_space<hbm>>
    tpu.enqueue_dma source(%dma_start3A_239 : memref<26248xi32, #tpu.memory_space<hbm>>) target(%arg7 : memref<26248xi32, #tpu.memory_space<vmem>>) target_semaphore(%arg13 : memref<!tpu.dma_semaphore, #tpu.memory_space<semaphore_mem>>)
    %dma_start3A_240 = arith.constant 78744 : i32
    %dma_start3A_241 = tpu.memref_slice %arg2[%dma_start3A_240] : memref<131240xi32, #tpu.memory_space<hbm>> -> memref<26248xi32, #tpu.memory_space<hbm>>
    %dma_start3A_242 = arith.constant 78744 : i32
    %dma_start3A_243 = tpu.memref_slice %arg2[%dma_start3A_242] : memref<131240xi32, #tpu.memory_space<hbm>> -> memref<26248xi32, #tpu.memory_space<hbm>>
    tpu.enqueue_dma source(%dma_start3A_243 : memref<26248xi32, #tpu.memory_space<hbm>>) target(%arg8 : memref<26248xi32, #tpu.memory_space<vmem>>) target_semaphore(%arg13 : memref<!tpu.dma_semaphore, #tpu.memory_space<semaphore_mem>>)
    %dma_wait3A_244 = arith.constant 52496 : i32
    %dma_wait3A_245 = tpu.memref_slice %arg2[%dma_wait3A_244] : memref<131240xi32, #tpu.memory_space<hbm>> -> memref<26248xi32, #tpu.memory_space<hbm>>
    %dma_wait3A_246 = arith.constant 52496 : i32
    %dma_wait3A_247 = tpu.memref_slice %arg2[%dma_wait3A_246] : memref<131240xi32, #tpu.memory_space<hbm>> -> memref<26248xi32, #tpu.memory_space<hbm>>
    tpu.wait_dma2 semaphore(%arg13 : memref<!tpu.dma_semaphore, #tpu.memory_space<semaphore_mem>>) src(%dma_wait3A_247 : memref<26248xi32, #tpu.memory_space<hbm>>) dst(%arg7 : memref<26248xi32, #tpu.memory_space<vmem>>)
    %dma_wait3A_248 = arith.constant 78744 : i32
    %dma_wait3A_249 = tpu.memref_slice %arg2[%dma_wait3A_248] : memref<131240xi32, #tpu.memory_space<hbm>> -> memref<26248xi32, #tpu.memory_space<hbm>>
    %dma_wait3A_250 = arith.constant 78744 : i32
    %dma_wait3A_251 = tpu.memref_slice %arg2[%dma_wait3A_250] : memref<131240xi32, #tpu.memory_space<hbm>> -> memref<26248xi32, #tpu.memory_space<hbm>>
    tpu.wait_dma2 semaphore(%arg13 : memref<!tpu.dma_semaphore, #tpu.memory_space<semaphore_mem>>) src(%dma_wait3A_251 : memref<26248xi32, #tpu.memory_space<hbm>>) dst(%arg8 : memref<26248xi32, #tpu.memory_space<vmem>>)
    %scan3A_252 = arith.constant 0 : i32
    %scan3A_253 = arith.constant 0 : i32
    %scan3A_254 = arith.constant 128 : i32
    %scan3A_255 = arith.addi %scan3A_253, %scan3A_254 : i32
    %scan3A_256 = arith.constant 1 : i32
    scf.for %scan3A_272 = %scan3A_253 to %scan3A_255 step %scan3A_256  : i32 {
      %mul3A_273 = arith.constant 16 : i32
      %mul3A_274 = arith.muli %scan3A_272, %mul3A_273 : i32
      %multiple_of3A = tpu.assume_multiple %mul3A_274, 16 : i32
      %add3A_275 = arith.constant 12288 : i32
      %add3A_276 = arith.addi %add3A_275, %multiple_of3A : i32
      %get3A = arith.index_cast %add3A_276 : i32 to index
      %get3A_277 = tpu.vector_load %arg11[%get3A] {strides = array<i32>} : memref<30720xi32, #tpu.memory_space<vmem>>, vector<16xi32>,
      %mul3A_278 = arith.constant 17 : i32
      %mul3A_279 = vector.broadcast %mul3A_278 : i32 to vector<16xi32>
      %mul3A_280 = arith.muli %get3A_277, %mul3A_279 : vector<16xi32>
      %add3A_281 = arith.constant 14336 : i32
      %add3A_282 = arith.addi %add3A_281, %multiple_of3A : i32
      %get3A_283 = arith.index_cast %add3A_282 : i32 to index
      %get3A_284 = tpu.vector_load %arg11[%get3A_283] {strides = array<i32>} : memref<30720xi32, #tpu.memory_space<vmem>>, vector<16xi32>,
      %mul3A_285 = arith.constant 17 : i32
      %mul3A_286 = vector.broadcast %mul3A_285 : i32 to vector<16xi32>
      %mul3A_287 = arith.muli %get3A_284, %mul3A_286 : vector<16xi32>
      %add3A_288 = arith.constant 16384 : i32
      %add3A_289 = arith.addi %add3A_288, %multiple_of3A : i32
      %get3A_290 = arith.index_cast %add3A_289 : i32 to index
      %get3A_291 = tpu.vector_load %arg11[%get3A_290] {strides = array<i32>} : memref<30720xi32, #tpu.memory_space<vmem>>, vector<16xi32>,
      %mul3A_292 = arith.constant 17 : i32
      %mul3A_293 = vector.broadcast %mul3A_292 : i32 to vector<16xi32>
      %mul3A_294 = arith.muli %get3A_291, %mul3A_293 : vector<16xi32>
      %add3A_295 = arith.constant 18432 : i32
      %add3A_296 = arith.addi %add3A_295, %multiple_of3A : i32
      %get3A_297 = arith.index_cast %add3A_296 : i32 to index
      %get3A_298 = tpu.vector_load %arg11[%get3A_297] {strides = array<i32>} : memref<30720xi32, #tpu.memory_space<vmem>>, vector<16xi32>,
      %mul3A_299 = arith.constant 17 : i32
      %mul3A_300 = vector.broadcast %mul3A_299 : i32 to vector<16xi32>
      %mul3A_301 = arith.muli %get3A_298, %mul3A_300 : vector<16xi32>
      %add3A_302 = arith.constant 20480 : i32
      %add3A_303 = arith.addi %add3A_302, %multiple_of3A : i32
      %get3A_304 = arith.index_cast %add3A_303 : i32 to index
      %get3A_305 = tpu.vector_load %arg11[%get3A_304] {strides = array<i32>} : memref<30720xi32, #tpu.memory_space<vmem>>, vector<16xi32>,
      %mul3A_306 = arith.constant 17 : i32
      %mul3A_307 = vector.broadcast %mul3A_306 : i32 to vector<16xi32>
      %mul3A_308 = arith.muli %get3A_305, %mul3A_307 : vector<16xi32>
      %add3A_309 = arith.constant 22528 : i32
      %add3A_310 = arith.addi %add3A_309, %multiple_of3A : i32
      %get3A_311 = arith.index_cast %add3A_310 : i32 to index
      %get3A_312 = tpu.vector_load %arg11[%get3A_311] {strides = array<i32>} : memref<30720xi32, #tpu.memory_space<vmem>>, vector<16xi32>,
      %mul3A_313 = arith.constant 17 : i32
      %mul3A_314 = vector.broadcast %mul3A_313 : i32 to vector<16xi32>
      %mul3A_315 = arith.muli %get3A_312, %mul3A_314 : vector<16xi32>
      %broadcast_in_dim3A = arith.constant 0 : i32
      %broadcast_in_dim3A_316 = vector.broadcast %broadcast_in_dim3A : i32 to vector<16xi32>
      %add3A_317 = arith.addi %mul3A_280, %broadcast_in_dim3A_316 : vector<16xi32>
      %gather3A = tpu.vector_load_idx %arg7[%add3A_317] : memref<26248xi32, #tpu.memory_space<vmem>>[vector<16xi32>], vector<16xi32>,
      %bitcast3A = vector.bitcast %gather3A : vector<16xi32> to vector<32xbf16>
      %add3A_318 = arith.addi %mul3A_287, %broadcast_in_dim3A_316 : vector<16xi32>
      %gather3A_319 = tpu.vector_load_idx %arg7[%add3A_318] : memref<26248xi32, #tpu.memory_space<vmem>>[vector<16xi32>], vector<16xi32>,
      %bitcast3A_320 = vector.bitcast %gather3A_319 : vector<16xi32> to vector<32xbf16>
      %add3A_321 = arith.addf %bitcast3A, %bitcast3A_320 : vector<32xbf16>
      %add3A_322 = arith.addi %mul3A_294, %broadcast_in_dim3A_316 : vector<16xi32>
      %gather3A_323 = tpu.vector_load_idx %arg7[%add3A_322] : memref<26248xi32, #tpu.memory_space<vmem>>[vector<16xi32>], vector<16xi32>,
      %bitcast3A_324 = vector.bitcast %gather3A_323 : vector<16xi32> to vector<32xbf16>
      %add3A_325 = arith.addi %mul3A_301, %broadcast_in_dim3A_316 : vector<16xi32>
      %gather3A_326 = tpu.vector_load_idx %arg8[%add3A_325] : memref<26248xi32, #tpu.memory_space<vmem>>[vector<16xi32>], vector<16xi32>,
      %bitcast3A_327 = vector.bitcast %gather3A_326 : vector<16xi32> to vector<32xbf16>
      %add3A_328 = arith.addf %bitcast3A_324, %bitcast3A_327 : vector<32xbf16>
      %add3A_329 = arith.addi %mul3A_308, %broadcast_in_dim3A_316 : vector<16xi32>
      %gather3A_330 = tpu.vector_load_idx %arg8[%add3A_329] : memref<26248xi32, #tpu.memory_space<vmem>>[vector<16xi32>], vector<16xi32>,
      %bitcast3A_331 = vector.bitcast %gather3A_330 : vector<16xi32> to vector<32xbf16>
      %add3A_332 = arith.addi %mul3A_315, %broadcast_in_dim3A_316 : vector<16xi32>
      %gather3A_333 = tpu.vector_load_idx %arg8[%add3A_332] : memref<26248xi32, #tpu.memory_space<vmem>>[vector<16xi32>], vector<16xi32>,
      %bitcast3A_334 = vector.bitcast %gather3A_333 : vector<16xi32> to vector<32xbf16>
      %add3A_335 = arith.addf %bitcast3A_331, %bitcast3A_334 : vector<32xbf16>
      %add3A_336 = arith.addf %add3A_321, %add3A_328 : vector<32xbf16>
      %add3A_337 = arith.addf %add3A_336, %add3A_335 : vector<32xbf16>
      %get3A_338 = arith.constant 0 : i32
      %get3A_339 = arith.index_cast %get3A_338 : i32 to index
      %get3A_340 = arith.index_cast %multiple_of3A : i32 to index
      %get3A_341 = tpu.vector_load %arg10[%get3A_339, %get3A_340] {strides = array<i32>} : memref<16x2048xi32, #tpu.memory_space<vmem>>, vector<16xi32>,
      %bitcast3A_342 = vector.bitcast %get3A_341 : vector<16xi32> to vector<32xbf16>
      %add3A_343 = arith.addf %bitcast3A_342, %add3A_337 : vector<32xbf16>
      %bitcast3A_344 = vector.bitcast %add3A_343 : vector<32xbf16> to vector<16xi32>
      %swap3A = arith.constant 0 : i32
      %swap3A_345 = arith.index_cast %swap3A : i32 to index
      %swap3A_346 = arith.index_cast %multiple_of3A : i32 to index
      %swap3A_347 = tpu.vector_load %arg10[%swap3A_345, %swap3A_346] {strides = array<i32>} : memref<16x2048xi32, #tpu.memory_space<vmem>>, vector<16xi32>,
      tpu.vector_store %arg10[%swap3A_345, %swap3A_346], %bitcast3A_344 {strides = array<i32>} : memref<16x2048xi32, #tpu.memory_space<vmem>>, vector<16xi32>,
      %broadcast_in_dim3A_348 = arith.constant 1 : i32
      %broadcast_in_dim3A_349 = vector.broadcast %broadcast_in_dim3A_348 : i32 to vector<16xi32>
      %add3A_350 = arith.addi %mul3A_280, %broadcast_in_dim3A_349 : vector<16xi32>
      %gather3A_351 = tpu.vector_load_idx %arg7[%add3A_350] : memref<26248xi32, #tpu.memory_space<vmem>>[vector<16xi32>], vector<16xi32>,
      %bitcast3A_352 = vector.bitcast %gather3A_351 : vector<16xi32> to vector<32xbf16>
      %add3A_353 = arith.addi %mul3A_287, %broadcast_in_dim3A_349 : vector<16xi32>
      %gather3A_354 = tpu.vector_load_idx %arg7[%add3A_353] : memref<26248xi32, #tpu.memory_space<vmem>>[vector<16xi32>], vector<16xi32>,
      %bitcast3A_355 = vector.bitcast %gather3A_354 : vector<16xi32> to vector<32xbf16>
      %add3A_356 = arith.addf %bitcast3A_352, %bitcast3A_355 : vector<32xbf16>
      %add3A_357 = arith.addi %mul3A_294, %broadcast_in_dim3A_349 : vector<16xi32>
      %gather3A_358 = tpu.vector_load_idx %arg7[%add3A_357] : memref<26248xi32, #tpu.memory_space<vmem>>[vector<16xi32>], vector<16xi32>,
      %bitcast3A_359 = vector.bitcast %gather3A_358 : vector<16xi32> to vector<32xbf16>
      %add3A_360 = arith.addi %mul3A_301, %broadcast_in_dim3A_349 : vector<16xi32>
      %gather3A_361 = tpu.vector_load_idx %arg8[%add3A_360] : memref<26248xi32, #tpu.memory_space<vmem>>[vector<16xi32>], vector<16xi32>,
      %bitcast3A_362 = vector.bitcast %gather3A_361 : vector<16xi32> to vector<32xbf16>
      %add3A_363 = arith.addf %bitcast3A_359, %bitcast3A_362 : vector<32xbf16>
      %add3A_364 = arith.addi %mul3A_308, %broadcast_in_dim3A_349 : vector<16xi32>
      %gather3A_365 = tpu.vector_load_idx %arg8[%add3A_364] : memref<26248xi32, #tpu.memory_space<vmem>>[vector<16xi32>], vector<16xi32>,
      %bitcast3A_366 = vector.bitcast %gather3A_365 : vector<16xi32> to vector<32xbf16>
      %add3A_367 = arith.addi %mul3A_315, %broadcast_in_dim3A_349 : vector<16xi32>
      %gather3A_368 = tpu.vector_load_idx %arg8[%add3A_367] : memref<26248xi32, #tpu.memory_space<vmem>>[vector<16xi32>], vector<16xi32>,
      %bitcast3A_369 = vector.bitcast %gather3A_368 : vector<16xi32> to vector<32xbf16>
      %add3A_370 = arith.addf %bitcast3A_366, %bitcast3A_369 : vector<32xbf16>
      %add3A_371 = arith.addf %add3A_356, %add3A_363 : vector<32xbf16>
      %add3A_372 = arith.addf %add3A_371, %add3A_370 : vector<32xbf16>
      %get3A_373 = arith.constant 1 : i32
      %get3A_374 = arith.index_cast %get3A_373 : i32 to index
      %get3A_375 = arith.index_cast %multiple_of3A : i32 to index
      %get3A_376 = tpu.vector_load %arg10[%get3A_374, %get3A_375] {strides = array<i32>} : memref<16x2048xi32, #tpu.memory_space<vmem>>, vector<16xi32>,
      %bitcast3A_377 = vector.bitcast %get3A_376 : vector<16xi32> to vector<32xbf16>
      %add3A_378 = arith.addf %bitcast3A_377, %add3A_372 : vector<32xbf16>
      %bitcast3A_379 = vector.bitcast %add3A_378 : vector<32xbf16> to vector<16xi32>
      %swap3A_380 = arith.constant 1 : i32
      %swap3A_381 = arith.index_cast %swap3A_380 : i32 to index
      %swap3A_382 = arith.index_cast %multiple_of3A : i32 to index
      %swap3A_383 = tpu.vector_load %arg10[%swap3A_381, %swap3A_382] {strides = array<i32>} : memref<16x2048xi32, #tpu.memory_space<vmem>>, vector<16xi32>,
      tpu.vector_store %arg10[%swap3A_381, %swap3A_382], %bitcast3A_379 {strides = array<i32>} : memref<16x2048xi32, #tpu.memory_space<vmem>>, vector<16xi32>,
      %broadcast_in_dim3A_384 = arith.constant 2 : i32
      %broadcast_in_dim3A_385 = vector.broadcast %broadcast_in_dim3A_384 : i32 to vector<16xi32>
      %add3A_386 = arith.addi %mul3A_280, %broadcast_in_dim3A_385 : vector<16xi32>
      %gather3A_387 = tpu.vector_load_idx %arg7[%add3A_386] : memref<26248xi32, #tpu.memory_space<vmem>>[vector<16xi32>], vector<16xi32>,
      %bitcast3A_388 = vector.bitcast %gather3A_387 : vector<16xi32> to vector<32xbf16>
      %add3A_389 = arith.addi %mul3A_287, %broadcast_in_dim3A_385 : vector<16xi32>
      %gather3A_390 = tpu.vector_load_idx %arg7[%add3A_389] : memref<26248xi32, #tpu.memory_space<vmem>>[vector<16xi32>], vector<16xi32>,
      %bitcast3A_391 = vector.bitcast %gather3A_390 : vector<16xi32> to vector<32xbf16>
      %add3A_392 = arith.addf %bitcast3A_388, %bitcast3A_391 : vector<32xbf16>
      %add3A_393 = arith.addi %mul3A_294, %broadcast_in_dim3A_385 : vector<16xi32>
      %gather3A_394 = tpu.vector_load_idx %arg7[%add3A_393] : memref<26248xi32, #tpu.memory_space<vmem>>[vector<16xi32>], vector<16xi32>,
      %bitcast3A_395 = vector.bitcast %gather3A_394 : vector<16xi32> to vector<32xbf16>
      %add3A_396 = arith.addi %mul3A_301, %broadcast_in_dim3A_385 : vector<16xi32>
      %gather3A_397 = tpu.vector_load_idx %arg8[%add3A_396] : memref<26248xi32, #tpu.memory_space<vmem>>[vector<16xi32>], vector<16xi32>,
      %bitcast3A_398 = vector.bitcast %gather3A_397 : vector<16xi32> to vector<32xbf16>
      %add3A_399 = arith.addf %bitcast3A_395, %bitcast3A_398 : vector<32xbf16>
      %add3A_400 = arith.addi %mul3A_308, %broadcast_in_dim3A_385 : vector<16xi32>
      %gather3A_401 = tpu.vector_load_idx %arg8[%add3A_400] : memref<26248xi32, #tpu.memory_space<vmem>>[vector<16xi32>], vector<16xi32>,
      %bitcast3A_402 = vector.bitcast %gather3A_401 : vector<16xi32> to vector<32xbf16>
      %add3A_403 = arith.addi %mul3A_315, %broadcast_in_dim3A_385 : vector<16xi32>
      %gather3A_404 = tpu.vector_load_idx %arg8[%add3A_403] : memref<26248xi32, #tpu.memory_space<vmem>>[vector<16xi32>], vector<16xi32>,
      %bitcast3A_405 = vector.bitcast %gather3A_404 : vector<16xi32> to vector<32xbf16>
      %add3A_406 = arith.addf %bitcast3A_402, %bitcast3A_405 : vector<32xbf16>
      %add3A_407 = arith.addf %add3A_392, %add3A_399 : vector<32xbf16>
      %add3A_408 = arith.addf %add3A_407, %add3A_406 : vector<32xbf16>
      %get3A_409 = arith.constant 2 : i32
      %get3A_410 = arith.index_cast %get3A_409 : i32 to index
      %get3A_411 = arith.index_cast %multiple_of3A : i32 to index
      %get3A_412 = tpu.vector_load %arg10[%get3A_410, %get3A_411] {strides = array<i32>} : memref<16x2048xi32, #tpu.memory_space<vmem>>, vector<16xi32>,
      %bitcast3A_413 = vector.bitcast %get3A_412 : vector<16xi32> to vector<32xbf16>
      %add3A_414 = arith.addf %bitcast3A_413, %add3A_408 : vector<32xbf16>
      %bitcast3A_415 = vector.bitcast %add3A_414 : vector<32xbf16> to vector<16xi32>
      %swap3A_416 = arith.constant 2 : i32
      %swap3A_417 = arith.index_cast %swap3A_416 : i32 to index
      %swap3A_418 = arith.index_cast %multiple_of3A : i32 to index
      %swap3A_419 = tpu.vector_load %arg10[%swap3A_417, %swap3A_418] {strides = array<i32>} : memref<16x2048xi32, #tpu.memory_space<vmem>>, vector<16xi32>,
      tpu.vector_store %arg10[%swap3A_417, %swap3A_418], %bitcast3A_415 {strides = array<i32>} : memref<16x2048xi32, #tpu.memory_space<vmem>>, vector<16xi32>,
      %broadcast_in_dim3A_420 = arith.constant 3 : i32
      %broadcast_in_dim3A_421 = vector.broadcast %broadcast_in_dim3A_420 : i32 to vector<16xi32>
      %add3A_422 = arith.addi %mul3A_280, %broadcast_in_dim3A_421 : vector<16xi32>
      %gather3A_423 = tpu.vector_load_idx %arg7[%add3A_422] : memref<26248xi32, #tpu.memory_space<vmem>>[vector<16xi32>], vector<16xi32>,
      %bitcast3A_424 = vector.bitcast %gather3A_423 : vector<16xi32> to vector<32xbf16>
      %add3A_425 = arith.addi %mul3A_287, %broadcast_in_dim3A_421 : vector<16xi32>
      %gather3A_426 = tpu.vector_load_idx %arg7[%add3A_425] : memref<26248xi32, #tpu.memory_space<vmem>>[vector<16xi32>], vector<16xi32>,
      %bitcast3A_427 = vector.bitcast %gather3A_426 : vector<16xi32> to vector<32xbf16>
      %add3A_428 = arith.addf %bitcast3A_424, %bitcast3A_427 : vector<32xbf16>
      %add3A_429 = arith.addi %mul3A_294, %broadcast_in_dim3A_421 : vector<16xi32>
      %gather3A_430 = tpu.vector_load_idx %arg7[%add3A_429] : memref<26248xi32, #tpu.memory_space<vmem>>[vector<16xi32>], vector<16xi32>,
      %bitcast3A_431 = vector.bitcast %gather3A_430 : vector<16xi32> to vector<32xbf16>
      %add3A_432 = arith.addi %mul3A_301, %broadcast_in_dim3A_421 : vector<16xi32>
      %gather3A_433 = tpu.vector_load_idx %arg8[%add3A_432] : memref<26248xi32, #tpu.memory_space<vmem>>[vector<16xi32>], vector<16xi32>,
      %bitcast3A_434 = vector.bitcast %gather3A_433 : vector<16xi32> to vector<32xbf16>
      %add3A_435 = arith.addf %bitcast3A_431, %bitcast3A_434 : vector<32xbf16>
      %add3A_436 = arith.addi %mul3A_308, %broadcast_in_dim3A_421 : vector<16xi32>
      %gather3A_437 = tpu.vector_load_idx %arg8[%add3A_436] : memref<26248xi32, #tpu.memory_space<vmem>>[vector<16xi32>], vector<16xi32>,
      %bitcast3A_438 = vector.bitcast %gather3A_437 : vector<16xi32> to vector<32xbf16>
      %add3A_439 = arith.addi %mul3A_315, %broadcast_in_dim3A_421 : vector<16xi32>
      %gather3A_440 = tpu.vector_load_idx %arg8[%add3A_439] : memref<26248xi32, #tpu.memory_space<vmem>>[vector<16xi32>], vector<16xi32>,
      %bitcast3A_441 = vector.bitcast %gather3A_440 : vector<16xi32> to vector<32xbf16>
      %add3A_442 = arith.addf %bitcast3A_438, %bitcast3A_441 : vector<32xbf16>
      %add3A_443 = arith.addf %add3A_428, %add3A_435 : vector<32xbf16>
      %add3A_444 = arith.addf %add3A_443, %add3A_442 : vector<32xbf16>
      %get3A_445 = arith.constant 3 : i32
      %get3A_446 = arith.index_cast %get3A_445 : i32 to index
      %get3A_447 = arith.index_cast %multiple_of3A : i32 to index
      %get3A_448 = tpu.vector_load %arg10[%get3A_446, %get3A_447] {strides = array<i32>} : memref<16x2048xi32, #tpu.memory_space<vmem>>, vector<16xi32>,
      %bitcast3A_449 = vector.bitcast %get3A_448 : vector<16xi32> to vector<32xbf16>
      %add3A_450 = arith.addf %bitcast3A_449, %add3A_444 : vector<32xbf16>
      %bitcast3A_451 = vector.bitcast %add3A_450 : vector<32xbf16> to vector<16xi32>
      %swap3A_452 = arith.constant 3 : i32
      %swap3A_453 = arith.index_cast %swap3A_452 : i32 to index
      %swap3A_454 = arith.index_cast %multiple_of3A : i32 to index
      %swap3A_455 = tpu.vector_load %arg10[%swap3A_453, %swap3A_454] {strides = array<i32>} : memref<16x2048xi32, #tpu.memory_space<vmem>>, vector<16xi32>,
      tpu.vector_store %arg10[%swap3A_453, %swap3A_454], %bitcast3A_451 {strides = array<i32>} : memref<16x2048xi32, #tpu.memory_space<vmem>>, vector<16xi32>,
      %broadcast_in_dim3A_456 = arith.constant 4 : i32
      %broadcast_in_dim3A_457 = vector.broadcast %broadcast_in_dim3A_456 : i32 to vector<16xi32>
      %add3A_458 = arith.addi %mul3A_280, %broadcast_in_dim3A_457 : vector<16xi32>
      %gather3A_459 = tpu.vector_load_idx %arg7[%add3A_458] : memref<26248xi32, #tpu.memory_space<vmem>>[vector<16xi32>], vector<16xi32>,
      %bitcast3A_460 = vector.bitcast %gather3A_459 : vector<16xi32> to vector<32xbf16>
      %add3A_461 = arith.addi %mul3A_287, %broadcast_in_dim3A_457 : vector<16xi32>
      %gather3A_462 = tpu.vector_load_idx %arg7[%add3A_461] : memref<26248xi32, #tpu.memory_space<vmem>>[vector<16xi32>], vector<16xi32>,
      %bitcast3A_463 = vector.bitcast %gather3A_462 : vector<16xi32> to vector<32xbf16>
      %add3A_464 = arith.addf %bitcast3A_460, %bitcast3A_463 : vector<32xbf16>
      %add3A_465 = arith.addi %mul3A_294, %broadcast_in_dim3A_457 : vector<16xi32>
      %gather3A_466 = tpu.vector_load_idx %arg7[%add3A_465] : memref<26248xi32, #tpu.memory_space<vmem>>[vector<16xi32>], vector<16xi32>,
      %bitcast3A_467 = vector.bitcast %gather3A_466 : vector<16xi32> to vector<32xbf16>
      %add3A_468 = arith.addi %mul3A_301, %broadcast_in_dim3A_457 : vector<16xi32>
      %gather3A_469 = tpu.vector_load_idx %arg8[%add3A_468] : memref<26248xi32, #tpu.memory_space<vmem>>[vector<16xi32>], vector<16xi32>,
      %bitcast3A_470 = vector.bitcast %gather3A_469 : vector<16xi32> to vector<32xbf16>
      %add3A_471 = arith.addf %bitcast3A_467, %bitcast3A_470 : vector<32xbf16>
      %add3A_472 = arith.addi %mul3A_308, %broadcast_in_dim3A_457 : vector<16xi32>
      %gather3A_473 = tpu.vector_load_idx %arg8[%add3A_472] : memref<26248xi32, #tpu.memory_space<vmem>>[vector<16xi32>], vector<16xi32>,
      %bitcast3A_474 = vector.bitcast %gather3A_473 : vector<16xi32> to vector<32xbf16>
      %add3A_475 = arith.addi %mul3A_315, %broadcast_in_dim3A_457 : vector<16xi32>
      %gather3A_476 = tpu.vector_load_idx %arg8[%add3A_475] : memref<26248xi32, #tpu.memory_space<vmem>>[vector<16xi32>], vector<16xi32>,
      %bitcast3A_477 = vector.bitcast %gather3A_476 : vector<16xi32> to vector<32xbf16>
      %add3A_478 = arith.addf %bitcast3A_474, %bitcast3A_477 : vector<32xbf16>
      %add3A_479 = arith.addf %add3A_464, %add3A_471 : vector<32xbf16>
      %add3A_480 = arith.addf %add3A_479, %add3A_478 : vector<32xbf16>
      %get3A_481 = arith.constant 4 : i32
      %get3A_482 = arith.index_cast %get3A_481 : i32 to index
      %get3A_483 = arith.index_cast %multiple_of3A : i32 to index
      %get3A_484 = tpu.vector_load %arg10[%get3A_482, %get3A_483] {strides = array<i32>} : memref<16x2048xi32, #tpu.memory_space<vmem>>, vector<16xi32>,
      %bitcast3A_485 = vector.bitcast %get3A_484 : vector<16xi32> to vector<32xbf16>
      %add3A_486 = arith.addf %bitcast3A_485, %add3A_480 : vector<32xbf16>
      %bitcast3A_487 = vector.bitcast %add3A_486 : vector<32xbf16> to vector<16xi32>
      %swap3A_488 = arith.constant 4 : i32
      %swap3A_489 = arith.index_cast %swap3A_488 : i32 to index
      %swap3A_490 = arith.index_cast %multiple_of3A : i32 to index
      %swap3A_491 = tpu.vector_load %arg10[%swap3A_489, %swap3A_490] {strides = array<i32>} : memref<16x2048xi32, #tpu.memory_space<vmem>>, vector<16xi32>,
      tpu.vector_store %arg10[%swap3A_489, %swap3A_490], %bitcast3A_487 {strides = array<i32>} : memref<16x2048xi32, #tpu.memory_space<vmem>>, vector<16xi32>,
      %broadcast_in_dim3A_492 = arith.constant 5 : i32
      %broadcast_in_dim3A_493 = vector.broadcast %broadcast_in_dim3A_492 : i32 to vector<16xi32>
      %add3A_494 = arith.addi %mul3A_280, %broadcast_in_dim3A_493 : vector<16xi32>
      %gather3A_495 = tpu.vector_load_idx %arg7[%add3A_494] : memref<26248xi32, #tpu.memory_space<vmem>>[vector<16xi32>], vector<16xi32>,
      %bitcast3A_496 = vector.bitcast %gather3A_495 : vector<16xi32> to vector<32xbf16>
      %add3A_497 = arith.addi %mul3A_287, %broadcast_in_dim3A_493 : vector<16xi32>
      %gather3A_498 = tpu.vector_load_idx %arg7[%add3A_497] : memref<26248xi32, #tpu.memory_space<vmem>>[vector<16xi32>], vector<16xi32>,
      %bitcast3A_499 = vector.bitcast %gather3A_498 : vector<16xi32> to vector<32xbf16>
      %add3A_500 = arith.addf %bitcast3A_496, %bitcast3A_499 : vector<32xbf16>
      %add3A_501 = arith.addi %mul3A_294, %broadcast_in_dim3A_493 : vector<16xi32>
      %gather3A_502 = tpu.vector_load_idx %arg7[%add3A_501] : memref<26248xi32, #tpu.memory_space<vmem>>[vector<16xi32>], vector<16xi32>,
      %bitcast3A_503 = vector.bitcast %gather3A_502 : vector<16xi32> to vector<32xbf16>
      %add3A_504 = arith.addi %mul3A_301, %broadcast_in_dim3A_493 : vector<16xi32>
      %gather3A_505 = tpu.vector_load_idx %arg8[%add3A_504] : memref<26248xi32, #tpu.memory_space<vmem>>[vector<16xi32>], vector<16xi32>,
      %bitcast3A_506 = vector.bitcast %gather3A_505 : vector<16xi32> to vector<32xbf16>
      %add3A_507 = arith.addf %bitcast3A_503, %bitcast3A_506 : vector<32xbf16>
      %add3A_508 = arith.addi %mul3A_308, %broadcast_in_dim3A_493 : vector<16xi32>
      %gather3A_509 = tpu.vector_load_idx %arg8[%add3A_508] : memref<26248xi32, #tpu.memory_space<vmem>>[vector<16xi32>], vector<16xi32>,
      %bitcast3A_510 = vector.bitcast %gather3A_509 : vector<16xi32> to vector<32xbf16>
      %add3A_511 = arith.addi %mul3A_315, %broadcast_in_dim3A_493 : vector<16xi32>
      %gather3A_512 = tpu.vector_load_idx %arg8[%add3A_511] : memref<26248xi32, #tpu.memory_space<vmem>>[vector<16xi32>], vector<16xi32>,
      %bitcast3A_513 = vector.bitcast %gather3A_512 : vector<16xi32> to vector<32xbf16>
      %add3A_514 = arith.addf %bitcast3A_510, %bitcast3A_513 : vector<32xbf16>
      %add3A_515 = arith.addf %add3A_500, %add3A_507 : vector<32xbf16>
      %add3A_516 = arith.addf %add3A_515, %add3A_514 : vector<32xbf16>
      %get3A_517 = arith.constant 5 : i32
      %get3A_518 = arith.index_cast %get3A_517 : i32 to index
      %get3A_519 = arith.index_cast %multiple_of3A : i32 to index
      %get3A_520 = tpu.vector_load %arg10[%get3A_518, %get3A_519] {strides = array<i32>} : memref<16x2048xi32, #tpu.memory_space<vmem>>, vector<16xi32>,
      %bitcast3A_521 = vector.bitcast %get3A_520 : vector<16xi32> to vector<32xbf16>
      %add3A_522 = arith.addf %bitcast3A_521, %add3A_516 : vector<32xbf16>
      %bitcast3A_523 = vector.bitcast %add3A_522 : vector<32xbf16> to vector<16xi32>
      %swap3A_524 = arith.constant 5 : i32
      %swap3A_525 = arith.index_cast %swap3A_524 : i32 to index
      %swap3A_526 = arith.index_cast %multiple_of3A : i32 to index
      %swap3A_527 = tpu.vector_load %arg10[%swap3A_525, %swap3A_526] {strides = array<i32>} : memref<16x2048xi32, #tpu.memory_space<vmem>>, vector<16xi32>,
      tpu.vector_store %arg10[%swap3A_525, %swap3A_526], %bitcast3A_523 {strides = array<i32>} : memref<16x2048xi32, #tpu.memory_space<vmem>>, vector<16xi32>,
      %broadcast_in_dim3A_528 = arith.constant 6 : i32
      %broadcast_in_dim3A_529 = vector.broadcast %broadcast_in_dim3A_528 : i32 to vector<16xi32>
      %add3A_530 = arith.addi %mul3A_280, %broadcast_in_dim3A_529 : vector<16xi32>
      %gather3A_531 = tpu.vector_load_idx %arg7[%add3A_530] : memref<26248xi32, #tpu.memory_space<vmem>>[vector<16xi32>], vector<16xi32>,
      %bitcast3A_532 = vector.bitcast %gather3A_531 : vector<16xi32> to vector<32xbf16>
      %add3A_533 = arith.addi %mul3A_287, %broadcast_in_dim3A_529 : vector<16xi32>
      %gather3A_534 = tpu.vector_load_idx %arg7[%add3A_533] : memref<26248xi32, #tpu.memory_space<vmem>>[vector<16xi32>], vector<16xi32>,
      %bitcast3A_535 = vector.bitcast %gather3A_534 : vector<16xi32> to vector<32xbf16>
      %add3A_536 = arith.addf %bitcast3A_532, %bitcast3A_535 : vector<32xbf16>
      %add3A_537 = arith.addi %mul3A_294, %broadcast_in_dim3A_529 : vector<16xi32>
      %gather3A_538 = tpu.vector_load_idx %arg7[%add3A_537] : memref<26248xi32, #tpu.memory_space<vmem>>[vector<16xi32>], vector<16xi32>,
      %bitcast3A_539 = vector.bitcast %gather3A_538 : vector<16xi32> to vector<32xbf16>
      %add3A_540 = arith.addi %mul3A_301, %broadcast_in_dim3A_529 : vector<16xi32>
      %gather3A_541 = tpu.vector_load_idx %arg8[%add3A_540] : memref<26248xi32, #tpu.memory_space<vmem>>[vector<16xi32>], vector<16xi32>,
      %bitcast3A_542 = vector.bitcast %gather3A_541 : vector<16xi32> to vector<32xbf16>
      %add3A_543 = arith.addf %bitcast3A_539, %bitcast3A_542 : vector<32xbf16>
      %add3A_544 = arith.addi %mul3A_308, %broadcast_in_dim3A_529 : vector<16xi32>
      %gather3A_545 = tpu.vector_load_idx %arg8[%add3A_544] : memref<26248xi32, #tpu.memory_space<vmem>>[vector<16xi32>], vector<16xi32>,
      %bitcast3A_546 = vector.bitcast %gather3A_545 : vector<16xi32> to vector<32xbf16>
      %add3A_547 = arith.addi %mul3A_315, %broadcast_in_dim3A_529 : vector<16xi32>
      %gather3A_548 = tpu.vector_load_idx %arg8[%add3A_547] : memref<26248xi32, #tpu.memory_space<vmem>>[vector<16xi32>], vector<16xi32>,
      %bitcast3A_549 = vector.bitcast %gather3A_548 : vector<16xi32> to vector<32xbf16>
      %add3A_550 = arith.addf %bitcast3A_546, %bitcast3A_549 : vector<32xbf16>
      %add3A_551 = arith.addf %add3A_536, %add3A_543 : vector<32xbf16>
      %add3A_552 = arith.addf %add3A_551, %add3A_550 : vector<32xbf16>
      %get3A_553 = arith.constant 6 : i32
      %get3A_554 = arith.index_cast %get3A_553 : i32 to index
      %get3A_555 = arith.index_cast %multiple_of3A : i32 to index
      %get3A_556 = tpu.vector_load %arg10[%get3A_554, %get3A_555] {strides = array<i32>} : memref<16x2048xi32, #tpu.memory_space<vmem>>, vector<16xi32>,
      %bitcast3A_557 = vector.bitcast %get3A_556 : vector<16xi32> to vector<32xbf16>
      %add3A_558 = arith.addf %bitcast3A_557, %add3A_552 : vector<32xbf16>
      %bitcast3A_559 = vector.bitcast %add3A_558 : vector<32xbf16> to vector<16xi32>
      %swap3A_560 = arith.constant 6 : i32
      %swap3A_561 = arith.index_cast %swap3A_560 : i32 to index
      %swap3A_562 = arith.index_cast %multiple_of3A : i32 to index
      %swap3A_563 = tpu.vector_load %arg10[%swap3A_561, %swap3A_562] {strides = array<i32>} : memref<16x2048xi32, #tpu.memory_space<vmem>>, vector<16xi32>,
      tpu.vector_store %arg10[%swap3A_561, %swap3A_562], %bitcast3A_559 {strides = array<i32>} : memref<16x2048xi32, #tpu.memory_space<vmem>>, vector<16xi32>,
      %broadcast_in_dim3A_564 = arith.constant 7 : i32
      %broadcast_in_dim3A_565 = vector.broadcast %broadcast_in_dim3A_564 : i32 to vector<16xi32>
      %add3A_566 = arith.addi %mul3A_280, %broadcast_in_dim3A_565 : vector<16xi32>
      %gather3A_567 = tpu.vector_load_idx %arg7[%add3A_566] : memref<26248xi32, #tpu.memory_space<vmem>>[vector<16xi32>], vector<16xi32>,
      %bitcast3A_568 = vector.bitcast %gather3A_567 : vector<16xi32> to vector<32xbf16>
      %add3A_569 = arith.addi %mul3A_287, %broadcast_in_dim3A_565 : vector<16xi32>
      %gather3A_570 = tpu.vector_load_idx %arg7[%add3A_569] : memref<26248xi32, #tpu.memory_space<vmem>>[vector<16xi32>], vector<16xi32>,
      %bitcast3A_571 = vector.bitcast %gather3A_570 : vector<16xi32> to vector<32xbf16>
      %add3A_572 = arith.addf %bitcast3A_568, %bitcast3A_571 : vector<32xbf16>
      %add3A_573 = arith.addi %mul3A_294, %broadcast_in_dim3A_565 : vector<16xi32>
      %gather3A_574 = tpu.vector_load_idx %arg7[%add3A_573] : memref<26248xi32, #tpu.memory_space<vmem>>[vector<16xi32>], vector<16xi32>,
      %bitcast3A_575 = vector.bitcast %gather3A_574 : vector<16xi32> to vector<32xbf16>
      %add3A_576 = arith.addi %mul3A_301, %broadcast_in_dim3A_565 : vector<16xi32>
      %gather3A_577 = tpu.vector_load_idx %arg8[%add3A_576] : memref<26248xi32, #tpu.memory_space<vmem>>[vector<16xi32>], vector<16xi32>,
      %bitcast3A_578 = vector.bitcast %gather3A_577 : vector<16xi32> to vector<32xbf16>
      %add3A_579 = arith.addf %bitcast3A_575, %bitcast3A_578 : vector<32xbf16>
      %add3A_580 = arith.addi %mul3A_308, %broadcast_in_dim3A_565 : vector<16xi32>
      %gather3A_581 = tpu.vector_load_idx %arg8[%add3A_580] : memref<26248xi32, #tpu.memory_space<vmem>>[vector<16xi32>], vector<16xi32>,
      %bitcast3A_582 = vector.bitcast %gather3A_581 : vector<16xi32> to vector<32xbf16>
      %add3A_583 = arith.addi %mul3A_315, %broadcast_in_dim3A_565 : vector<16xi32>
      %gather3A_584 = tpu.vector_load_idx %arg8[%add3A_583] : memref<26248xi32, #tpu.memory_space<vmem>>[vector<16xi32>], vector<16xi32>,
      %bitcast3A_585 = vector.bitcast %gather3A_584 : vector<16xi32> to vector<32xbf16>
      %add3A_586 = arith.addf %bitcast3A_582, %bitcast3A_585 : vector<32xbf16>
      %add3A_587 = arith.addf %add3A_572, %add3A_579 : vector<32xbf16>
      %add3A_588 = arith.addf %add3A_587, %add3A_586 : vector<32xbf16>
      %get3A_589 = arith.constant 7 : i32
      %get3A_590 = arith.index_cast %get3A_589 : i32 to index
      %get3A_591 = arith.index_cast %multiple_of3A : i32 to index
      %get3A_592 = tpu.vector_load %arg10[%get3A_590, %get3A_591] {strides = array<i32>} : memref<16x2048xi32, #tpu.memory_space<vmem>>, vector<16xi32>,
      %bitcast3A_593 = vector.bitcast %get3A_592 : vector<16xi32> to vector<32xbf16>
      %add3A_594 = arith.addf %bitcast3A_593, %add3A_588 : vector<32xbf16>
      %bitcast3A_595 = vector.bitcast %add3A_594 : vector<32xbf16> to vector<16xi32>
      %swap3A_596 = arith.constant 7 : i32
      %swap3A_597 = arith.index_cast %swap3A_596 : i32 to index
      %swap3A_598 = arith.index_cast %multiple_of3A : i32 to index
      %swap3A_599 = tpu.vector_load %arg10[%swap3A_597, %swap3A_598] {strides = array<i32>} : memref<16x2048xi32, #tpu.memory_space<vmem>>, vector<16xi32>,
      tpu.vector_store %arg10[%swap3A_597, %swap3A_598], %bitcast3A_595 {strides = array<i32>} : memref<16x2048xi32, #tpu.memory_space<vmem>>, vector<16xi32>,
      %broadcast_in_dim3A_600 = arith.constant 8 : i32
      %broadcast_in_dim3A_601 = vector.broadcast %broadcast_in_dim3A_600 : i32 to vector<16xi32>
      %add3A_602 = arith.addi %mul3A_280, %broadcast_in_dim3A_601 : vector<16xi32>
      %gather3A_603 = tpu.vector_load_idx %arg7[%add3A_602] : memref<26248xi32, #tpu.memory_space<vmem>>[vector<16xi32>], vector<16xi32>,
      %bitcast3A_604 = vector.bitcast %gather3A_603 : vector<16xi32> to vector<32xbf16>
      %add3A_605 = arith.addi %mul3A_287, %broadcast_in_dim3A_601 : vector<16xi32>
      %gather3A_606 = tpu.vector_load_idx %arg7[%add3A_605] : memref<26248xi32, #tpu.memory_space<vmem>>[vector<16xi32>], vector<16xi32>,
      %bitcast3A_607 = vector.bitcast %gather3A_606 : vector<16xi32> to vector<32xbf16>
      %add3A_608 = arith.addf %bitcast3A_604, %bitcast3A_607 : vector<32xbf16>
      %add3A_609 = arith.addi %mul3A_294, %broadcast_in_dim3A_601 : vector<16xi32>
      %gather3A_610 = tpu.vector_load_idx %arg7[%add3A_609] : memref<26248xi32, #tpu.memory_space<vmem>>[vector<16xi32>], vector<16xi32>,
      %bitcast3A_611 = vector.bitcast %gather3A_610 : vector<16xi32> to vector<32xbf16>
      %add3A_612 = arith.addi %mul3A_301, %broadcast_in_dim3A_601 : vector<16xi32>
      %gather3A_613 = tpu.vector_load_idx %arg8[%add3A_612] : memref<26248xi32, #tpu.memory_space<vmem>>[vector<16xi32>], vector<16xi32>,
      %bitcast3A_614 = vector.bitcast %gather3A_613 : vector<16xi32> to vector<32xbf16>
      %add3A_615 = arith.addf %bitcast3A_611, %bitcast3A_614 : vector<32xbf16>
      %add3A_616 = arith.addi %mul3A_308, %broadcast_in_dim3A_601 : vector<16xi32>
      %gather3A_617 = tpu.vector_load_idx %arg8[%add3A_616] : memref<26248xi32, #tpu.memory_space<vmem>>[vector<16xi32>], vector<16xi32>,
      %bitcast3A_618 = vector.bitcast %gather3A_617 : vector<16xi32> to vector<32xbf16>
      %add3A_619 = arith.addi %mul3A_315, %broadcast_in_dim3A_601 : vector<16xi32>
      %gather3A_620 = tpu.vector_load_idx %arg8[%add3A_619] : memref<26248xi32, #tpu.memory_space<vmem>>[vector<16xi32>], vector<16xi32>,
      %bitcast3A_621 = vector.bitcast %gather3A_620 : vector<16xi32> to vector<32xbf16>
      %add3A_622 = arith.addf %bitcast3A_618, %bitcast3A_621 : vector<32xbf16>
      %add3A_623 = arith.addf %add3A_608, %add3A_615 : vector<32xbf16>
      %add3A_624 = arith.addf %add3A_623, %add3A_622 : vector<32xbf16>
      %get3A_625 = arith.constant 8 : i32
      %get3A_626 = arith.index_cast %get3A_625 : i32 to index
      %get3A_627 = arith.index_cast %multiple_of3A : i32 to index
      %get3A_628 = tpu.vector_load %arg10[%get3A_626, %get3A_627] {strides = array<i32>} : memref<16x2048xi32, #tpu.memory_space<vmem>>, vector<16xi32>,
      %bitcast3A_629 = vector.bitcast %get3A_628 : vector<16xi32> to vector<32xbf16>
      %add3A_630 = arith.addf %bitcast3A_629, %add3A_624 : vector<32xbf16>
      %bitcast3A_631 = vector.bitcast %add3A_630 : vector<32xbf16> to vector<16xi32>
      %swap3A_632 = arith.constant 8 : i32
      %swap3A_633 = arith.index_cast %swap3A_632 : i32 to index
      %swap3A_634 = arith.index_cast %multiple_of3A : i32 to index
      %swap3A_635 = tpu.vector_load %arg10[%swap3A_633, %swap3A_634] {strides = array<i32>} : memref<16x2048xi32, #tpu.memory_space<vmem>>, vector<16xi32>,
      tpu.vector_store %arg10[%swap3A_633, %swap3A_634], %bitcast3A_631 {strides = array<i32>} : memref<16x2048xi32, #tpu.memory_space<vmem>>, vector<16xi32>,
      %broadcast_in_dim3A_636 = arith.constant 9 : i32
      %broadcast_in_dim3A_637 = vector.broadcast %broadcast_in_dim3A_636 : i32 to vector<16xi32>
      %add3A_638 = arith.addi %mul3A_280, %broadcast_in_dim3A_637 : vector<16xi32>
      %gather3A_639 = tpu.vector_load_idx %arg7[%add3A_638] : memref<26248xi32, #tpu.memory_space<vmem>>[vector<16xi32>], vector<16xi32>,
      %bitcast3A_640 = vector.bitcast %gather3A_639 : vector<16xi32> to vector<32xbf16>
      %add3A_641 = arith.addi %mul3A_287, %broadcast_in_dim3A_637 : vector<16xi32>
      %gather3A_642 = tpu.vector_load_idx %arg7[%add3A_641] : memref<26248xi32, #tpu.memory_space<vmem>>[vector<16xi32>], vector<16xi32>,
      %bitcast3A_643 = vector.bitcast %gather3A_642 : vector<16xi32> to vector<32xbf16>
      %add3A_644 = arith.addf %bitcast3A_640, %bitcast3A_643 : vector<32xbf16>
      %add3A_645 = arith.addi %mul3A_294, %broadcast_in_dim3A_637 : vector<16xi32>
      %gather3A_646 = tpu.vector_load_idx %arg7[%add3A_645] : memref<26248xi32, #tpu.memory_space<vmem>>[vector<16xi32>], vector<16xi32>,
      %bitcast3A_647 = vector.bitcast %gather3A_646 : vector<16xi32> to vector<32xbf16>
      %add3A_648 = arith.addi %mul3A_301, %broadcast_in_dim3A_637 : vector<16xi32>
      %gather3A_649 = tpu.vector_load_idx %arg8[%add3A_648] : memref<26248xi32, #tpu.memory_space<vmem>>[vector<16xi32>], vector<16xi32>,
      %bitcast3A_650 = vector.bitcast %gather3A_649 : vector<16xi32> to vector<32xbf16>
      %add3A_651 = arith.addf %bitcast3A_647, %bitcast3A_650 : vector<32xbf16>
      %add3A_652 = arith.addi %mul3A_308, %broadcast_in_dim3A_637 : vector<16xi32>
      %gather3A_653 = tpu.vector_load_idx %arg8[%add3A_652] : memref<26248xi32, #tpu.memory_space<vmem>>[vector<16xi32>], vector<16xi32>,
      %bitcast3A_654 = vector.bitcast %gather3A_653 : vector<16xi32> to vector<32xbf16>
      %add3A_655 = arith.addi %mul3A_315, %broadcast_in_dim3A_637 : vector<16xi32>
      %gather3A_656 = tpu.vector_load_idx %arg8[%add3A_655] : memref<26248xi32, #tpu.memory_space<vmem>>[vector<16xi32>], vector<16xi32>,
      %bitcast3A_657 = vector.bitcast %gather3A_656 : vector<16xi32> to vector<32xbf16>
      %add3A_658 = arith.addf %bitcast3A_654, %bitcast3A_657 : vector<32xbf16>
      %add3A_659 = arith.addf %add3A_644, %add3A_651 : vector<32xbf16>
      %add3A_660 = arith.addf %add3A_659, %add3A_658 : vector<32xbf16>
      %get3A_661 = arith.constant 9 : i32
      %get3A_662 = arith.index_cast %get3A_661 : i32 to index
      %get3A_663 = arith.index_cast %multiple_of3A : i32 to index
      %get3A_664 = tpu.vector_load %arg10[%get3A_662, %get3A_663] {strides = array<i32>} : memref<16x2048xi32, #tpu.memory_space<vmem>>, vector<16xi32>,
      %bitcast3A_665 = vector.bitcast %get3A_664 : vector<16xi32> to vector<32xbf16>
      %add3A_666 = arith.addf %bitcast3A_665, %add3A_660 : vector<32xbf16>
      %bitcast3A_667 = vector.bitcast %add3A_666 : vector<32xbf16> to vector<16xi32>
      %swap3A_668 = arith.constant 9 : i32
      %swap3A_669 = arith.index_cast %swap3A_668 : i32 to index
      %swap3A_670 = arith.index_cast %multiple_of3A : i32 to index
      %swap3A_671 = tpu.vector_load %arg10[%swap3A_669, %swap3A_670] {strides = array<i32>} : memref<16x2048xi32, #tpu.memory_space<vmem>>, vector<16xi32>,
      tpu.vector_store %arg10[%swap3A_669, %swap3A_670], %bitcast3A_667 {strides = array<i32>} : memref<16x2048xi32, #tpu.memory_space<vmem>>, vector<16xi32>,
      %broadcast_in_dim3A_672 = arith.constant 10 : i32
      %broadcast_in_dim3A_673 = vector.broadcast %broadcast_in_dim3A_672 : i32 to vector<16xi32>
      %add3A_674 = arith.addi %mul3A_280, %broadcast_in_dim3A_673 : vector<16xi32>
      %gather3A_675 = tpu.vector_load_idx %arg7[%add3A_674] : memref<26248xi32, #tpu.memory_space<vmem>>[vector<16xi32>], vector<16xi32>,
      %bitcast3A_676 = vector.bitcast %gather3A_675 : vector<16xi32> to vector<32xbf16>
      %add3A_677 = arith.addi %mul3A_287, %broadcast_in_dim3A_673 : vector<16xi32>
      %gather3A_678 = tpu.vector_load_idx %arg7[%add3A_677] : memref<26248xi32, #tpu.memory_space<vmem>>[vector<16xi32>], vector<16xi32>,
      %bitcast3A_679 = vector.bitcast %gather3A_678 : vector<16xi32> to vector<32xbf16>
      %add3A_680 = arith.addf %bitcast3A_676, %bitcast3A_679 : vector<32xbf16>
      %add3A_681 = arith.addi %mul3A_294, %broadcast_in_dim3A_673 : vector<16xi32>
      %gather3A_682 = tpu.vector_load_idx %arg7[%add3A_681] : memref<26248xi32, #tpu.memory_space<vmem>>[vector<16xi32>], vector<16xi32>,
      %bitcast3A_683 = vector.bitcast %gather3A_682 : vector<16xi32> to vector<32xbf16>
      %add3A_684 = arith.addi %mul3A_301, %broadcast_in_dim3A_673 : vector<16xi32>
      %gather3A_685 = tpu.vector_load_idx %arg8[%add3A_684] : memref<26248xi32, #tpu.memory_space<vmem>>[vector<16xi32>], vector<16xi32>,
      %bitcast3A_686 = vector.bitcast %gather3A_685 : vector<16xi32> to vector<32xbf16>
      %add3A_687 = arith.addf %bitcast3A_683, %bitcast3A_686 : vector<32xbf16>
      %add3A_688 = arith.addi %mul3A_308, %broadcast_in_dim3A_673 : vector<16xi32>
      %gather3A_689 = tpu.vector_load_idx %arg8[%add3A_688] : memref<26248xi32, #tpu.memory_space<vmem>>[vector<16xi32>], vector<16xi32>,
      %bitcast3A_690 = vector.bitcast %gather3A_689 : vector<16xi32> to vector<32xbf16>
      %add3A_691 = arith.addi %mul3A_315, %broadcast_in_dim3A_673 : vector<16xi32>
      %gather3A_692 = tpu.vector_load_idx %arg8[%add3A_691] : memref<26248xi32, #tpu.memory_space<vmem>>[vector<16xi32>], vector<16xi32>,
      %bitcast3A_693 = vector.bitcast %gather3A_692 : vector<16xi32> to vector<32xbf16>
      %add3A_694 = arith.addf %bitcast3A_690, %bitcast3A_693 : vector<32xbf16>
      %add3A_695 = arith.addf %add3A_680, %add3A_687 : vector<32xbf16>
      %add3A_696 = arith.addf %add3A_695, %add3A_694 : vector<32xbf16>
      %get3A_697 = arith.constant 10 : i32
      %get3A_698 = arith.index_cast %get3A_697 : i32 to index
      %get3A_699 = arith.index_cast %multiple_of3A : i32 to index
      %get3A_700 = tpu.vector_load %arg10[%get3A_698, %get3A_699] {strides = array<i32>} : memref<16x2048xi32, #tpu.memory_space<vmem>>, vector<16xi32>,
      %bitcast3A_701 = vector.bitcast %get3A_700 : vector<16xi32> to vector<32xbf16>
      %add3A_702 = arith.addf %bitcast3A_701, %add3A_696 : vector<32xbf16>
      %bitcast3A_703 = vector.bitcast %add3A_702 : vector<32xbf16> to vector<16xi32>
      %swap3A_704 = arith.constant 10 : i32
      %swap3A_705 = arith.index_cast %swap3A_704 : i32 to index
      %swap3A_706 = arith.index_cast %multiple_of3A : i32 to index
      %swap3A_707 = tpu.vector_load %arg10[%swap3A_705, %swap3A_706] {strides = array<i32>} : memref<16x2048xi32, #tpu.memory_space<vmem>>, vector<16xi32>,
      tpu.vector_store %arg10[%swap3A_705, %swap3A_706], %bitcast3A_703 {strides = array<i32>} : memref<16x2048xi32, #tpu.memory_space<vmem>>, vector<16xi32>,
      %broadcast_in_dim3A_708 = arith.constant 11 : i32
      %broadcast_in_dim3A_709 = vector.broadcast %broadcast_in_dim3A_708 : i32 to vector<16xi32>
      %add3A_710 = arith.addi %mul3A_280, %broadcast_in_dim3A_709 : vector<16xi32>
      %gather3A_711 = tpu.vector_load_idx %arg7[%add3A_710] : memref<26248xi32, #tpu.memory_space<vmem>>[vector<16xi32>], vector<16xi32>,
      %bitcast3A_712 = vector.bitcast %gather3A_711 : vector<16xi32> to vector<32xbf16>
      %add3A_713 = arith.addi %mul3A_287, %broadcast_in_dim3A_709 : vector<16xi32>
      %gather3A_714 = tpu.vector_load_idx %arg7[%add3A_713] : memref<26248xi32, #tpu.memory_space<vmem>>[vector<16xi32>], vector<16xi32>,
      %bitcast3A_715 = vector.bitcast %gather3A_714 : vector<16xi32> to vector<32xbf16>
      %add3A_716 = arith.addf %bitcast3A_712, %bitcast3A_715 : vector<32xbf16>
      %add3A_717 = arith.addi %mul3A_294, %broadcast_in_dim3A_709 : vector<16xi32>
      %gather3A_718 = tpu.vector_load_idx %arg7[%add3A_717] : memref<26248xi32, #tpu.memory_space<vmem>>[vector<16xi32>], vector<16xi32>,
      %bitcast3A_719 = vector.bitcast %gather3A_718 : vector<16xi32> to vector<32xbf16>
      %add3A_720 = arith.addi %mul3A_301, %broadcast_in_dim3A_709 : vector<16xi32>
      %gather3A_721 = tpu.vector_load_idx %arg8[%add3A_720] : memref<26248xi32, #tpu.memory_space<vmem>>[vector<16xi32>], vector<16xi32>,
      %bitcast3A_722 = vector.bitcast %gather3A_721 : vector<16xi32> to vector<32xbf16>
      %add3A_723 = arith.addf %bitcast3A_719, %bitcast3A_722 : vector<32xbf16>
      %add3A_724 = arith.addi %mul3A_308, %broadcast_in_dim3A_709 : vector<16xi32>
      %gather3A_725 = tpu.vector_load_idx %arg8[%add3A_724] : memref<26248xi32, #tpu.memory_space<vmem>>[vector<16xi32>], vector<16xi32>,
      %bitcast3A_726 = vector.bitcast %gather3A_725 : vector<16xi32> to vector<32xbf16>
      %add3A_727 = arith.addi %mul3A_315, %broadcast_in_dim3A_709 : vector<16xi32>
      %gather3A_728 = tpu.vector_load_idx %arg8[%add3A_727] : memref<26248xi32, #tpu.memory_space<vmem>>[vector<16xi32>], vector<16xi32>,
      %bitcast3A_729 = vector.bitcast %gather3A_728 : vector<16xi32> to vector<32xbf16>
      %add3A_730 = arith.addf %bitcast3A_726, %bitcast3A_729 : vector<32xbf16>
      %add3A_731 = arith.addf %add3A_716, %add3A_723 : vector<32xbf16>
      %add3A_732 = arith.addf %add3A_731, %add3A_730 : vector<32xbf16>
      %get3A_733 = arith.constant 11 : i32
      %get3A_734 = arith.index_cast %get3A_733 : i32 to index
      %get3A_735 = arith.index_cast %multiple_of3A : i32 to index
      %get3A_736 = tpu.vector_load %arg10[%get3A_734, %get3A_735] {strides = array<i32>} : memref<16x2048xi32, #tpu.memory_space<vmem>>, vector<16xi32>,
      %bitcast3A_737 = vector.bitcast %get3A_736 : vector<16xi32> to vector<32xbf16>
      %add3A_738 = arith.addf %bitcast3A_737, %add3A_732 : vector<32xbf16>
      %bitcast3A_739 = vector.bitcast %add3A_738 : vector<32xbf16> to vector<16xi32>
      %swap3A_740 = arith.constant 11 : i32
      %swap3A_741 = arith.index_cast %swap3A_740 : i32 to index
      %swap3A_742 = arith.index_cast %multiple_of3A : i32 to index
      %swap3A_743 = tpu.vector_load %arg10[%swap3A_741, %swap3A_742] {strides = array<i32>} : memref<16x2048xi32, #tpu.memory_space<vmem>>, vector<16xi32>,
      tpu.vector_store %arg10[%swap3A_741, %swap3A_742], %bitcast3A_739 {strides = array<i32>} : memref<16x2048xi32, #tpu.memory_space<vmem>>, vector<16xi32>,
      %broadcast_in_dim3A_744 = arith.constant 12 : i32
      %broadcast_in_dim3A_745 = vector.broadcast %broadcast_in_dim3A_744 : i32 to vector<16xi32>
      %add3A_746 = arith.addi %mul3A_280, %broadcast_in_dim3A_745 : vector<16xi32>
      %gather3A_747 = tpu.vector_load_idx %arg7[%add3A_746] : memref<26248xi32, #tpu.memory_space<vmem>>[vector<16xi32>], vector<16xi32>,
      %bitcast3A_748 = vector.bitcast %gather3A_747 : vector<16xi32> to vector<32xbf16>
      %add3A_749 = arith.addi %mul3A_287, %broadcast_in_dim3A_745 : vector<16xi32>
      %gather3A_750 = tpu.vector_load_idx %arg7[%add3A_749] : memref<26248xi32, #tpu.memory_space<vmem>>[vector<16xi32>], vector<16xi32>,
      %bitcast3A_751 = vector.bitcast %gather3A_750 : vector<16xi32> to vector<32xbf16>
      %add3A_752 = arith.addf %bitcast3A_748, %bitcast3A_751 : vector<32xbf16>
      %add3A_753 = arith.addi %mul3A_294, %broadcast_in_dim3A_745 : vector<16xi32>
      %gather3A_754 = tpu.vector_load_idx %arg7[%add3A_753] : memref<26248xi32, #tpu.memory_space<vmem>>[vector<16xi32>], vector<16xi32>,
      %bitcast3A_755 = vector.bitcast %gather3A_754 : vector<16xi32> to vector<32xbf16>
      %add3A_756 = arith.addi %mul3A_301, %broadcast_in_dim3A_745 : vector<16xi32>
      %gather3A_757 = tpu.vector_load_idx %arg8[%add3A_756] : memref<26248xi32, #tpu.memory_space<vmem>>[vector<16xi32>], vector<16xi32>,
      %bitcast3A_758 = vector.bitcast %gather3A_757 : vector<16xi32> to vector<32xbf16>
      %add3A_759 = arith.addf %bitcast3A_755, %bitcast3A_758 : vector<32xbf16>
      %add3A_760 = arith.addi %mul3A_308, %broadcast_in_dim3A_745 : vector<16xi32>
      %gather3A_761 = tpu.vector_load_idx %arg8[%add3A_760] : memref<26248xi32, #tpu.memory_space<vmem>>[vector<16xi32>], vector<16xi32>,
      %bitcast3A_762 = vector.bitcast %gather3A_761 : vector<16xi32> to vector<32xbf16>
      %add3A_763 = arith.addi %mul3A_315, %broadcast_in_dim3A_745 : vector<16xi32>
      %gather3A_764 = tpu.vector_load_idx %arg8[%add3A_763] : memref<26248xi32, #tpu.memory_space<vmem>>[vector<16xi32>], vector<16xi32>,
      %bitcast3A_765 = vector.bitcast %gather3A_764 : vector<16xi32> to vector<32xbf16>
      %add3A_766 = arith.addf %bitcast3A_762, %bitcast3A_765 : vector<32xbf16>
      %add3A_767 = arith.addf %add3A_752, %add3A_759 : vector<32xbf16>
      %add3A_768 = arith.addf %add3A_767, %add3A_766 : vector<32xbf16>
      %get3A_769 = arith.constant 12 : i32
      %get3A_770 = arith.index_cast %get3A_769 : i32 to index
      %get3A_771 = arith.index_cast %multiple_of3A : i32 to index
      %get3A_772 = tpu.vector_load %arg10[%get3A_770, %get3A_771] {strides = array<i32>} : memref<16x2048xi32, #tpu.memory_space<vmem>>, vector<16xi32>,
      %bitcast3A_773 = vector.bitcast %get3A_772 : vector<16xi32> to vector<32xbf16>
      %add3A_774 = arith.addf %bitcast3A_773, %add3A_768 : vector<32xbf16>
      %bitcast3A_775 = vector.bitcast %add3A_774 : vector<32xbf16> to vector<16xi32>
      %swap3A_776 = arith.constant 12 : i32
      %swap3A_777 = arith.index_cast %swap3A_776 : i32 to index
      %swap3A_778 = arith.index_cast %multiple_of3A : i32 to index
      %swap3A_779 = tpu.vector_load %arg10[%swap3A_777, %swap3A_778] {strides = array<i32>} : memref<16x2048xi32, #tpu.memory_space<vmem>>, vector<16xi32>,
      tpu.vector_store %arg10[%swap3A_777, %swap3A_778], %bitcast3A_775 {strides = array<i32>} : memref<16x2048xi32, #tpu.memory_space<vmem>>, vector<16xi32>,
      %broadcast_in_dim3A_780 = arith.constant 13 : i32
      %broadcast_in_dim3A_781 = vector.broadcast %broadcast_in_dim3A_780 : i32 to vector<16xi32>
      %add3A_782 = arith.addi %mul3A_280, %broadcast_in_dim3A_781 : vector<16xi32>
      %gather3A_783 = tpu.vector_load_idx %arg7[%add3A_782] : memref<26248xi32, #tpu.memory_space<vmem>>[vector<16xi32>], vector<16xi32>,
      %bitcast3A_784 = vector.bitcast %gather3A_783 : vector<16xi32> to vector<32xbf16>
      %add3A_785 = arith.addi %mul3A_287, %broadcast_in_dim3A_781 : vector<16xi32>
      %gather3A_786 = tpu.vector_load_idx %arg7[%add3A_785] : memref<26248xi32, #tpu.memory_space<vmem>>[vector<16xi32>], vector<16xi32>,
      %bitcast3A_787 = vector.bitcast %gather3A_786 : vector<16xi32> to vector<32xbf16>
      %add3A_788 = arith.addf %bitcast3A_784, %bitcast3A_787 : vector<32xbf16>
      %add3A_789 = arith.addi %mul3A_294, %broadcast_in_dim3A_781 : vector<16xi32>
      %gather3A_790 = tpu.vector_load_idx %arg7[%add3A_789] : memref<26248xi32, #tpu.memory_space<vmem>>[vector<16xi32>], vector<16xi32>,
      %bitcast3A_791 = vector.bitcast %gather3A_790 : vector<16xi32> to vector<32xbf16>
      %add3A_792 = arith.addi %mul3A_301, %broadcast_in_dim3A_781 : vector<16xi32>
      %gather3A_793 = tpu.vector_load_idx %arg8[%add3A_792] : memref<26248xi32, #tpu.memory_space<vmem>>[vector<16xi32>], vector<16xi32>,
      %bitcast3A_794 = vector.bitcast %gather3A_793 : vector<16xi32> to vector<32xbf16>
      %add3A_795 = arith.addf %bitcast3A_791, %bitcast3A_794 : vector<32xbf16>
      %add3A_796 = arith.addi %mul3A_308, %broadcast_in_dim3A_781 : vector<16xi32>
      %gather3A_797 = tpu.vector_load_idx %arg8[%add3A_796] : memref<26248xi32, #tpu.memory_space<vmem>>[vector<16xi32>], vector<16xi32>,
      %bitcast3A_798 = vector.bitcast %gather3A_797 : vector<16xi32> to vector<32xbf16>
      %add3A_799 = arith.addi %mul3A_315, %broadcast_in_dim3A_781 : vector<16xi32>
      %gather3A_800 = tpu.vector_load_idx %arg8[%add3A_799] : memref<26248xi32, #tpu.memory_space<vmem>>[vector<16xi32>], vector<16xi32>,
      %bitcast3A_801 = vector.bitcast %gather3A_800 : vector<16xi32> to vector<32xbf16>
      %add3A_802 = arith.addf %bitcast3A_798, %bitcast3A_801 : vector<32xbf16>
      %add3A_803 = arith.addf %add3A_788, %add3A_795 : vector<32xbf16>
      %add3A_804 = arith.addf %add3A_803, %add3A_802 : vector<32xbf16>
      %get3A_805 = arith.constant 13 : i32
      %get3A_806 = arith.index_cast %get3A_805 : i32 to index
      %get3A_807 = arith.index_cast %multiple_of3A : i32 to index
      %get3A_808 = tpu.vector_load %arg10[%get3A_806, %get3A_807] {strides = array<i32>} : memref<16x2048xi32, #tpu.memory_space<vmem>>, vector<16xi32>,
      %bitcast3A_809 = vector.bitcast %get3A_808 : vector<16xi32> to vector<32xbf16>
      %add3A_810 = arith.addf %bitcast3A_809, %add3A_804 : vector<32xbf16>
      %bitcast3A_811 = vector.bitcast %add3A_810 : vector<32xbf16> to vector<16xi32>
      %swap3A_812 = arith.constant 13 : i32
      %swap3A_813 = arith.index_cast %swap3A_812 : i32 to index
      %swap3A_814 = arith.index_cast %multiple_of3A : i32 to index
      %swap3A_815 = tpu.vector_load %arg10[%swap3A_813, %swap3A_814] {strides = array<i32>} : memref<16x2048xi32, #tpu.memory_space<vmem>>, vector<16xi32>,
      tpu.vector_store %arg10[%swap3A_813, %swap3A_814], %bitcast3A_811 {strides = array<i32>} : memref<16x2048xi32, #tpu.memory_space<vmem>>, vector<16xi32>,
      %broadcast_in_dim3A_816 = arith.constant 14 : i32
      %broadcast_in_dim3A_817 = vector.broadcast %broadcast_in_dim3A_816 : i32 to vector<16xi32>
      %add3A_818 = arith.addi %mul3A_280, %broadcast_in_dim3A_817 : vector<16xi32>
      %gather3A_819 = tpu.vector_load_idx %arg7[%add3A_818] : memref<26248xi32, #tpu.memory_space<vmem>>[vector<16xi32>], vector<16xi32>,
      %bitcast3A_820 = vector.bitcast %gather3A_819 : vector<16xi32> to vector<32xbf16>
      %add3A_821 = arith.addi %mul3A_287, %broadcast_in_dim3A_817 : vector<16xi32>
      %gather3A_822 = tpu.vector_load_idx %arg7[%add3A_821] : memref<26248xi32, #tpu.memory_space<vmem>>[vector<16xi32>], vector<16xi32>,
      %bitcast3A_823 = vector.bitcast %gather3A_822 : vector<16xi32> to vector<32xbf16>
      %add3A_824 = arith.addf %bitcast3A_820, %bitcast3A_823 : vector<32xbf16>
      %add3A_825 = arith.addi %mul3A_294, %broadcast_in_dim3A_817 : vector<16xi32>
      %gather3A_826 = tpu.vector_load_idx %arg7[%add3A_825] : memref<26248xi32, #tpu.memory_space<vmem>>[vector<16xi32>], vector<16xi32>,
      %bitcast3A_827 = vector.bitcast %gather3A_826 : vector<16xi32> to vector<32xbf16>
      %add3A_828 = arith.addi %mul3A_301, %broadcast_in_dim3A_817 : vector<16xi32>
      %gather3A_829 = tpu.vector_load_idx %arg8[%add3A_828] : memref<26248xi32, #tpu.memory_space<vmem>>[vector<16xi32>], vector<16xi32>,
      %bitcast3A_830 = vector.bitcast %gather3A_829 : vector<16xi32> to vector<32xbf16>
      %add3A_831 = arith.addf %bitcast3A_827, %bitcast3A_830 : vector<32xbf16>
      %add3A_832 = arith.addi %mul3A_308, %broadcast_in_dim3A_817 : vector<16xi32>
      %gather3A_833 = tpu.vector_load_idx %arg8[%add3A_832] : memref<26248xi32, #tpu.memory_space<vmem>>[vector<16xi32>], vector<16xi32>,
      %bitcast3A_834 = vector.bitcast %gather3A_833 : vector<16xi32> to vector<32xbf16>
      %add3A_835 = arith.addi %mul3A_315, %broadcast_in_dim3A_817 : vector<16xi32>
      %gather3A_836 = tpu.vector_load_idx %arg8[%add3A_835] : memref<26248xi32, #tpu.memory_space<vmem>>[vector<16xi32>], vector<16xi32>,
      %bitcast3A_837 = vector.bitcast %gather3A_836 : vector<16xi32> to vector<32xbf16>
      %add3A_838 = arith.addf %bitcast3A_834, %bitcast3A_837 : vector<32xbf16>
      %add3A_839 = arith.addf %add3A_824, %add3A_831 : vector<32xbf16>
      %add3A_840 = arith.addf %add3A_839, %add3A_838 : vector<32xbf16>
      %get3A_841 = arith.constant 14 : i32
      %get3A_842 = arith.index_cast %get3A_841 : i32 to index
      %get3A_843 = arith.index_cast %multiple_of3A : i32 to index
      %get3A_844 = tpu.vector_load %arg10[%get3A_842, %get3A_843] {strides = array<i32>} : memref<16x2048xi32, #tpu.memory_space<vmem>>, vector<16xi32>,
      %bitcast3A_845 = vector.bitcast %get3A_844 : vector<16xi32> to vector<32xbf16>
      %add3A_846 = arith.addf %bitcast3A_845, %add3A_840 : vector<32xbf16>
      %bitcast3A_847 = vector.bitcast %add3A_846 : vector<32xbf16> to vector<16xi32>
      %swap3A_848 = arith.constant 14 : i32
      %swap3A_849 = arith.index_cast %swap3A_848 : i32 to index
      %swap3A_850 = arith.index_cast %multiple_of3A : i32 to index
      %swap3A_851 = tpu.vector_load %arg10[%swap3A_849, %swap3A_850] {strides = array<i32>} : memref<16x2048xi32, #tpu.memory_space<vmem>>, vector<16xi32>,
      tpu.vector_store %arg10[%swap3A_849, %swap3A_850], %bitcast3A_847 {strides = array<i32>} : memref<16x2048xi32, #tpu.memory_space<vmem>>, vector<16xi32>,
      %broadcast_in_dim3A_852 = arith.constant 15 : i32
      %broadcast_in_dim3A_853 = vector.broadcast %broadcast_in_dim3A_852 : i32 to vector<16xi32>
      %add3A_854 = arith.addi %mul3A_280, %broadcast_in_dim3A_853 : vector<16xi32>
      %gather3A_855 = tpu.vector_load_idx %arg7[%add3A_854] : memref<26248xi32, #tpu.memory_space<vmem>>[vector<16xi32>], vector<16xi32>,
      %bitcast3A_856 = vector.bitcast %gather3A_855 : vector<16xi32> to vector<32xbf16>
      %add3A_857 = arith.addi %mul3A_287, %broadcast_in_dim3A_853 : vector<16xi32>
      %gather3A_858 = tpu.vector_load_idx %arg7[%add3A_857] : memref<26248xi32, #tpu.memory_space<vmem>>[vector<16xi32>], vector<16xi32>,
      %bitcast3A_859 = vector.bitcast %gather3A_858 : vector<16xi32> to vector<32xbf16>
      %add3A_860 = arith.addf %bitcast3A_856, %bitcast3A_859 : vector<32xbf16>
      %add3A_861 = arith.addi %mul3A_294, %broadcast_in_dim3A_853 : vector<16xi32>
      %gather3A_862 = tpu.vector_load_idx %arg7[%add3A_861] : memref<26248xi32, #tpu.memory_space<vmem>>[vector<16xi32>], vector<16xi32>,
      %bitcast3A_863 = vector.bitcast %gather3A_862 : vector<16xi32> to vector<32xbf16>
      %add3A_864 = arith.addi %mul3A_301, %broadcast_in_dim3A_853 : vector<16xi32>
      %gather3A_865 = tpu.vector_load_idx %arg8[%add3A_864] : memref<26248xi32, #tpu.memory_space<vmem>>[vector<16xi32>], vector<16xi32>,
      %bitcast3A_866 = vector.bitcast %gather3A_865 : vector<16xi32> to vector<32xbf16>
      %add3A_867 = arith.addf %bitcast3A_863, %bitcast3A_866 : vector<32xbf16>
      %add3A_868 = arith.addi %mul3A_308, %broadcast_in_dim3A_853 : vector<16xi32>
      %gather3A_869 = tpu.vector_load_idx %arg8[%add3A_868] : memref<26248xi32, #tpu.memory_space<vmem>>[vector<16xi32>], vector<16xi32>,
      %bitcast3A_870 = vector.bitcast %gather3A_869 : vector<16xi32> to vector<32xbf16>
      %add3A_871 = arith.addi %mul3A_315, %broadcast_in_dim3A_853 : vector<16xi32>
      %gather3A_872 = tpu.vector_load_idx %arg8[%add3A_871] : memref<26248xi32, #tpu.memory_space<vmem>>[vector<16xi32>], vector<16xi32>,
      %bitcast3A_873 = vector.bitcast %gather3A_872 : vector<16xi32> to vector<32xbf16>
      %add3A_874 = arith.addf %bitcast3A_870, %bitcast3A_873 : vector<32xbf16>
      %add3A_875 = arith.addf %add3A_860, %add3A_867 : vector<32xbf16>
      %add3A_876 = arith.addf %add3A_875, %add3A_874 : vector<32xbf16>
      %get3A_877 = arith.constant 15 : i32
      %get3A_878 = arith.index_cast %get3A_877 : i32 to index
      %get3A_879 = arith.index_cast %multiple_of3A : i32 to index
      %get3A_880 = tpu.vector_load %arg10[%get3A_878, %get3A_879] {strides = array<i32>} : memref<16x2048xi32, #tpu.memory_space<vmem>>, vector<16xi32>,
      %bitcast3A_881 = vector.bitcast %get3A_880 : vector<16xi32> to vector<32xbf16>
      %add3A_882 = arith.addf %bitcast3A_881, %add3A_876 : vector<32xbf16>
      %bitcast3A_883 = vector.bitcast %add3A_882 : vector<32xbf16> to vector<16xi32>
      %swap3A_884 = arith.constant 15 : i32
      %swap3A_885 = arith.index_cast %swap3A_884 : i32 to index
      %swap3A_886 = arith.index_cast %multiple_of3A : i32 to index
      %swap3A_887 = tpu.vector_load %arg10[%swap3A_885, %swap3A_886] {strides = array<i32>} : memref<16x2048xi32, #tpu.memory_space<vmem>>, vector<16xi32>,
      tpu.vector_store %arg10[%swap3A_885, %swap3A_886], %bitcast3A_883 {strides = array<i32>} : memref<16x2048xi32, #tpu.memory_space<vmem>>, vector<16xi32>,
    }
    %scan3A_257 = arith.constant 128 : i32
    %dma_start3A_258 = arith.constant 104992 : i32
    %dma_start3A_259 = tpu.memref_slice %arg2[%dma_start3A_258] : memref<131240xi32, #tpu.memory_space<hbm>> -> memref<26248xi32, #tpu.memory_space<hbm>>
    %dma_start3A_260 = arith.constant 104992 : i32
    %dma_start3A_261 = tpu.memref_slice %arg2[%dma_start3A_260] : memref<131240xi32, #tpu.memory_space<hbm>> -> memref<26248xi32, #tpu.memory_space<hbm>>
    tpu.enqueue_dma source(%dma_start3A_261 : memref<26248xi32, #tpu.memory_space<hbm>>) target(%arg7 : memref<26248xi32, #tpu.memory_space<vmem>>) target_semaphore(%arg13 : memref<!tpu.dma_semaphore, #tpu.memory_space<semaphore_mem>>)
    %dma_wait3A_262 = arith.constant 104992 : i32
    %dma_wait3A_263 = tpu.memref_slice %arg2[%dma_wait3A_262] : memref<131240xi32, #tpu.memory_space<hbm>> -> memref<26248xi32, #tpu.memory_space<hbm>>
    %dma_wait3A_264 = arith.constant 104992 : i32
    %dma_wait3A_265 = tpu.memref_slice %arg2[%dma_wait3A_264] : memref<131240xi32, #tpu.memory_space<hbm>> -> memref<26248xi32, #tpu.memory_space<hbm>>
    tpu.wait_dma2 semaphore(%arg13 : memref<!tpu.dma_semaphore, #tpu.memory_space<semaphore_mem>>) src(%dma_wait3A_265 : memref<26248xi32, #tpu.memory_space<hbm>>) dst(%arg7 : memref<26248xi32, #tpu.memory_space<vmem>>)
    %scan3A_266 = arith.constant 0 : i32
    %scan3A_267 = arith.constant 0 : i32
    %scan3A_268 = arith.constant 128 : i32
    %scan3A_269 = arith.addi %scan3A_267, %scan3A_268 : i32
    %scan3A_270 = arith.constant 1 : i32
    scf.for %scan3A_272 = %scan3A_267 to %scan3A_269 step %scan3A_270  : i32 {
      %mul3A_273 = arith.constant 16 : i32
      %mul3A_274 = arith.muli %scan3A_272, %mul3A_273 : i32
      %multiple_of3A = tpu.assume_multiple %mul3A_274, 16 : i32
      %add3A_275 = arith.constant 24576 : i32
      %add3A_276 = arith.addi %add3A_275, %multiple_of3A : i32
      %get3A = arith.index_cast %add3A_276 : i32 to index
      %get3A_277 = tpu.vector_load %arg11[%get3A] {strides = array<i32>} : memref<30720xi32, #tpu.memory_space<vmem>>, vector<16xi32>,
      %mul3A_278 = arith.constant 17 : i32
      %mul3A_279 = vector.broadcast %mul3A_278 : i32 to vector<16xi32>
      %mul3A_280 = arith.muli %get3A_277, %mul3A_279 : vector<16xi32>
      %add3A_281 = arith.constant 26624 : i32
      %add3A_282 = arith.addi %add3A_281, %multiple_of3A : i32
      %get3A_283 = arith.index_cast %add3A_282 : i32 to index
      %get3A_284 = tpu.vector_load %arg11[%get3A_283] {strides = array<i32>} : memref<30720xi32, #tpu.memory_space<vmem>>, vector<16xi32>,
      %mul3A_285 = arith.constant 17 : i32
      %mul3A_286 = vector.broadcast %mul3A_285 : i32 to vector<16xi32>
      %mul3A_287 = arith.muli %get3A_284, %mul3A_286 : vector<16xi32>
      %add3A_288 = arith.constant 28672 : i32
      %add3A_289 = arith.addi %add3A_288, %multiple_of3A : i32
      %get3A_290 = arith.index_cast %add3A_289 : i32 to index
      %get3A_291 = tpu.vector_load %arg11[%get3A_290] {strides = array<i32>} : memref<30720xi32, #tpu.memory_space<vmem>>, vector<16xi32>,
      %mul3A_292 = arith.constant 17 : i32
      %mul3A_293 = vector.broadcast %mul3A_292 : i32 to vector<16xi32>
      %mul3A_294 = arith.muli %get3A_291, %mul3A_293 : vector<16xi32>
      %get3A_295 = arith.index_cast %multiple_of3A : i32 to index
      %get3A_296 = tpu.vector_load %arg12[%get3A_295] {strides = array<i32>} : memref<2048xi32, #tpu.memory_space<vmem>>, vector<16xi32>,
      %eq3A = arith.constant 0 : i32
      %eq3A_297 = vector.broadcast %eq3A : i32 to vector<16xi32>
      %eq3A_298 = arith.cmpi eq, %get3A_296, %eq3A_297 : vector<16xi32>
      %jit3A = arith.constant 1 : i32
      %broadcast_in_dim3A = vector.broadcast %jit3A : i32 to vector<16xi32>
      %select_n3A = arith.select %eq3A_298, %broadcast_in_dim3A, %get3A_296 : vector<16xi1>, vector<16xi32>
      %gt3A = arith.constant 1 : i32
      %gt3A_299 = vector.broadcast %gt3A : i32 to vector<16xi32>
      %gt3A_300 = arith.cmpi sgt, %select_n3A, %gt3A_299 : vector<16xi32>
      %sub3A = arith.constant 1 : i32
      %sub3A_301 = vector.broadcast %sub3A : i32 to vector<16xi32>
      %sub3A_302 = arith.subi %select_n3A, %sub3A_301 : vector<16xi32>
      %select_n3A_303 = arith.select %gt3A_300, %sub3A_302, %select_n3A : vector<16xi1>, vector<16xi32>
      %min3A = arith.constant 5 : i32
      %min3A_304 = vector.broadcast %min3A : i32 to vector<16xi32>
      %min3A_305 = arith.minsi %select_n3A_303, %min3A_304 : vector<16xi32>
      %convert_element_type3A = arith.sitofp %min3A_305 : vector<16xi32> to vector<16xf32>
      %div3A = arith.constant 0.333333343 : f32
      %div3A_306 = vector.broadcast %div3A : f32 to vector<16xf32>
      %div3A_307 = arith.divf %div3A_306, %convert_element_type3A : vector<16xf32>
      %pack3A = tpu.pack_subelements %div3A_307, %div3A_307 {pack_format = #tpu.pack_format<interleaved>, positions = array<i32: 0, 1>} : vector<16xf32>, vector<16xf32> -> vector<32xbf16>
      %mul3A_308 = arith.constant 17 : i32
      %mul3A_309 = vector.broadcast %mul3A_308 : i32 to vector<16xi32>
      %mul3A_310 = arith.muli %get3A_296, %mul3A_309 : vector<16xi32>
      %broadcast_in_dim3A_311 = arith.constant 0 : i32
      %broadcast_in_dim3A_312 = vector.broadcast %broadcast_in_dim3A_311 : i32 to vector<16xi32>
      %add3A_313 = arith.addi %mul3A_280, %broadcast_in_dim3A_312 : vector<16xi32>
      %gather3A = tpu.vector_load_idx %arg7[%add3A_313] : memref<26248xi32, #tpu.memory_space<vmem>>[vector<16xi32>], vector<16xi32>,
      %bitcast3A = vector.bitcast %gather3A : vector<16xi32> to vector<32xbf16>
      %add3A_314 = arith.addi %mul3A_287, %broadcast_in_dim3A_312 : vector<16xi32>
      %gather3A_315 = tpu.vector_load_idx %arg7[%add3A_314] : memref<26248xi32, #tpu.memory_space<vmem>>[vector<16xi32>], vector<16xi32>,
      %bitcast3A_316 = vector.bitcast %gather3A_315 : vector<16xi32> to vector<32xbf16>
      %add3A_317 = arith.addf %bitcast3A, %bitcast3A_316 : vector<32xbf16>
      %add3A_318 = arith.addi %mul3A_294, %broadcast_in_dim3A_312 : vector<16xi32>
      %gather3A_319 = tpu.vector_load_idx %arg7[%add3A_318] : memref<26248xi32, #tpu.memory_space<vmem>>[vector<16xi32>], vector<16xi32>,
      %bitcast3A_320 = vector.bitcast %gather3A_319 : vector<16xi32> to vector<32xbf16>
      %add3A_321 = arith.addf %add3A_317, %bitcast3A_320 : vector<32xbf16>
      %add3A_322 = arith.addi %mul3A_310, %broadcast_in_dim3A_312 : vector<16xi32>
      %gather3A_323 = tpu.vector_load_idx %arg9[%add3A_322] : memref<8976xi32, #tpu.memory_space<vmem>>[vector<16xi32>], vector<16xi32>,
      %bitcast3A_324 = vector.bitcast %gather3A_323 : vector<16xi32> to vector<32xbf16>
      %get3A_325 = arith.constant 0 : i32
      %get3A_326 = arith.index_cast %get3A_325 : i32 to index
      %get3A_327 = arith.index_cast %multiple_of3A : i32 to index
      %get3A_328 = tpu.vector_load %arg10[%get3A_326, %get3A_327] {strides = array<i32>} : memref<16x2048xi32, #tpu.memory_space<vmem>>, vector<16xi32>,
      %bitcast3A_329 = vector.bitcast %get3A_328 : vector<16xi32> to vector<32xbf16>
      %add3A_330 = arith.addf %bitcast3A_329, %add3A_321 : vector<32xbf16>
      %mul3A_331 = arith.mulf %add3A_330, %pack3A : vector<32xbf16>
      %add3A_332 = arith.addf %mul3A_331, %bitcast3A_324 : vector<32xbf16>
      %bitcast3A_333 = vector.bitcast %add3A_332 : vector<32xbf16> to vector<16xi32>
      %swap3A = arith.constant 0 : i32
      %swap3A_334 = arith.index_cast %swap3A : i32 to index
      %swap3A_335 = arith.index_cast %multiple_of3A : i32 to index
      %swap3A_336 = tpu.vector_load %arg10[%swap3A_334, %swap3A_335] {strides = array<i32>} : memref<16x2048xi32, #tpu.memory_space<vmem>>, vector<16xi32>,
      tpu.vector_store %arg10[%swap3A_334, %swap3A_335], %bitcast3A_333 {strides = array<i32>} : memref<16x2048xi32, #tpu.memory_space<vmem>>, vector<16xi32>,
      %broadcast_in_dim3A_337 = arith.constant 1 : i32
      %broadcast_in_dim3A_338 = vector.broadcast %broadcast_in_dim3A_337 : i32 to vector<16xi32>
      %add3A_339 = arith.addi %mul3A_280, %broadcast_in_dim3A_338 : vector<16xi32>
      %gather3A_340 = tpu.vector_load_idx %arg7[%add3A_339] : memref<26248xi32, #tpu.memory_space<vmem>>[vector<16xi32>], vector<16xi32>,
      %bitcast3A_341 = vector.bitcast %gather3A_340 : vector<16xi32> to vector<32xbf16>
      %add3A_342 = arith.addi %mul3A_287, %broadcast_in_dim3A_338 : vector<16xi32>
      %gather3A_343 = tpu.vector_load_idx %arg7[%add3A_342] : memref<26248xi32, #tpu.memory_space<vmem>>[vector<16xi32>], vector<16xi32>,
      %bitcast3A_344 = vector.bitcast %gather3A_343 : vector<16xi32> to vector<32xbf16>
      %add3A_345 = arith.addf %bitcast3A_341, %bitcast3A_344 : vector<32xbf16>
      %add3A_346 = arith.addi %mul3A_294, %broadcast_in_dim3A_338 : vector<16xi32>
      %gather3A_347 = tpu.vector_load_idx %arg7[%add3A_346] : memref<26248xi32, #tpu.memory_space<vmem>>[vector<16xi32>], vector<16xi32>,
      %bitcast3A_348 = vector.bitcast %gather3A_347 : vector<16xi32> to vector<32xbf16>
      %add3A_349 = arith.addf %add3A_345, %bitcast3A_348 : vector<32xbf16>
      %add3A_350 = arith.addi %mul3A_310, %broadcast_in_dim3A_338 : vector<16xi32>
      %gather3A_351 = tpu.vector_load_idx %arg9[%add3A_350] : memref<8976xi32, #tpu.memory_space<vmem>>[vector<16xi32>], vector<16xi32>,
      %bitcast3A_352 = vector.bitcast %gather3A_351 : vector<16xi32> to vector<32xbf16>
      %get3A_353 = arith.constant 1 : i32
      %get3A_354 = arith.index_cast %get3A_353 : i32 to index
      %get3A_355 = arith.index_cast %multiple_of3A : i32 to index
      %get3A_356 = tpu.vector_load %arg10[%get3A_354, %get3A_355] {strides = array<i32>} : memref<16x2048xi32, #tpu.memory_space<vmem>>, vector<16xi32>,
      %bitcast3A_357 = vector.bitcast %get3A_356 : vector<16xi32> to vector<32xbf16>
      %add3A_358 = arith.addf %bitcast3A_357, %add3A_349 : vector<32xbf16>
      %mul3A_359 = arith.mulf %add3A_358, %pack3A : vector<32xbf16>
      %add3A_360 = arith.addf %mul3A_359, %bitcast3A_352 : vector<32xbf16>
      %bitcast3A_361 = vector.bitcast %add3A_360 : vector<32xbf16> to vector<16xi32>
      %swap3A_362 = arith.constant 1 : i32
      %swap3A_363 = arith.index_cast %swap3A_362 : i32 to index
      %swap3A_364 = arith.index_cast %multiple_of3A : i32 to index
      %swap3A_365 = tpu.vector_load %arg10[%swap3A_363, %swap3A_364] {strides = array<i32>} : memref<16x2048xi32, #tpu.memory_space<vmem>>, vector<16xi32>,
      tpu.vector_store %arg10[%swap3A_363, %swap3A_364], %bitcast3A_361 {strides = array<i32>} : memref<16x2048xi32, #tpu.memory_space<vmem>>, vector<16xi32>,
      %broadcast_in_dim3A_366 = arith.constant 2 : i32
      %broadcast_in_dim3A_367 = vector.broadcast %broadcast_in_dim3A_366 : i32 to vector<16xi32>
      %add3A_368 = arith.addi %mul3A_280, %broadcast_in_dim3A_367 : vector<16xi32>
      %gather3A_369 = tpu.vector_load_idx %arg7[%add3A_368] : memref<26248xi32, #tpu.memory_space<vmem>>[vector<16xi32>], vector<16xi32>,
      %bitcast3A_370 = vector.bitcast %gather3A_369 : vector<16xi32> to vector<32xbf16>
      %add3A_371 = arith.addi %mul3A_287, %broadcast_in_dim3A_367 : vector<16xi32>
      %gather3A_372 = tpu.vector_load_idx %arg7[%add3A_371] : memref<26248xi32, #tpu.memory_space<vmem>>[vector<16xi32>], vector<16xi32>,
      %bitcast3A_373 = vector.bitcast %gather3A_372 : vector<16xi32> to vector<32xbf16>
      %add3A_374 = arith.addf %bitcast3A_370, %bitcast3A_373 : vector<32xbf16>
      %add3A_375 = arith.addi %mul3A_294, %broadcast_in_dim3A_367 : vector<16xi32>
      %gather3A_376 = tpu.vector_load_idx %arg7[%add3A_375] : memref<26248xi32, #tpu.memory_space<vmem>>[vector<16xi32>], vector<16xi32>,
      %bitcast3A_377 = vector.bitcast %gather3A_376 : vector<16xi32> to vector<32xbf16>
      %add3A_378 = arith.addf %add3A_374, %bitcast3A_377 : vector<32xbf16>
      %add3A_379 = arith.addi %mul3A_310, %broadcast_in_dim3A_367 : vector<16xi32>
      %gather3A_380 = tpu.vector_load_idx %arg9[%add3A_379] : memref<8976xi32, #tpu.memory_space<vmem>>[vector<16xi32>], vector<16xi32>,
      %bitcast3A_381 = vector.bitcast %gather3A_380 : vector<16xi32> to vector<32xbf16>
      %get3A_382 = arith.constant 2 : i32
      %get3A_383 = arith.index_cast %get3A_382 : i32 to index
      %get3A_384 = arith.index_cast %multiple_of3A : i32 to index
      %get3A_385 = tpu.vector_load %arg10[%get3A_383, %get3A_384] {strides = array<i32>} : memref<16x2048xi32, #tpu.memory_space<vmem>>, vector<16xi32>,
      %bitcast3A_386 = vector.bitcast %get3A_385 : vector<16xi32> to vector<32xbf16>
      %add3A_387 = arith.addf %bitcast3A_386, %add3A_378 : vector<32xbf16>
      %mul3A_388 = arith.mulf %add3A_387, %pack3A : vector<32xbf16>
      %add3A_389 = arith.addf %mul3A_388, %bitcast3A_381 : vector<32xbf16>
      %bitcast3A_390 = vector.bitcast %add3A_389 : vector<32xbf16> to vector<16xi32>
      %swap3A_391 = arith.constant 2 : i32
      %swap3A_392 = arith.index_cast %swap3A_391 : i32 to index
      %swap3A_393 = arith.index_cast %multiple_of3A : i32 to index
      %swap3A_394 = tpu.vector_load %arg10[%swap3A_392, %swap3A_393] {strides = array<i32>} : memref<16x2048xi32, #tpu.memory_space<vmem>>, vector<16xi32>,
      tpu.vector_store %arg10[%swap3A_392, %swap3A_393], %bitcast3A_390 {strides = array<i32>} : memref<16x2048xi32, #tpu.memory_space<vmem>>, vector<16xi32>,
      %broadcast_in_dim3A_395 = arith.constant 3 : i32
      %broadcast_in_dim3A_396 = vector.broadcast %broadcast_in_dim3A_395 : i32 to vector<16xi32>
      %add3A_397 = arith.addi %mul3A_280, %broadcast_in_dim3A_396 : vector<16xi32>
      %gather3A_398 = tpu.vector_load_idx %arg7[%add3A_397] : memref<26248xi32, #tpu.memory_space<vmem>>[vector<16xi32>], vector<16xi32>,
      %bitcast3A_399 = vector.bitcast %gather3A_398 : vector<16xi32> to vector<32xbf16>
      %add3A_400 = arith.addi %mul3A_287, %broadcast_in_dim3A_396 : vector<16xi32>
      %gather3A_401 = tpu.vector_load_idx %arg7[%add3A_400] : memref<26248xi32, #tpu.memory_space<vmem>>[vector<16xi32>], vector<16xi32>,
      %bitcast3A_402 = vector.bitcast %gather3A_401 : vector<16xi32> to vector<32xbf16>
      %add3A_403 = arith.addf %bitcast3A_399, %bitcast3A_402 : vector<32xbf16>
      %add3A_404 = arith.addi %mul3A_294, %broadcast_in_dim3A_396 : vector<16xi32>
      %gather3A_405 = tpu.vector_load_idx %arg7[%add3A_404] : memref<26248xi32, #tpu.memory_space<vmem>>[vector<16xi32>], vector<16xi32>,
      %bitcast3A_406 = vector.bitcast %gather3A_405 : vector<16xi32> to vector<32xbf16>
      %add3A_407 = arith.addf %add3A_403, %bitcast3A_406 : vector<32xbf16>
      %add3A_408 = arith.addi %mul3A_310, %broadcast_in_dim3A_396 : vector<16xi32>
      %gather3A_409 = tpu.vector_load_idx %arg9[%add3A_408] : memref<8976xi32, #tpu.memory_space<vmem>>[vector<16xi32>], vector<16xi32>,
      %bitcast3A_410 = vector.bitcast %gather3A_409 : vector<16xi32> to vector<32xbf16>
      %get3A_411 = arith.constant 3 : i32
      %get3A_412 = arith.index_cast %get3A_411 : i32 to index
      %get3A_413 = arith.index_cast %multiple_of3A : i32 to index
      %get3A_414 = tpu.vector_load %arg10[%get3A_412, %get3A_413] {strides = array<i32>} : memref<16x2048xi32, #tpu.memory_space<vmem>>, vector<16xi32>,
      %bitcast3A_415 = vector.bitcast %get3A_414 : vector<16xi32> to vector<32xbf16>
      %add3A_416 = arith.addf %bitcast3A_415, %add3A_407 : vector<32xbf16>
      %mul3A_417 = arith.mulf %add3A_416, %pack3A : vector<32xbf16>
      %add3A_418 = arith.addf %mul3A_417, %bitcast3A_410 : vector<32xbf16>
      %bitcast3A_419 = vector.bitcast %add3A_418 : vector<32xbf16> to vector<16xi32>
      %swap3A_420 = arith.constant 3 : i32
      %swap3A_421 = arith.index_cast %swap3A_420 : i32 to index
      %swap3A_422 = arith.index_cast %multiple_of3A : i32 to index
      %swap3A_423 = tpu.vector_load %arg10[%swap3A_421, %swap3A_422] {strides = array<i32>} : memref<16x2048xi32, #tpu.memory_space<vmem>>, vector<16xi32>,
      tpu.vector_store %arg10[%swap3A_421, %swap3A_422], %bitcast3A_419 {strides = array<i32>} : memref<16x2048xi32, #tpu.memory_space<vmem>>, vector<16xi32>,
      %broadcast_in_dim3A_424 = arith.constant 4 : i32
      %broadcast_in_dim3A_425 = vector.broadcast %broadcast_in_dim3A_424 : i32 to vector<16xi32>
      %add3A_426 = arith.addi %mul3A_280, %broadcast_in_dim3A_425 : vector<16xi32>
      %gather3A_427 = tpu.vector_load_idx %arg7[%add3A_426] : memref<26248xi32, #tpu.memory_space<vmem>>[vector<16xi32>], vector<16xi32>,
      %bitcast3A_428 = vector.bitcast %gather3A_427 : vector<16xi32> to vector<32xbf16>
      %add3A_429 = arith.addi %mul3A_287, %broadcast_in_dim3A_425 : vector<16xi32>
      %gather3A_430 = tpu.vector_load_idx %arg7[%add3A_429] : memref<26248xi32, #tpu.memory_space<vmem>>[vector<16xi32>], vector<16xi32>,
      %bitcast3A_431 = vector.bitcast %gather3A_430 : vector<16xi32> to vector<32xbf16>
      %add3A_432 = arith.addf %bitcast3A_428, %bitcast3A_431 : vector<32xbf16>
      %add3A_433 = arith.addi %mul3A_294, %broadcast_in_dim3A_425 : vector<16xi32>
      %gather3A_434 = tpu.vector_load_idx %arg7[%add3A_433] : memref<26248xi32, #tpu.memory_space<vmem>>[vector<16xi32>], vector<16xi32>,
      %bitcast3A_435 = vector.bitcast %gather3A_434 : vector<16xi32> to vector<32xbf16>
      %add3A_436 = arith.addf %add3A_432, %bitcast3A_435 : vector<32xbf16>
      %add3A_437 = arith.addi %mul3A_310, %broadcast_in_dim3A_425 : vector<16xi32>
      %gather3A_438 = tpu.vector_load_idx %arg9[%add3A_437] : memref<8976xi32, #tpu.memory_space<vmem>>[vector<16xi32>], vector<16xi32>,
      %bitcast3A_439 = vector.bitcast %gather3A_438 : vector<16xi32> to vector<32xbf16>
      %get3A_440 = arith.constant 4 : i32
      %get3A_441 = arith.index_cast %get3A_440 : i32 to index
      %get3A_442 = arith.index_cast %multiple_of3A : i32 to index
      %get3A_443 = tpu.vector_load %arg10[%get3A_441, %get3A_442] {strides = array<i32>} : memref<16x2048xi32, #tpu.memory_space<vmem>>, vector<16xi32>,
      %bitcast3A_444 = vector.bitcast %get3A_443 : vector<16xi32> to vector<32xbf16>
      %add3A_445 = arith.addf %bitcast3A_444, %add3A_436 : vector<32xbf16>
      %mul3A_446 = arith.mulf %add3A_445, %pack3A : vector<32xbf16>
      %add3A_447 = arith.addf %mul3A_446, %bitcast3A_439 : vector<32xbf16>
      %bitcast3A_448 = vector.bitcast %add3A_447 : vector<32xbf16> to vector<16xi32>
      %swap3A_449 = arith.constant 4 : i32
      %swap3A_450 = arith.index_cast %swap3A_449 : i32 to index
      %swap3A_451 = arith.index_cast %multiple_of3A : i32 to index
      %swap3A_452 = tpu.vector_load %arg10[%swap3A_450, %swap3A_451] {strides = array<i32>} : memref<16x2048xi32, #tpu.memory_space<vmem>>, vector<16xi32>,
      tpu.vector_store %arg10[%swap3A_450, %swap3A_451], %bitcast3A_448 {strides = array<i32>} : memref<16x2048xi32, #tpu.memory_space<vmem>>, vector<16xi32>,
      %broadcast_in_dim3A_453 = arith.constant 5 : i32
      %broadcast_in_dim3A_454 = vector.broadcast %broadcast_in_dim3A_453 : i32 to vector<16xi32>
      %add3A_455 = arith.addi %mul3A_280, %broadcast_in_dim3A_454 : vector<16xi32>
      %gather3A_456 = tpu.vector_load_idx %arg7[%add3A_455] : memref<26248xi32, #tpu.memory_space<vmem>>[vector<16xi32>], vector<16xi32>,
      %bitcast3A_457 = vector.bitcast %gather3A_456 : vector<16xi32> to vector<32xbf16>
      %add3A_458 = arith.addi %mul3A_287, %broadcast_in_dim3A_454 : vector<16xi32>
      %gather3A_459 = tpu.vector_load_idx %arg7[%add3A_458] : memref<26248xi32, #tpu.memory_space<vmem>>[vector<16xi32>], vector<16xi32>,
      %bitcast3A_460 = vector.bitcast %gather3A_459 : vector<16xi32> to vector<32xbf16>
      %add3A_461 = arith.addf %bitcast3A_457, %bitcast3A_460 : vector<32xbf16>
      %add3A_462 = arith.addi %mul3A_294, %broadcast_in_dim3A_454 : vector<16xi32>
      %gather3A_463 = tpu.vector_load_idx %arg7[%add3A_462] : memref<26248xi32, #tpu.memory_space<vmem>>[vector<16xi32>], vector<16xi32>,
      %bitcast3A_464 = vector.bitcast %gather3A_463 : vector<16xi32> to vector<32xbf16>
      %add3A_465 = arith.addf %add3A_461, %bitcast3A_464 : vector<32xbf16>
      %add3A_466 = arith.addi %mul3A_310, %broadcast_in_dim3A_454 : vector<16xi32>
      %gather3A_467 = tpu.vector_load_idx %arg9[%add3A_466] : memref<8976xi32, #tpu.memory_space<vmem>>[vector<16xi32>], vector<16xi32>,
      %bitcast3A_468 = vector.bitcast %gather3A_467 : vector<16xi32> to vector<32xbf16>
      %get3A_469 = arith.constant 5 : i32
      %get3A_470 = arith.index_cast %get3A_469 : i32 to index
      %get3A_471 = arith.index_cast %multiple_of3A : i32 to index
      %get3A_472 = tpu.vector_load %arg10[%get3A_470, %get3A_471] {strides = array<i32>} : memref<16x2048xi32, #tpu.memory_space<vmem>>, vector<16xi32>,
      %bitcast3A_473 = vector.bitcast %get3A_472 : vector<16xi32> to vector<32xbf16>
      %add3A_474 = arith.addf %bitcast3A_473, %add3A_465 : vector<32xbf16>
      %mul3A_475 = arith.mulf %add3A_474, %pack3A : vector<32xbf16>
      %add3A_476 = arith.addf %mul3A_475, %bitcast3A_468 : vector<32xbf16>
      %bitcast3A_477 = vector.bitcast %add3A_476 : vector<32xbf16> to vector<16xi32>
      %swap3A_478 = arith.constant 5 : i32
      %swap3A_479 = arith.index_cast %swap3A_478 : i32 to index
      %swap3A_480 = arith.index_cast %multiple_of3A : i32 to index
      %swap3A_481 = tpu.vector_load %arg10[%swap3A_479, %swap3A_480] {strides = array<i32>} : memref<16x2048xi32, #tpu.memory_space<vmem>>, vector<16xi32>,
      tpu.vector_store %arg10[%swap3A_479, %swap3A_480], %bitcast3A_477 {strides = array<i32>} : memref<16x2048xi32, #tpu.memory_space<vmem>>, vector<16xi32>,
      %broadcast_in_dim3A_482 = arith.constant 6 : i32
      %broadcast_in_dim3A_483 = vector.broadcast %broadcast_in_dim3A_482 : i32 to vector<16xi32>
      %add3A_484 = arith.addi %mul3A_280, %broadcast_in_dim3A_483 : vector<16xi32>
      %gather3A_485 = tpu.vector_load_idx %arg7[%add3A_484] : memref<26248xi32, #tpu.memory_space<vmem>>[vector<16xi32>], vector<16xi32>,
      %bitcast3A_486 = vector.bitcast %gather3A_485 : vector<16xi32> to vector<32xbf16>
      %add3A_487 = arith.addi %mul3A_287, %broadcast_in_dim3A_483 : vector<16xi32>
      %gather3A_488 = tpu.vector_load_idx %arg7[%add3A_487] : memref<26248xi32, #tpu.memory_space<vmem>>[vector<16xi32>], vector<16xi32>,
      %bitcast3A_489 = vector.bitcast %gather3A_488 : vector<16xi32> to vector<32xbf16>
      %add3A_490 = arith.addf %bitcast3A_486, %bitcast3A_489 : vector<32xbf16>
      %add3A_491 = arith.addi %mul3A_294, %broadcast_in_dim3A_483 : vector<16xi32>
      %gather3A_492 = tpu.vector_load_idx %arg7[%add3A_491] : memref<26248xi32, #tpu.memory_space<vmem>>[vector<16xi32>], vector<16xi32>,
      %bitcast3A_493 = vector.bitcast %gather3A_492 : vector<16xi32> to vector<32xbf16>
      %add3A_494 = arith.addf %add3A_490, %bitcast3A_493 : vector<32xbf16>
      %add3A_495 = arith.addi %mul3A_310, %broadcast_in_dim3A_483 : vector<16xi32>
      %gather3A_496 = tpu.vector_load_idx %arg9[%add3A_495] : memref<8976xi32, #tpu.memory_space<vmem>>[vector<16xi32>], vector<16xi32>,
      %bitcast3A_497 = vector.bitcast %gather3A_496 : vector<16xi32> to vector<32xbf16>
      %get3A_498 = arith.constant 6 : i32
      %get3A_499 = arith.index_cast %get3A_498 : i32 to index
      %get3A_500 = arith.index_cast %multiple_of3A : i32 to index
      %get3A_501 = tpu.vector_load %arg10[%get3A_499, %get3A_500] {strides = array<i32>} : memref<16x2048xi32, #tpu.memory_space<vmem>>, vector<16xi32>,
      %bitcast3A_502 = vector.bitcast %get3A_501 : vector<16xi32> to vector<32xbf16>
      %add3A_503 = arith.addf %bitcast3A_502, %add3A_494 : vector<32xbf16>
      %mul3A_504 = arith.mulf %add3A_503, %pack3A : vector<32xbf16>
      %add3A_505 = arith.addf %mul3A_504, %bitcast3A_497 : vector<32xbf16>
      %bitcast3A_506 = vector.bitcast %add3A_505 : vector<32xbf16> to vector<16xi32>
      %swap3A_507 = arith.constant 6 : i32
      %swap3A_508 = arith.index_cast %swap3A_507 : i32 to index
      %swap3A_509 = arith.index_cast %multiple_of3A : i32 to index
      %swap3A_510 = tpu.vector_load %arg10[%swap3A_508, %swap3A_509] {strides = array<i32>} : memref<16x2048xi32, #tpu.memory_space<vmem>>, vector<16xi32>,
      tpu.vector_store %arg10[%swap3A_508, %swap3A_509], %bitcast3A_506 {strides = array<i32>} : memref<16x2048xi32, #tpu.memory_space<vmem>>, vector<16xi32>,
      %broadcast_in_dim3A_511 = arith.constant 7 : i32
      %broadcast_in_dim3A_512 = vector.broadcast %broadcast_in_dim3A_511 : i32 to vector<16xi32>
      %add3A_513 = arith.addi %mul3A_280, %broadcast_in_dim3A_512 : vector<16xi32>
      %gather3A_514 = tpu.vector_load_idx %arg7[%add3A_513] : memref<26248xi32, #tpu.memory_space<vmem>>[vector<16xi32>], vector<16xi32>,
      %bitcast3A_515 = vector.bitcast %gather3A_514 : vector<16xi32> to vector<32xbf16>
      %add3A_516 = arith.addi %mul3A_287, %broadcast_in_dim3A_512 : vector<16xi32>
      %gather3A_517 = tpu.vector_load_idx %arg7[%add3A_516] : memref<26248xi32, #tpu.memory_space<vmem>>[vector<16xi32>], vector<16xi32>,
      %bitcast3A_518 = vector.bitcast %gather3A_517 : vector<16xi32> to vector<32xbf16>
      %add3A_519 = arith.addf %bitcast3A_515, %bitcast3A_518 : vector<32xbf16>
      %add3A_520 = arith.addi %mul3A_294, %broadcast_in_dim3A_512 : vector<16xi32>
      %gather3A_521 = tpu.vector_load_idx %arg7[%add3A_520] : memref<26248xi32, #tpu.memory_space<vmem>>[vector<16xi32>], vector<16xi32>,
      %bitcast3A_522 = vector.bitcast %gather3A_521 : vector<16xi32> to vector<32xbf16>
      %add3A_523 = arith.addf %add3A_519, %bitcast3A_522 : vector<32xbf16>
      %add3A_524 = arith.addi %mul3A_310, %broadcast_in_dim3A_512 : vector<16xi32>
      %gather3A_525 = tpu.vector_load_idx %arg9[%add3A_524] : memref<8976xi32, #tpu.memory_space<vmem>>[vector<16xi32>], vector<16xi32>,
      %bitcast3A_526 = vector.bitcast %gather3A_525 : vector<16xi32> to vector<32xbf16>
      %get3A_527 = arith.constant 7 : i32
      %get3A_528 = arith.index_cast %get3A_527 : i32 to index
      %get3A_529 = arith.index_cast %multiple_of3A : i32 to index
      %get3A_530 = tpu.vector_load %arg10[%get3A_528, %get3A_529] {strides = array<i32>} : memref<16x2048xi32, #tpu.memory_space<vmem>>, vector<16xi32>,
      %bitcast3A_531 = vector.bitcast %get3A_530 : vector<16xi32> to vector<32xbf16>
      %add3A_532 = arith.addf %bitcast3A_531, %add3A_523 : vector<32xbf16>
      %mul3A_533 = arith.mulf %add3A_532, %pack3A : vector<32xbf16>
      %add3A_534 = arith.addf %mul3A_533, %bitcast3A_526 : vector<32xbf16>
      %bitcast3A_535 = vector.bitcast %add3A_534 : vector<32xbf16> to vector<16xi32>
      %swap3A_536 = arith.constant 7 : i32
      %swap3A_537 = arith.index_cast %swap3A_536 : i32 to index
      %swap3A_538 = arith.index_cast %multiple_of3A : i32 to index
      %swap3A_539 = tpu.vector_load %arg10[%swap3A_537, %swap3A_538] {strides = array<i32>} : memref<16x2048xi32, #tpu.memory_space<vmem>>, vector<16xi32>,
      tpu.vector_store %arg10[%swap3A_537, %swap3A_538], %bitcast3A_535 {strides = array<i32>} : memref<16x2048xi32, #tpu.memory_space<vmem>>, vector<16xi32>,
      %broadcast_in_dim3A_540 = arith.constant 8 : i32
      %broadcast_in_dim3A_541 = vector.broadcast %broadcast_in_dim3A_540 : i32 to vector<16xi32>
      %add3A_542 = arith.addi %mul3A_280, %broadcast_in_dim3A_541 : vector<16xi32>
      %gather3A_543 = tpu.vector_load_idx %arg7[%add3A_542] : memref<26248xi32, #tpu.memory_space<vmem>>[vector<16xi32>], vector<16xi32>,
      %bitcast3A_544 = vector.bitcast %gather3A_543 : vector<16xi32> to vector<32xbf16>
      %add3A_545 = arith.addi %mul3A_287, %broadcast_in_dim3A_541 : vector<16xi32>
      %gather3A_546 = tpu.vector_load_idx %arg7[%add3A_545] : memref<26248xi32, #tpu.memory_space<vmem>>[vector<16xi32>], vector<16xi32>,
      %bitcast3A_547 = vector.bitcast %gather3A_546 : vector<16xi32> to vector<32xbf16>
      %add3A_548 = arith.addf %bitcast3A_544, %bitcast3A_547 : vector<32xbf16>
      %add3A_549 = arith.addi %mul3A_294, %broadcast_in_dim3A_541 : vector<16xi32>
      %gather3A_550 = tpu.vector_load_idx %arg7[%add3A_549] : memref<26248xi32, #tpu.memory_space<vmem>>[vector<16xi32>], vector<16xi32>,
      %bitcast3A_551 = vector.bitcast %gather3A_550 : vector<16xi32> to vector<32xbf16>
      %add3A_552 = arith.addf %add3A_548, %bitcast3A_551 : vector<32xbf16>
      %add3A_553 = arith.addi %mul3A_310, %broadcast_in_dim3A_541 : vector<16xi32>
      %gather3A_554 = tpu.vector_load_idx %arg9[%add3A_553] : memref<8976xi32, #tpu.memory_space<vmem>>[vector<16xi32>], vector<16xi32>,
      %bitcast3A_555 = vector.bitcast %gather3A_554 : vector<16xi32> to vector<32xbf16>
      %get3A_556 = arith.constant 8 : i32
      %get3A_557 = arith.index_cast %get3A_556 : i32 to index
      %get3A_558 = arith.index_cast %multiple_of3A : i32 to index
      %get3A_559 = tpu.vector_load %arg10[%get3A_557, %get3A_558] {strides = array<i32>} : memref<16x2048xi32, #tpu.memory_space<vmem>>, vector<16xi32>,
      %bitcast3A_560 = vector.bitcast %get3A_559 : vector<16xi32> to vector<32xbf16>
      %add3A_561 = arith.addf %bitcast3A_560, %add3A_552 : vector<32xbf16>
      %mul3A_562 = arith.mulf %add3A_561, %pack3A : vector<32xbf16>
      %add3A_563 = arith.addf %mul3A_562, %bitcast3A_555 : vector<32xbf16>
      %bitcast3A_564 = vector.bitcast %add3A_563 : vector<32xbf16> to vector<16xi32>
      %swap3A_565 = arith.constant 8 : i32
      %swap3A_566 = arith.index_cast %swap3A_565 : i32 to index
      %swap3A_567 = arith.index_cast %multiple_of3A : i32 to index
      %swap3A_568 = tpu.vector_load %arg10[%swap3A_566, %swap3A_567] {strides = array<i32>} : memref<16x2048xi32, #tpu.memory_space<vmem>>, vector<16xi32>,
      tpu.vector_store %arg10[%swap3A_566, %swap3A_567], %bitcast3A_564 {strides = array<i32>} : memref<16x2048xi32, #tpu.memory_space<vmem>>, vector<16xi32>,
      %broadcast_in_dim3A_569 = arith.constant 9 : i32
      %broadcast_in_dim3A_570 = vector.broadcast %broadcast_in_dim3A_569 : i32 to vector<16xi32>
      %add3A_571 = arith.addi %mul3A_280, %broadcast_in_dim3A_570 : vector<16xi32>
      %gather3A_572 = tpu.vector_load_idx %arg7[%add3A_571] : memref<26248xi32, #tpu.memory_space<vmem>>[vector<16xi32>], vector<16xi32>,
      %bitcast3A_573 = vector.bitcast %gather3A_572 : vector<16xi32> to vector<32xbf16>
      %add3A_574 = arith.addi %mul3A_287, %broadcast_in_dim3A_570 : vector<16xi32>
      %gather3A_575 = tpu.vector_load_idx %arg7[%add3A_574] : memref<26248xi32, #tpu.memory_space<vmem>>[vector<16xi32>], vector<16xi32>,
      %bitcast3A_576 = vector.bitcast %gather3A_575 : vector<16xi32> to vector<32xbf16>
      %add3A_577 = arith.addf %bitcast3A_573, %bitcast3A_576 : vector<32xbf16>
      %add3A_578 = arith.addi %mul3A_294, %broadcast_in_dim3A_570 : vector<16xi32>
      %gather3A_579 = tpu.vector_load_idx %arg7[%add3A_578] : memref<26248xi32, #tpu.memory_space<vmem>>[vector<16xi32>], vector<16xi32>,
      %bitcast3A_580 = vector.bitcast %gather3A_579 : vector<16xi32> to vector<32xbf16>
      %add3A_581 = arith.addf %add3A_577, %bitcast3A_580 : vector<32xbf16>
      %add3A_582 = arith.addi %mul3A_310, %broadcast_in_dim3A_570 : vector<16xi32>
      %gather3A_583 = tpu.vector_load_idx %arg9[%add3A_582] : memref<8976xi32, #tpu.memory_space<vmem>>[vector<16xi32>], vector<16xi32>,
      %bitcast3A_584 = vector.bitcast %gather3A_583 : vector<16xi32> to vector<32xbf16>
      %get3A_585 = arith.constant 9 : i32
      %get3A_586 = arith.index_cast %get3A_585 : i32 to index
      %get3A_587 = arith.index_cast %multiple_of3A : i32 to index
      %get3A_588 = tpu.vector_load %arg10[%get3A_586, %get3A_587] {strides = array<i32>} : memref<16x2048xi32, #tpu.memory_space<vmem>>, vector<16xi32>,
      %bitcast3A_589 = vector.bitcast %get3A_588 : vector<16xi32> to vector<32xbf16>
      %add3A_590 = arith.addf %bitcast3A_589, %add3A_581 : vector<32xbf16>
      %mul3A_591 = arith.mulf %add3A_590, %pack3A : vector<32xbf16>
      %add3A_592 = arith.addf %mul3A_591, %bitcast3A_584 : vector<32xbf16>
      %bitcast3A_593 = vector.bitcast %add3A_592 : vector<32xbf16> to vector<16xi32>
      %swap3A_594 = arith.constant 9 : i32
      %swap3A_595 = arith.index_cast %swap3A_594 : i32 to index
      %swap3A_596 = arith.index_cast %multiple_of3A : i32 to index
      %swap3A_597 = tpu.vector_load %arg10[%swap3A_595, %swap3A_596] {strides = array<i32>} : memref<16x2048xi32, #tpu.memory_space<vmem>>, vector<16xi32>,
      tpu.vector_store %arg10[%swap3A_595, %swap3A_596], %bitcast3A_593 {strides = array<i32>} : memref<16x2048xi32, #tpu.memory_space<vmem>>, vector<16xi32>,
      %broadcast_in_dim3A_598 = arith.constant 10 : i32
      %broadcast_in_dim3A_599 = vector.broadcast %broadcast_in_dim3A_598 : i32 to vector<16xi32>
      %add3A_600 = arith.addi %mul3A_280, %broadcast_in_dim3A_599 : vector<16xi32>
      %gather3A_601 = tpu.vector_load_idx %arg7[%add3A_600] : memref<26248xi32, #tpu.memory_space<vmem>>[vector<16xi32>], vector<16xi32>,
      %bitcast3A_602 = vector.bitcast %gather3A_601 : vector<16xi32> to vector<32xbf16>
      %add3A_603 = arith.addi %mul3A_287, %broadcast_in_dim3A_599 : vector<16xi32>
      %gather3A_604 = tpu.vector_load_idx %arg7[%add3A_603] : memref<26248xi32, #tpu.memory_space<vmem>>[vector<16xi32>], vector<16xi32>,
      %bitcast3A_605 = vector.bitcast %gather3A_604 : vector<16xi32> to vector<32xbf16>
      %add3A_606 = arith.addf %bitcast3A_602, %bitcast3A_605 : vector<32xbf16>
      %add3A_607 = arith.addi %mul3A_294, %broadcast_in_dim3A_599 : vector<16xi32>
      %gather3A_608 = tpu.vector_load_idx %arg7[%add3A_607] : memref<26248xi32, #tpu.memory_space<vmem>>[vector<16xi32>], vector<16xi32>,
      %bitcast3A_609 = vector.bitcast %gather3A_608 : vector<16xi32> to vector<32xbf16>
      %add3A_610 = arith.addf %add3A_606, %bitcast3A_609 : vector<32xbf16>
      %add3A_611 = arith.addi %mul3A_310, %broadcast_in_dim3A_599 : vector<16xi32>
      %gather3A_612 = tpu.vector_load_idx %arg9[%add3A_611] : memref<8976xi32, #tpu.memory_space<vmem>>[vector<16xi32>], vector<16xi32>,
      %bitcast3A_613 = vector.bitcast %gather3A_612 : vector<16xi32> to vector<32xbf16>
      %get3A_614 = arith.constant 10 : i32
      %get3A_615 = arith.index_cast %get3A_614 : i32 to index
      %get3A_616 = arith.index_cast %multiple_of3A : i32 to index
      %get3A_617 = tpu.vector_load %arg10[%get3A_615, %get3A_616] {strides = array<i32>} : memref<16x2048xi32, #tpu.memory_space<vmem>>, vector<16xi32>,
      %bitcast3A_618 = vector.bitcast %get3A_617 : vector<16xi32> to vector<32xbf16>
      %add3A_619 = arith.addf %bitcast3A_618, %add3A_610 : vector<32xbf16>
      %mul3A_620 = arith.mulf %add3A_619, %pack3A : vector<32xbf16>
      %add3A_621 = arith.addf %mul3A_620, %bitcast3A_613 : vector<32xbf16>
      %bitcast3A_622 = vector.bitcast %add3A_621 : vector<32xbf16> to vector<16xi32>
      %swap3A_623 = arith.constant 10 : i32
      %swap3A_624 = arith.index_cast %swap3A_623 : i32 to index
      %swap3A_625 = arith.index_cast %multiple_of3A : i32 to index
      %swap3A_626 = tpu.vector_load %arg10[%swap3A_624, %swap3A_625] {strides = array<i32>} : memref<16x2048xi32, #tpu.memory_space<vmem>>, vector<16xi32>,
      tpu.vector_store %arg10[%swap3A_624, %swap3A_625], %bitcast3A_622 {strides = array<i32>} : memref<16x2048xi32, #tpu.memory_space<vmem>>, vector<16xi32>,
      %broadcast_in_dim3A_627 = arith.constant 11 : i32
      %broadcast_in_dim3A_628 = vector.broadcast %broadcast_in_dim3A_627 : i32 to vector<16xi32>
      %add3A_629 = arith.addi %mul3A_280, %broadcast_in_dim3A_628 : vector<16xi32>
      %gather3A_630 = tpu.vector_load_idx %arg7[%add3A_629] : memref<26248xi32, #tpu.memory_space<vmem>>[vector<16xi32>], vector<16xi32>,
      %bitcast3A_631 = vector.bitcast %gather3A_630 : vector<16xi32> to vector<32xbf16>
      %add3A_632 = arith.addi %mul3A_287, %broadcast_in_dim3A_628 : vector<16xi32>
      %gather3A_633 = tpu.vector_load_idx %arg7[%add3A_632] : memref<26248xi32, #tpu.memory_space<vmem>>[vector<16xi32>], vector<16xi32>,
      %bitcast3A_634 = vector.bitcast %gather3A_633 : vector<16xi32> to vector<32xbf16>
      %add3A_635 = arith.addf %bitcast3A_631, %bitcast3A_634 : vector<32xbf16>
      %add3A_636 = arith.addi %mul3A_294, %broadcast_in_dim3A_628 : vector<16xi32>
      %gather3A_637 = tpu.vector_load_idx %arg7[%add3A_636] : memref<26248xi32, #tpu.memory_space<vmem>>[vector<16xi32>], vector<16xi32>,
      %bitcast3A_638 = vector.bitcast %gather3A_637 : vector<16xi32> to vector<32xbf16>
      %add3A_639 = arith.addf %add3A_635, %bitcast3A_638 : vector<32xbf16>
      %add3A_640 = arith.addi %mul3A_310, %broadcast_in_dim3A_628 : vector<16xi32>
      %gather3A_641 = tpu.vector_load_idx %arg9[%add3A_640] : memref<8976xi32, #tpu.memory_space<vmem>>[vector<16xi32>], vector<16xi32>,
      %bitcast3A_642 = vector.bitcast %gather3A_641 : vector<16xi32> to vector<32xbf16>
      %get3A_643 = arith.constant 11 : i32
      %get3A_644 = arith.index_cast %get3A_643 : i32 to index
      %get3A_645 = arith.index_cast %multiple_of3A : i32 to index
      %get3A_646 = tpu.vector_load %arg10[%get3A_644, %get3A_645] {strides = array<i32>} : memref<16x2048xi32, #tpu.memory_space<vmem>>, vector<16xi32>,
      %bitcast3A_647 = vector.bitcast %get3A_646 : vector<16xi32> to vector<32xbf16>
      %add3A_648 = arith.addf %bitcast3A_647, %add3A_639 : vector<32xbf16>
      %mul3A_649 = arith.mulf %add3A_648, %pack3A : vector<32xbf16>
      %add3A_650 = arith.addf %mul3A_649, %bitcast3A_642 : vector<32xbf16>
      %bitcast3A_651 = vector.bitcast %add3A_650 : vector<32xbf16> to vector<16xi32>
      %swap3A_652 = arith.constant 11 : i32
      %swap3A_653 = arith.index_cast %swap3A_652 : i32 to index
      %swap3A_654 = arith.index_cast %multiple_of3A : i32 to index
      %swap3A_655 = tpu.vector_load %arg10[%swap3A_653, %swap3A_654] {strides = array<i32>} : memref<16x2048xi32, #tpu.memory_space<vmem>>, vector<16xi32>,
      tpu.vector_store %arg10[%swap3A_653, %swap3A_654], %bitcast3A_651 {strides = array<i32>} : memref<16x2048xi32, #tpu.memory_space<vmem>>, vector<16xi32>,
      %broadcast_in_dim3A_656 = arith.constant 12 : i32
      %broadcast_in_dim3A_657 = vector.broadcast %broadcast_in_dim3A_656 : i32 to vector<16xi32>
      %add3A_658 = arith.addi %mul3A_280, %broadcast_in_dim3A_657 : vector<16xi32>
      %gather3A_659 = tpu.vector_load_idx %arg7[%add3A_658] : memref<26248xi32, #tpu.memory_space<vmem>>[vector<16xi32>], vector<16xi32>,
      %bitcast3A_660 = vector.bitcast %gather3A_659 : vector<16xi32> to vector<32xbf16>
      %add3A_661 = arith.addi %mul3A_287, %broadcast_in_dim3A_657 : vector<16xi32>
      %gather3A_662 = tpu.vector_load_idx %arg7[%add3A_661] : memref<26248xi32, #tpu.memory_space<vmem>>[vector<16xi32>], vector<16xi32>,
      %bitcast3A_663 = vector.bitcast %gather3A_662 : vector<16xi32> to vector<32xbf16>
      %add3A_664 = arith.addf %bitcast3A_660, %bitcast3A_663 : vector<32xbf16>
      %add3A_665 = arith.addi %mul3A_294, %broadcast_in_dim3A_657 : vector<16xi32>
      %gather3A_666 = tpu.vector_load_idx %arg7[%add3A_665] : memref<26248xi32, #tpu.memory_space<vmem>>[vector<16xi32>], vector<16xi32>,
      %bitcast3A_667 = vector.bitcast %gather3A_666 : vector<16xi32> to vector<32xbf16>
      %add3A_668 = arith.addf %add3A_664, %bitcast3A_667 : vector<32xbf16>
      %add3A_669 = arith.addi %mul3A_310, %broadcast_in_dim3A_657 : vector<16xi32>
      %gather3A_670 = tpu.vector_load_idx %arg9[%add3A_669] : memref<8976xi32, #tpu.memory_space<vmem>>[vector<16xi32>], vector<16xi32>,
      %bitcast3A_671 = vector.bitcast %gather3A_670 : vector<16xi32> to vector<32xbf16>
      %get3A_672 = arith.constant 12 : i32
      %get3A_673 = arith.index_cast %get3A_672 : i32 to index
      %get3A_674 = arith.index_cast %multiple_of3A : i32 to index
      %get3A_675 = tpu.vector_load %arg10[%get3A_673, %get3A_674] {strides = array<i32>} : memref<16x2048xi32, #tpu.memory_space<vmem>>, vector<16xi32>,
      %bitcast3A_676 = vector.bitcast %get3A_675 : vector<16xi32> to vector<32xbf16>
      %add3A_677 = arith.addf %bitcast3A_676, %add3A_668 : vector<32xbf16>
      %mul3A_678 = arith.mulf %add3A_677, %pack3A : vector<32xbf16>
      %add3A_679 = arith.addf %mul3A_678, %bitcast3A_671 : vector<32xbf16>
      %bitcast3A_680 = vector.bitcast %add3A_679 : vector<32xbf16> to vector<16xi32>
      %swap3A_681 = arith.constant 12 : i32
      %swap3A_682 = arith.index_cast %swap3A_681 : i32 to index
      %swap3A_683 = arith.index_cast %multiple_of3A : i32 to index
      %swap3A_684 = tpu.vector_load %arg10[%swap3A_682, %swap3A_683] {strides = array<i32>} : memref<16x2048xi32, #tpu.memory_space<vmem>>, vector<16xi32>,
      tpu.vector_store %arg10[%swap3A_682, %swap3A_683], %bitcast3A_680 {strides = array<i32>} : memref<16x2048xi32, #tpu.memory_space<vmem>>, vector<16xi32>,
      %broadcast_in_dim3A_685 = arith.constant 13 : i32
      %broadcast_in_dim3A_686 = vector.broadcast %broadcast_in_dim3A_685 : i32 to vector<16xi32>
      %add3A_687 = arith.addi %mul3A_280, %broadcast_in_dim3A_686 : vector<16xi32>
      %gather3A_688 = tpu.vector_load_idx %arg7[%add3A_687] : memref<26248xi32, #tpu.memory_space<vmem>>[vector<16xi32>], vector<16xi32>,
      %bitcast3A_689 = vector.bitcast %gather3A_688 : vector<16xi32> to vector<32xbf16>
      %add3A_690 = arith.addi %mul3A_287, %broadcast_in_dim3A_686 : vector<16xi32>
      %gather3A_691 = tpu.vector_load_idx %arg7[%add3A_690] : memref<26248xi32, #tpu.memory_space<vmem>>[vector<16xi32>], vector<16xi32>,
      %bitcast3A_692 = vector.bitcast %gather3A_691 : vector<16xi32> to vector<32xbf16>
      %add3A_693 = arith.addf %bitcast3A_689, %bitcast3A_692 : vector<32xbf16>
      %add3A_694 = arith.addi %mul3A_294, %broadcast_in_dim3A_686 : vector<16xi32>
      %gather3A_695 = tpu.vector_load_idx %arg7[%add3A_694] : memref<26248xi32, #tpu.memory_space<vmem>>[vector<16xi32>], vector<16xi32>,
      %bitcast3A_696 = vector.bitcast %gather3A_695 : vector<16xi32> to vector<32xbf16>
      %add3A_697 = arith.addf %add3A_693, %bitcast3A_696 : vector<32xbf16>
      %add3A_698 = arith.addi %mul3A_310, %broadcast_in_dim3A_686 : vector<16xi32>
      %gather3A_699 = tpu.vector_load_idx %arg9[%add3A_698] : memref<8976xi32, #tpu.memory_space<vmem>>[vector<16xi32>], vector<16xi32>,
      %bitcast3A_700 = vector.bitcast %gather3A_699 : vector<16xi32> to vector<32xbf16>
      %get3A_701 = arith.constant 13 : i32
      %get3A_702 = arith.index_cast %get3A_701 : i32 to index
      %get3A_703 = arith.index_cast %multiple_of3A : i32 to index
      %get3A_704 = tpu.vector_load %arg10[%get3A_702, %get3A_703] {strides = array<i32>} : memref<16x2048xi32, #tpu.memory_space<vmem>>, vector<16xi32>,
      %bitcast3A_705 = vector.bitcast %get3A_704 : vector<16xi32> to vector<32xbf16>
      %add3A_706 = arith.addf %bitcast3A_705, %add3A_697 : vector<32xbf16>
      %mul3A_707 = arith.mulf %add3A_706, %pack3A : vector<32xbf16>
      %add3A_708 = arith.addf %mul3A_707, %bitcast3A_700 : vector<32xbf16>
      %bitcast3A_709 = vector.bitcast %add3A_708 : vector<32xbf16> to vector<16xi32>
      %swap3A_710 = arith.constant 13 : i32
      %swap3A_711 = arith.index_cast %swap3A_710 : i32 to index
      %swap3A_712 = arith.index_cast %multiple_of3A : i32 to index
      %swap3A_713 = tpu.vector_load %arg10[%swap3A_711, %swap3A_712] {strides = array<i32>} : memref<16x2048xi32, #tpu.memory_space<vmem>>, vector<16xi32>,
      tpu.vector_store %arg10[%swap3A_711, %swap3A_712], %bitcast3A_709 {strides = array<i32>} : memref<16x2048xi32, #tpu.memory_space<vmem>>, vector<16xi32>,
      %broadcast_in_dim3A_714 = arith.constant 14 : i32
      %broadcast_in_dim3A_715 = vector.broadcast %broadcast_in_dim3A_714 : i32 to vector<16xi32>
      %add3A_716 = arith.addi %mul3A_280, %broadcast_in_dim3A_715 : vector<16xi32>
      %gather3A_717 = tpu.vector_load_idx %arg7[%add3A_716] : memref<26248xi32, #tpu.memory_space<vmem>>[vector<16xi32>], vector<16xi32>,
      %bitcast3A_718 = vector.bitcast %gather3A_717 : vector<16xi32> to vector<32xbf16>
      %add3A_719 = arith.addi %mul3A_287, %broadcast_in_dim3A_715 : vector<16xi32>
      %gather3A_720 = tpu.vector_load_idx %arg7[%add3A_719] : memref<26248xi32, #tpu.memory_space<vmem>>[vector<16xi32>], vector<16xi32>,
      %bitcast3A_721 = vector.bitcast %gather3A_720 : vector<16xi32> to vector<32xbf16>
      %add3A_722 = arith.addf %bitcast3A_718, %bitcast3A_721 : vector<32xbf16>
      %add3A_723 = arith.addi %mul3A_294, %broadcast_in_dim3A_715 : vector<16xi32>
      %gather3A_724 = tpu.vector_load_idx %arg7[%add3A_723] : memref<26248xi32, #tpu.memory_space<vmem>>[vector<16xi32>], vector<16xi32>,
      %bitcast3A_725 = vector.bitcast %gather3A_724 : vector<16xi32> to vector<32xbf16>
      %add3A_726 = arith.addf %add3A_722, %bitcast3A_725 : vector<32xbf16>
      %add3A_727 = arith.addi %mul3A_310, %broadcast_in_dim3A_715 : vector<16xi32>
      %gather3A_728 = tpu.vector_load_idx %arg9[%add3A_727] : memref<8976xi32, #tpu.memory_space<vmem>>[vector<16xi32>], vector<16xi32>,
      %bitcast3A_729 = vector.bitcast %gather3A_728 : vector<16xi32> to vector<32xbf16>
      %get3A_730 = arith.constant 14 : i32
      %get3A_731 = arith.index_cast %get3A_730 : i32 to index
      %get3A_732 = arith.index_cast %multiple_of3A : i32 to index
      %get3A_733 = tpu.vector_load %arg10[%get3A_731, %get3A_732] {strides = array<i32>} : memref<16x2048xi32, #tpu.memory_space<vmem>>, vector<16xi32>,
      %bitcast3A_734 = vector.bitcast %get3A_733 : vector<16xi32> to vector<32xbf16>
      %add3A_735 = arith.addf %bitcast3A_734, %add3A_726 : vector<32xbf16>
      %mul3A_736 = arith.mulf %add3A_735, %pack3A : vector<32xbf16>
      %add3A_737 = arith.addf %mul3A_736, %bitcast3A_729 : vector<32xbf16>
      %bitcast3A_738 = vector.bitcast %add3A_737 : vector<32xbf16> to vector<16xi32>
      %swap3A_739 = arith.constant 14 : i32
      %swap3A_740 = arith.index_cast %swap3A_739 : i32 to index
      %swap3A_741 = arith.index_cast %multiple_of3A : i32 to index
      %swap3A_742 = tpu.vector_load %arg10[%swap3A_740, %swap3A_741] {strides = array<i32>} : memref<16x2048xi32, #tpu.memory_space<vmem>>, vector<16xi32>,
      tpu.vector_store %arg10[%swap3A_740, %swap3A_741], %bitcast3A_738 {strides = array<i32>} : memref<16x2048xi32, #tpu.memory_space<vmem>>, vector<16xi32>,
      %broadcast_in_dim3A_743 = arith.constant 15 : i32
      %broadcast_in_dim3A_744 = vector.broadcast %broadcast_in_dim3A_743 : i32 to vector<16xi32>
      %add3A_745 = arith.addi %mul3A_280, %broadcast_in_dim3A_744 : vector<16xi32>
      %gather3A_746 = tpu.vector_load_idx %arg7[%add3A_745] : memref<26248xi32, #tpu.memory_space<vmem>>[vector<16xi32>], vector<16xi32>,
      %bitcast3A_747 = vector.bitcast %gather3A_746 : vector<16xi32> to vector<32xbf16>
      %add3A_748 = arith.addi %mul3A_287, %broadcast_in_dim3A_744 : vector<16xi32>
      %gather3A_749 = tpu.vector_load_idx %arg7[%add3A_748] : memref<26248xi32, #tpu.memory_space<vmem>>[vector<16xi32>], vector<16xi32>,
      %bitcast3A_750 = vector.bitcast %gather3A_749 : vector<16xi32> to vector<32xbf16>
      %add3A_751 = arith.addf %bitcast3A_747, %bitcast3A_750 : vector<32xbf16>
      %add3A_752 = arith.addi %mul3A_294, %broadcast_in_dim3A_744 : vector<16xi32>
      %gather3A_753 = tpu.vector_load_idx %arg7[%add3A_752] : memref<26248xi32, #tpu.memory_space<vmem>>[vector<16xi32>], vector<16xi32>,
      %bitcast3A_754 = vector.bitcast %gather3A_753 : vector<16xi32> to vector<32xbf16>
      %add3A_755 = arith.addf %add3A_751, %bitcast3A_754 : vector<32xbf16>
      %add3A_756 = arith.addi %mul3A_310, %broadcast_in_dim3A_744 : vector<16xi32>
      %gather3A_757 = tpu.vector_load_idx %arg9[%add3A_756] : memref<8976xi32, #tpu.memory_space<vmem>>[vector<16xi32>], vector<16xi32>,
      %bitcast3A_758 = vector.bitcast %gather3A_757 : vector<16xi32> to vector<32xbf16>
      %get3A_759 = arith.constant 15 : i32
      %get3A_760 = arith.index_cast %get3A_759 : i32 to index
      %get3A_761 = arith.index_cast %multiple_of3A : i32 to index
      %get3A_762 = tpu.vector_load %arg10[%get3A_760, %get3A_761] {strides = array<i32>} : memref<16x2048xi32, #tpu.memory_space<vmem>>, vector<16xi32>,
      %bitcast3A_763 = vector.bitcast %get3A_762 : vector<16xi32> to vector<32xbf16>
      %add3A_764 = arith.addf %bitcast3A_763, %add3A_755 : vector<32xbf16>
      %mul3A_765 = arith.mulf %add3A_764, %pack3A : vector<32xbf16>
      %add3A_766 = arith.addf %mul3A_765, %bitcast3A_758 : vector<32xbf16>
      %bitcast3A_767 = vector.bitcast %add3A_766 : vector<32xbf16> to vector<16xi32>
      %swap3A_768 = arith.constant 15 : i32
      %swap3A_769 = arith.index_cast %swap3A_768 : i32 to index
      %swap3A_770 = arith.index_cast %multiple_of3A : i32 to index
      %swap3A_771 = tpu.vector_load %arg10[%swap3A_769, %swap3A_770] {strides = array<i32>} : memref<16x2048xi32, #tpu.memory_space<vmem>>, vector<16xi32>,
      tpu.vector_store %arg10[%swap3A_769, %swap3A_770], %bitcast3A_767 {strides = array<i32>} : memref<16x2048xi32, #tpu.memory_space<vmem>>, vector<16xi32>,
    }
    %scan3A_271 = arith.constant 128 : i32
    "tpu.region"() ({
      %run_scoped3A = tpu.sem_alloc : memref<!tpu.dma_semaphore, #tpu.memory_space<semaphore_mem>>
      %dma_start3A_272 = arith.constant 0 : i32
      %dma_start3A_273 = tpu.memref_slice %arg6[%dma_start3A_272, %mul3A_2] : memref<16x65536xi32, #tpu.memory_space<hbm>> -> memref<16x2048xi32, #tpu.memory_space<hbm>>
      %dma_start3A_274 = arith.constant 0 : i32
      %dma_start3A_275 = tpu.memref_slice %arg6[%dma_start3A_274, %mul3A_2] : memref<16x65536xi32, #tpu.memory_space<hbm>> -> memref<16x2048xi32, #tpu.memory_space<hbm>>
      tpu.enqueue_dma source(%arg10 : memref<16x2048xi32, #tpu.memory_space<vmem>>) target(%dma_start3A_275 : memref<16x2048xi32, #tpu.memory_space<hbm>>) target_semaphore(%run_scoped3A : memref<!tpu.dma_semaphore, #tpu.memory_space<semaphore_mem>>)
      %dma_wait3A_276 = arith.constant 0 : i32
      %dma_wait3A_277 = tpu.memref_slice %arg6[%dma_wait3A_276, %mul3A_2] : memref<16x65536xi32, #tpu.memory_space<hbm>> -> memref<16x2048xi32, #tpu.memory_space<hbm>>
      %dma_wait3A_278 = arith.constant 0 : i32
      %dma_wait3A_279 = tpu.memref_slice %arg6[%dma_wait3A_278, %mul3A_2] : memref<16x65536xi32, #tpu.memory_space<hbm>> -> memref<16x2048xi32, #tpu.memory_space<hbm>>
      tpu.wait_dma2 semaphore(%run_scoped3A : memref<!tpu.dma_semaphore, #tpu.memory_space<semaphore_mem>>) src(%arg10 : memref<16x2048xi32, #tpu.memory_space<vmem>>) dst(%dma_wait3A_279 : memref<16x2048xi32, #tpu.memory_space<hbm>>)
      tpu.yield
    }) : () -> ()
    return
  }
}

module attributes {stable_mosaic.version = 14 : i64} {
  func.func @_tpre_body(%arg0: i32, %arg1: memref<1544x32xf32, #tpu.memory_space<vmem>>, %arg2: memref<1x32x32xf32, #tpu.memory_space<vmem>>, %arg3: memref<1x1544x32xf32, #tpu.memory_space<vmem>>) attributes {dimension_semantics = [#tpu.dimension_semantics<arbitrary>], iteration_bounds = array<i64: 5>, scalar_prefetch = 0 : i64, scratch_operands = 0 : i64, tpu.core_type = #tpu.core_type<tc>, window_params = [{pipeline_mode = #tpu.pipeline_mode<synchronous>, transform_indices = @transform_0, window_bounds = array<i64: 1544, 32>}, {transform_indices = @transform_1, window_bounds = array<i64: 1, 32, 32>}, {transform_indices = @transform_2, window_bounds = array<i64: 1, 1544, 32>}]} {
    %get3A = arith.constant 0 : index
    %get3A_0 = arith.constant 0 : index
    %get3A_1 = vector.load %arg1[%get3A, %get3A_0] : memref<1544x32xf32, #tpu.memory_space<vmem>>, vector<1544x32xf32>
    %get3A_2 = arith.constant 0 : index
    %get3A_3 = arith.constant 0 : index
    %get3A_4 = arith.constant 0 : index
    %get3A_5 = vector.load %arg2[%get3A_2, %get3A_3, %get3A_4] : memref<1x32x32xf32, #tpu.memory_space<vmem>>, vector<1x32x32xf32>
    %get3A_6 = vector.shape_cast %get3A_5 : vector<1x32x32xf32> to vector<32x32xf32>
    %dot_general3A = arith.constant dense<0.000000e+00> : vector<1544x32xf32>
    %dot_general3A_7 = tpu.matmul %get3A_1, %get3A_6, %dot_general3A {dimension_numbers = #tpu.dot_dimension_numbers<[1], [0], [0], [1], [0, 0, 1, 1], [], []>, transpose_lhs_hint = false} : vector<1544x32xf32>, vector<32x32xf32>, vector<1544x32xf32> -> vector<1544x32xf32>
    %swap3A = arith.constant 0 : index
    %swap3A_8 = arith.constant 0 : index
    %swap3A_9 = arith.constant 0 : index
    %swap3A_10 = vector.load %arg3[%swap3A, %swap3A_8, %swap3A_9] : memref<1x1544x32xf32, #tpu.memory_space<vmem>>, vector<1x1544x32xf32>
    %swap3A_11 = vector.shape_cast %swap3A_10 : vector<1x1544x32xf32> to vector<1544x32xf32>
    %swap3A_12 = vector.shape_cast %dot_general3A_7 : vector<1544x32xf32> to vector<1x1544x32xf32>
    tpu.vector_store %arg3[%swap3A, %swap3A_8, %swap3A_9], %swap3A_12 {strides = array<i32>} : memref<1x1544x32xf32, #tpu.memory_space<vmem>>, vector<1x1544x32xf32>,
    return
  }
  func.func @transform_0(%arg0: i32) -> (i32, i32) {
    %c0_i32 = arith.constant 0 : i32
    %c0_i32_0 = arith.constant 0 : i32
    %c0_i32_1 = arith.constant 0 : i32
    return %c0_i32, %c0_i32_0 : i32, i32
  }
  func.func @transform_1(%arg0: i32) -> (i32, i32, i32) {
    %c0_i32 = arith.constant 0 : i32
    %c0_i32_0 = arith.constant 0 : i32
    %c0_i32_1 = arith.constant 0 : i32
    return %arg0, %c0_i32, %c0_i32_0 : i32, i32, i32
  }
  func.func @transform_2(%arg0: i32) -> (i32, i32, i32) {
    %c0_i32 = arith.constant 0 : i32
    %c0_i32_0 = arith.constant 0 : i32
    %c0_i32_1 = arith.constant 0 : i32
    return %arg0, %c0_i32, %c0_i32_0 : i32, i32, i32
  }
}

module attributes {stable_mosaic.version = 14 : i64} {
  func.func @_asm_body(%arg0: i32, %arg1: memref<1x65x65xf32, #tpu.memory_space<vmem>>, %arg2: memref<16x4096xi32, #tpu.memory_space<vmem>>, %arg3: memref<1x32xf32, #tpu.memory_space<vmem>>, %arg4: memref<1x32x65x65xf32, #tpu.memory_space<vmem>>) attributes {dimension_semantics = [#tpu.dimension_semantics<arbitrary>], iteration_bounds = array<i64: 16>, scalar_prefetch = 0 : i64, scratch_operands = 0 : i64, tpu.core_type = #tpu.core_type<tc>, window_params = [{transform_indices = @transform_0, window_bounds = array<i64: 1, 65, 65>}, {transform_indices = @transform_1, window_bounds = array<i64: 16, 4096>}, {pipeline_mode = #tpu.pipeline_mode<synchronous>, transform_indices = @transform_2, window_bounds = array<i64: 1, 32>}, {transform_indices = @transform_3, window_bounds = array<i64: 1, 32, 65, 65>}]} {
    %get3A = arith.constant 0 : index
    %get3A_0 = arith.constant 0 : index
    %get3A_1 = arith.constant 0 : index
    %get3A_2 = vector.load %arg1[%get3A, %get3A_0, %get3A_1] : memref<1x65x65xf32, #tpu.memory_space<vmem>>, vector<1x65x65xf32>
    %get3A_3 = vector.shape_cast %get3A_2 : vector<1x65x65xf32> to vector<65x65xf32>
    %mul3A = arith.constant 2.000000e+00 : f32
    %mul3A_4 = vector.broadcast %mul3A : f32 to vector<65x65xf32>
    %mul3A_5 = arith.mulf %get3A_3, %mul3A_4 : vector<65x65xf32>
    %get3A_6 = arith.constant 0 : index
    %get3A_7 = arith.constant 0 : index
    %get3A_8 = vector.load %arg2[%get3A_6, %get3A_7] : memref<16x4096xi32, #tpu.memory_space<vmem>>, vector<16x4096xi32>
    %shift_left3A = arith.constant 16 : i32
    %shift_left3A_9 = vector.broadcast %shift_left3A : i32 to vector<16x4096xi32>
    %shift_left3A_10 = arith.shli %get3A_8, %shift_left3A_9 : vector<16x4096xi32>
    %bitcast_convert_type3A = tpu.bitcast %shift_left3A_10 : vector<16x4096xi32> -> vector<16x4096xf32>
    %and3A = arith.constant -65536 : i32
    %and3A_11 = vector.broadcast %and3A : i32 to vector<16x4096xi32>
    %and3A_12 = arith.andi %get3A_8, %and3A_11 : vector<16x4096xi32>
    %bitcast_convert_type3A_13 = tpu.bitcast %and3A_12 : vector<16x4096xi32> -> vector<16x4096xf32>
    %concatenate3A = tpu.concatenate %bitcast_convert_type3A, %bitcast_convert_type3A_13 in 0 : vector<16x4096xf32>, vector<16x4096xf32> -> vector<32x4096xf32>
    %reshape3A = vector.shape_cast %concatenate3A : vector<32x4096xf32> to vector<32x64x64xf32>
    %get3A_14 = arith.constant 0 : index
    %get3A_15 = arith.constant 0 : index
    %get3A_16 = vector.load %arg3[%get3A_14, %get3A_15] : memref<1x32xf32, #tpu.memory_space<vmem>>, vector<1x32xf32>
    %get3A_17 = vector.shape_cast %get3A_16 : vector<1x32xf32> to vector<32xf32>
    %iota3A = tpu.iota {dimensions = array<i32: 1>} : vector<32x65x65xi32>
    %iota3A_18 = tpu.iota {dimensions = array<i32: 2>} : vector<32x65x65xi32>
    %eq3A = arith.constant 0 : i32
    %eq3A_19 = vector.broadcast %eq3A : i32 to vector<32x65x65xi32>
    %eq3A_20 = arith.cmpi eq, %iota3A, %eq3A_19 : vector<32x65x65xi32>
    %eq3A_21 = arith.constant 0 : i32
    %eq3A_22 = vector.broadcast %eq3A_21 : i32 to vector<32x65x65xi32>
    %eq3A_23 = arith.cmpi eq, %iota3A_18, %eq3A_22 : vector<32x65x65xi32>
    %or3A = arith.ori %eq3A_20, %eq3A_23 : vector<32x65x65xi1>
    %broadcast_in_dim3A = vector.shape_cast %get3A_17 : vector<32xf32> to vector<32x1x1xf32>
    %broadcast_in_dim3A_24 = vector.shape_cast %broadcast_in_dim3A : vector<32x1x1xf32> to vector<32x1x1xf32>
    %broadcast_in_dim3A_25 = vector.broadcast %broadcast_in_dim3A_24 : vector<32x1x1xf32> to vector<32x65x65xf32>
    %broadcast_in_dim3A_26 = arith.constant 0.000000e+00 : f32
    %broadcast_in_dim3A_27 = vector.broadcast %broadcast_in_dim3A_26 : f32 to vector<32x65x65xf32>
    %select_n3A = arith.select %or3A, %broadcast_in_dim3A_25, %broadcast_in_dim3A_27 : vector<32x65x65xi1>, vector<32x65x65xf32>
    %broadcast_in_dim3A_28 = arith.constant 0.000000e+00 : f32
    %broadcast_in_dim3A_29 = vector.broadcast %broadcast_in_dim3A_28 : f32 to vector<32x64x1xf32>
    %broadcast_in_dim3A_30 = arith.constant 0.000000e+00 : f32
    %broadcast_in_dim3A_31 = vector.broadcast %broadcast_in_dim3A_30 : f32 to vector<32x1x65xf32>
    %concatenate3A_32 = tpu.concatenate %broadcast_in_dim3A_29, %reshape3A in 2 : vector<32x64x1xf32>, vector<32x64x64xf32> -> vector<32x64x65xf32>
    %concatenate3A_33 = tpu.concatenate %broadcast_in_dim3A_31, %concatenate3A_32 in 1 : vector<32x1x65xf32>, vector<32x64x65xf32> -> vector<32x65x65xf32>
    %broadcast_in_dim3A_34 = vector.shape_cast %mul3A_5 : vector<65x65xf32> to vector<1x65x65xf32>
    %add3A = vector.broadcast %broadcast_in_dim3A_34 : vector<1x65x65xf32> to vector<32x65x65xf32>
    %add3A_35 = arith.addf %add3A, %select_n3A : vector<32x65x65xf32>
    %add3A_36 = arith.addf %add3A_35, %concatenate3A_33 : vector<32x65x65xf32>
    %swap3A = arith.constant 0 : index
    %swap3A_37 = arith.constant 0 : index
    %swap3A_38 = arith.constant 0 : index
    %swap3A_39 = arith.constant 0 : index
    %swap3A_40 = vector.load %arg4[%swap3A, %swap3A_37, %swap3A_38, %swap3A_39] : memref<1x32x65x65xf32, #tpu.memory_space<vmem>>, vector<1x32x65x65xf32>
    %swap3A_41 = vector.shape_cast %swap3A_40 : vector<1x32x65x65xf32> to vector<32x65x65xf32>
    %swap3A_42 = vector.shape_cast %add3A_36 : vector<32x65x65xf32> to vector<1x32x65x65xf32>
    tpu.vector_store %arg4[%swap3A, %swap3A_37, %swap3A_38, %swap3A_39], %swap3A_42 {strides = array<i32>} : memref<1x32x65x65xf32, #tpu.memory_space<vmem>>, vector<1x32x65x65xf32>,
    return
  }
  func.func @transform_0(%arg0: i32) -> (i32, i32, i32) {
    %c0_i32 = arith.constant 0 : i32
    %c0_i32_0 = arith.constant 0 : i32
    %c0_i32_1 = arith.constant 0 : i32
    return %arg0, %c0_i32, %c0_i32_0 : i32, i32, i32
  }
  func.func @transform_1(%arg0: i32) -> (i32, i32) {
    %c0_i32 = arith.constant 0 : i32
    %c0_i32_0 = arith.constant 0 : i32
    return %c0_i32, %arg0 : i32, i32
  }
  func.func @transform_2(%arg0: i32) -> (i32, i32) {
    %c0_i32 = arith.constant 0 : i32
    %c0_i32_0 = arith.constant 0 : i32
    %c0_i32_1 = arith.constant 0 : i32
    return %c0_i32, %c0_i32_0 : i32, i32
  }
  func.func @transform_3(%arg0: i32) -> (i32, i32, i32, i32) {
    %c0_i32 = arith.constant 0 : i32
    %c0_i32_0 = arith.constant 0 : i32
    %c0_i32_1 = arith.constant 0 : i32
    %c0_i32_2 = arith.constant 0 : i32
    return %arg0, %c0_i32, %c0_i32_0, %c0_i32_1 : i32, i32, i32, i32
  }
}

</mosaic_0001>

<sc_bundles>
// kernel: kernel.5.cloned.1.call-start
scs
__scs_entry_jumppad:
0x0: {  	(pc) =	sbr.rel $0x88, $3  }
0x1: {  	(tag) =	ssettag $0x0;
	lr =	simm.s32 $0x1  }
0x2: {  	[smem:$0x3F9A] =	sst lr;
	_ =	strace $0xD0000000  }
0x3: {  	_ = 	snop  }
0x4: {  	_ = 	snop  }
0x5: {  	_ = 	snop  }
0x6: {  	_ = 	snop  }
0x7: {  	_ = 	snop  }
__scs_overlays_trampoline_lowered:
0x8: {  	[smem:$0x3FA9] =	sst s0  }
0x9: {  	[smem:$0x3FAA] =	sst s1  }
0xa: {  	[smem:$0x3FAB] =	sst s2  }
0xb: {  	[smem:$0x3FAC] =	sst s3  }
0xc: {  	[smem:$0x3FAD] =	sst s4  }
0xd: {  	[smem:$0x3FAE] =	sst s5  }
0xe: {  	[smem:$0x3FAF] =	sst s6  }
0xf: {  	[smem:$0x3FB0] =	sst s7  }
0x10: {  	[smem:$0x3FB1] =	sst s8  }
0x11: {  	[smem:$0x3FB2] =	sst s9;
	s0 =	simm.s32 @!p0 $0x0  }
0x12: {  	s1 =	sld [smem:$0x3F98];
	s0 =	simm.s32 @p0 $0x1  }
0x13: {  	[smem:$0x3FB3] =	sst s0;
	s0 =	simm.s32 @!p1 $0x0  }
0x14: {  	s2 =	sld [smem:$0x3F97];
	s0 =	simm.s32 @p1 $0x1  }
0x15: {  	[smem:$0x3FB4] =	sst s0;
	s0 =	simm.s32 @!p2 $0x0  }
0x16: {  	s3 =	sld [smem:$0x3FDB];
	s0 =	simm.s32 @p2 $0x1  }
0x17: {  	s4 =	simm.s32 $0x1BF5;
	[smem:$0x3FB6] =	sst s0  }
0x18: {  	s0 =	sld [smem:$0x3F99];
	_ =	swait.ge [sflag:s4], $0x0  }
0x19: {  	s7 =	sld [smem:$0x3F9A]  }
0x1a: {  	s8 =	sadd.s32 $0xFFFFE003, lr  }
0x1b: {  	s9 =	sadd.s32 $0xFFFFFEF7, lr;
	s5 =	simm.s32 $0xFFFFFFFF;
	p2 =	slt.u32 s8, $0xFFFFF086  }
0x1c: {  	p1 =	slt.u32 s9, $0xF7A;
	s5 =	simm.s32 @!p2 $0x0  }
0x1d: {  	s5 =	simm.s32 @p1 $0x1;
	p0 =	seq.s32 s7, s2  }
0x1e: {  	s7 =	smul.u32 @!p0 $0xF7A, s2;
	p2 =	seq.s32 @!p0 s5, $0x0  }
0x1f: {  	s9 =	smul.u32 $0xF7A, s1;
	s8 =	simm.s32 @!p0 $0x1BF5;
	p2 =	por !p2, p0  }
0x20: {  	[sflag:s8] =	ssyncset.s32 @!p0 $0xFFFFF086;
	s6 =	sadd.s32 @!p0 s3, s7;
	s7 =	simm.s32 @!p0 $0x108  }
0x21: {  	s3 =	sadd.s32 s3, s9;
	s6 =	sadd.s32 @!p0 $0x88, s6;
	s7 =	simm.s32 @p2 $0x1082  }
0x22: {  	[simem:s7], [sflag:s8] =	dma.local @!p0 [hbm:s6], $0xF7A  }
0x23: {  	s9 =	sor.u32 $0xD0000000, s2;
	s6 =	simm.s32 $0x108;
	_ =	swait.ge @!p0 [sflag:s8], $0x0  }
0x24: {  	s3 =	sadd.s32 $0x88, s3;
	s6 =	simm.s32 @!p1 $0x1082;
	[sflag:s4] =	ssyncset.s32 $0xFFFFF086  }
0x25: {  	[simem:s6], [sflag:s4] =	dma.local [hbm:s3], $0xF7A  }
0x26: {  	[smem:$0x3F9A] =	sst s1;
	(tag) =	ssettag s2;
	_ =	strace s9  }
0x27: {  	s1 =	sld [smem:$0x3FAA]  }
0x28: {  	s2 =	sld [smem:$0x3FAB]  }
0x29: {  	s4 =	sld [smem:$0x3FAD]  }
0x2a: {  	p0 =	seq.s32 s5, $0x0;
	s5 =	sld [smem:$0x3FAE]  }
0x2b: {  	s6 =	sld [smem:$0x3FAF]  }
0x2c: {  	s7 =	sld [smem:$0x3FB0]  }
0x2d: {  	s3 =	simm.s32 $0x108;
	s8 =	sld [smem:$0x3FB1]  }
0x2e: {  	s3 =	simm.s32 @!p0 $0x1082;
	s9 =	sld [smem:$0x3FB2]  }
0x2f: {  	lr =	sadd.s32 s0, s3;
	s0 =	sld [smem:$0x3FA9]  }
0x30: {  	s3 =	sld [smem:$0x3FAC]  }
0x31: {  	[smem:$0x3FB5] =	sst s10  }
0x32: {  	s10 =	sld [smem:$0x3FB3];
	_ =	sdelay $0x3  }
0x33: {  	p0 =	seq.s32 s10, $0x1;
	s10 =	sld [smem:$0x3FB5];
	_ =	sdelay $0x3  }
0x34: {  	[smem:$0x3FB5] =	sst s10  }
0x35: {  	s10 =	sld [smem:$0x3FB4];
	_ =	sdelay $0x3  }
0x36: {  	p1 =	seq.s32 s10, $0x1;
	s10 =	sld [smem:$0x3FB5];
	_ =	sdelay $0x3  }
0x37: {  	[smem:$0x3FB5] =	sst s10  }
0x38: {  	s10 =	sld [smem:$0x3FB6]  }
0x39: {  	_ = 	snop;
	(pc) =	sbr.ind lr, $3  }
0x3a: {  	_ = 	snop  }
0x3b: {  	_ = 	snop  }
0x3c: {  	p2 =	seq.s32 s10, $0x1;
	s10 =	sld [smem:$0x3FB5]  }
0x3d: {  	_ =	shalt  }
0x3e: {  	_ =	shalt  }
0x3f: {  	_ =	shalt  }
0x40: {  	_ =	shalt  }
0x41: {  	_ =	shalt  }
0x42: {  	_ =	shalt  }
0x43: {  	_ =	shalt  }
0x44: {  	_ =	shalt  }
0x45: {  	_ =	shalt  }
0x46: {  	_ =	shalt  }
0x47: {  	_ =	shalt  }
0x48: {  	_ =	shalt  }
0x49: {  	_ =	shalt  }
0x4a: {  	_ =	shalt  }
0x4b: {  	_ =	shalt  }
0x4c: {  	_ =	shalt  }
0x4d: {  	_ =	shalt  }
0x4e: {  	_ =	shalt  }
0x4f: {  	_ =	shalt  }
0x50: {  	_ =	shalt  }
0x51: {  	_ =	shalt  }
0x52: {  	_ =	shalt  }
0x53: {  	_ =	shalt  }
0x54: {  	_ =	shalt  }
0x55: {  	_ =	shalt  }
0x56: {  	_ =	shalt  }
0x57: {  	_ =	shalt  }
0x58: {  	_ =	shalt  }
0x59: {  	_ =	shalt  }
0x5a: {  	_ =	shalt  }
0x5b: {  	_ =	shalt  }
0x5c: {  	_ =	shalt  }
0x5d: {  	_ =	shalt  }
0x5e: {  	_ =	shalt  }
0x5f: {  	_ =	shalt  }
0x60: {  	_ =	shalt  }
0x61: {  	_ =	shalt  }
0x62: {  	_ =	shalt  }
0x63: {  	_ =	shalt  }
0x64: {  	_ =	shalt  }
0x65: {  	_ =	shalt  }
0x66: {  	_ =	shalt  }
0x67: {  	_ =	shalt  }
0x68: {  	_ =	shalt  }
0x69: {  	_ =	shalt  }
0x6a: {  	_ =	shalt  }
0x6b: {  	_ =	shalt  }
0x6c: {  	_ =	shalt  }
0x6d: {  	_ =	shalt  }
0x6e: {  	_ =	shalt  }
0x6f: {  	_ =	shalt  }
0x70: {  	_ =	shalt  }
0x71: {  	_ =	shalt  }
0x72: {  	_ =	shalt  }
0x73: {  	_ =	shalt  }
0x74: {  	_ =	shalt  }
0x75: {  	_ =	shalt  }
0x76: {  	_ =	shalt  }
0x77: {  	_ =	shalt  }
0x78: {  	_ =	shalt  }
0x79: {  	_ =	shalt  }
0x7a: {  	_ =	shalt  }
0x7b: {  	_ =	shalt  }
0x7c: {  	_ =	shalt  }
0x7d: {  	_ =	shalt  }
0x7e: {  	_ =	shalt  }
0x7f: {  	_ =	shalt  }
0x80: {  	_ =	shalt  }
0x81: {  	_ =	shalt  }
0x82: {  	_ =	shalt  }
0x83: {  	_ =	shalt  }
0x84: {  	_ =	shalt  }
0x85: {  	_ =	shalt  }
0x86: {  	_ =	shalt  }
0x87: {  	_ =	shalt  }
.Lfunc_end0:
.L_simem_size_0:
called_computation_lowered:
.L_overlay_start_0:
0x88: {  	s2 =	sld [smem:$0x3FD9]  }
0x89: {  	s3 =	sld [smem:$0x3FFE];
	_ =	sdelay $0x1  }
0x8a: {  	s1 =	srdreg.scid  }
0x8b: {  	s0 =	sand.u32 $0x1, s1  }
0x8c: {  	s17 =	sshll.u32 s0, $0xA;
	s2 =	sadd.s32 s3, s2  }
0x8d: {  	s2 =	sadd.s32 s2, s17  }
0x8e: {  	[smem:$0x3FC1] =	sst s2  }
0x8f: {  	_ = 	snop  }
0x90: {  	s2 =	sld [smem:$0x3FD0];
	(tm) =	ssettm $0x1  }
0x91: {  	s18 =	sld [smem:$0x3FFB];
	_ =	sdelay $0x3  }
0x92: {  	_ =	strace s18  }
0x93: {  	s3 =	sld [smem:$0x3FFC];
	_ =	sdelay $0x3  }
0x94: {  	_ =	strace s3  }
0x95: {  	s3 =	sld [smem:$0x3FFD];
	_ =	sdelay $0x3  }
0x96: {  	_ =	strace s3  }
0x97: {  	_ =	strace $0x8FFFFFFF  }
0x98: {  	s19 =	sld [smem:$0x3FDB];
	_ =	sdelay $0x1  }
0x99: {  	s4 =	simm.s32 $_scs_section_size  }
0x9a: {  	s5 =	simm.s32 $_size__tile_overlayer_lowered;
	s6 =	simm.s32 $_tile_overlayer_lowered  }
0x9b: {  	s22 =	simm.s32 $0x1BFF;
	s21 =	sshll.u32 s6, $0x1;
	s3 =	sadd.s32 s4, s19  }
0x9c: {  	s7 =	simm.s32 $0x0;
	s20 =	sshll.u32 s5, $0x1;
	s5 =	sadd.s32 s21, s3  }
0x9d: {  	[timem:s7], [sflag:s22] =	dma.local [hbm:s5], s20  }
0x9e: {  	_ =	swait.ge [sflag:s22], s20  }
0x9f: {  	s4 =	ssub.s32 $0x0, s20;
	[sflag:s22] =	ssyncset.done $0x0  }
0xa0: {  	[sflag:s22] =	ssyncadd.s32 s4;
	_ =	sdelay $0x1  }
0xa1: {  	s23 =	simm.s32 $0x1B8B  }
0xa2: {  	_ =	swait.ge [sflag:s23], $0x1  }
0xa3: {  	[sflag:s23] =	ssyncset.done $0x0  }
0xa4: {  	s25 =	simm.s32 $0x1B8E;
	s24 =	sld [smem:$0x3FFE];
	[sflag:s23] =	ssyncadd.s32 $0xFFFFFFFF  }
0xa5: {  	s26 =	simm.s32 $execute0_lowered;
	[smem:$0x3FD2] =	sst s25  }
0xa6: {  	s5 =	sshll.u32 s26, $0x1;
	_ =	strace $0x80000046;
	[dreg:$0x1] =	wrdreg $0xFFFFFFFF  }
0xa7: {  	s28 =	simm.s32 $_size_execute0_lowered;
	s3 =	sadd.s32 s3, s5;
	[dreg:$0x0] =	wrdreg $0x0  }
0xa8: {  	s5 =	sshll.u32 s28, $0x1;
	[dreg:$0x2] =	wrdreg s3  }
0xa9: {  	[dreg:$0x3] =	wrdreg s5  }
0xaa: {  	[dreg:$0x4] =	wrdreg $0xC0  }
0xab: {  	_ =	task [dreg:s7], $0x5FFFF  }
0xac: {  	[dreg:$0x1] =	wrdreg $0xFFFFFFFF  }
0xad: {  	[dreg:$0x0] =	wrdreg $0x60  }
0xae: {  	[dreg:$0x2] =	wrdreg s24  }
0xaf: {  	[dreg:$0x3] =	wrdreg s2  }
0xb0: {  	[dreg:$0x4] =	wrdreg $0x9  }
0xb1: {  	_ =	task.clear_ibuf [dreg:s7], $0x5FFFF;
	_ =	strace $0x90000046  }
0xb2: {  	s29 =	simm.s32 $0x9;
	_ =	strace $0x80000048  }
0xb3: {  	_ =	swait.ge [sflag:s29], $0x1  }
0xb4: {  	[sflag:s29] =	ssyncadd.s32 $0xFFFFFFFF  }
0xb5: {  	_ =	strace $0x90000048  }
0xb6: {  	_ =	sfence  }
0xb7: {  	s30 =	sld [smem:$0x0];
	_ =	sdelay $0x2  }
0xb8: {  	s31 =	sshll.u32 s1, $0xD;
	s1 =	sshrl.u32 s1, $0x2  }
0xb9: {  	s3 =	sand.u32 $0x4000, s31;
	s1 =	sadd.s32 s1, s30  }
0xba: {  	s0 =	sor.u32 s3, s0;
	s1 =	sshll.u32 s1, $0x11  }
0xbb: {  	s0 =	sor.u32 s1, s0  }
0xbc: {  	s0 =	sadd.s32 $0x8F2B, s0  }
0xbd: {  	[sflag:s0] =	ssyncadd.remote.s32 $0x1  }
0xbe: {  	_ =	sfence.sel $0xFFFF  }
0xbf: {  	[dreg:$0x0] =	wrdreg $0xFFFFFFFF;
	(pc) =	sbr.abs _section_cstart, $3  }
0xc0: {  	[dreg:$0x1] =	wrdreg $0xFFFFFFFF  }
0xc1: {  	_ =	task.clear_ibuf [dreg:s7], $0x2FFFF;
	_ =	strace $0x9FFFFFFF  }
0xc2: {  	(tm) =	ssettm $0x7FFFFFFF  }
0xc3: {  	_ =	shalt  }
tec
execute0_lowered:
.L_overlay_start_1:
0x0: {  	(tag) =	ssettag $0x1  }
0x1: {  	s0 =	rddreg [dreg:$0x0]  }
0x2: {  	s1 =	rddreg [dreg:$0x1]  }
0x3: {  	s3 =	srdreg.scid;
	s2 =	simm.s32 $0x0;
	s4 =	stileid.u32  }
0x4: {  	s28 =	simm.s32 $0x6700;
	s29 =	simm.s32 $0xCE00;
	s30 =	simm.s32 $0x2  }
0x5: {  	s31 =	simm.s32 $0x0;
	s3 =	sand.u32 $0x1, s3;
	[smem:$0x7FF] =	sst s2  }
0x6: {  	s4 =	sshll.u32 s4, $0xC;
	s22 =	sadd.s32 $0x3400, s0;
	s7 =	sadd.s32 $0xE00, s0  }
0x7: {  	s24 =	sadd.s32 $0x40D1, s0;
	_ =	strace $0x80000047;
	[dreg:$0x3] =	wrdreg s22  }
0x8: {  	s5 =	sshll.u32 s3, $0xB;
	s3 =	ssub.s32 $0x2, s3;
	[dreg:$0x4] =	wrdreg s7  }
0x9: {  	[dreg:$0x5] =	wrdreg s24;
	s4 =	sor.u32 s5, s4;
	s6 =	sshrl.u32 s3, $0x1  }
0xa: {  	s24 =	sadd.s32 $0x5A73, s0;
	s23 =	sshrl.u32 s4, $0x3;
	s3 =	ssub.s32 s3, s6  }
0xb: {  	s22 =	sadd.s32 s1, s4;
	s1 =	simm.s32 $0x1;
	s5 =	sadd.s32 s23, s0  }
0xc: {  	s23 =	sadd.s32 $0x4DA2, s0;
	s25 =	sadd.s32 $0x1400, s5;
	s26 =	sadd.s32 $0x7600, s5  }
0xd: {  	s8 =	sadd.s32 $0x9600, s5;
	s9 =	sadd.s32 $0xB600, s5;
	s10 =	sadd.s32 $0xD600, s5  }
0xe: {  	s11 =	sadd.s32 $0xF600, s5;
	s12 =	sadd.s32 $0x11600, s5;
	s13 =	sadd.s32 $0x13600, s5  }
0xf: {  	s14 =	sadd.s32 $0x15600, s5;
	s15 =	sadd.s32 $0x17600, s5;
	s16 =	sadd.s32 $0x19600, s5  }
0x10: {  	s17 =	sadd.s32 $0x1B600, s5;
	s18 =	sadd.s32 $0x1D600, s5;
	s19 =	sadd.s32 $0x1F600, s5  }
0x11: {  	s20 =	sadd.s32 $0x21600, s5;
	s21 =	sadd.s32 $0x23600, s5;
	[dreg:$0x6] =	wrdreg s25  }
0x12: {  	v0 =	vimm.s32 $0x0;
	[dreg:$0x7] =	wrdreg s26;
	s25 =	sadd.s32 $0x6744, s0;
	s26 =	smax.u32 s3, $0x1  }
.LBB2_1:
0x13: {  	s0 =	rddreg [dreg:$0x3]  }
0x14: {  	[tilespmem:s2], [sflag:$0x1] =	stream.linear.gather [hbm4b:s0+s2], $0x6688, $0x38;
	[tilespmem:$0x1F180] =	vst v63  }
0x15: {  	s7 =	rddreg [dreg:$0x5]  }
0x16: {  	[tilespmem:s28], [sflag:$0x1] =	stream.linear.gather [hbm4b:s7+s2], $0x6688, $0x38;
	[tilespmem:$0x1F180] =	vst v63  }
0x17: {  	s3 =	rddreg [dreg:$0x4]  }
0x18: {  	[tilespmem:s29], [sflag:$0x1] =	stream.linear.gather [hbm4b:s3+s2], $0x2380, $0x38;
	[tilespmem:$0x1F180] =	vst v63  }
0x19: {  	s4 =	rddreg [dreg:$0x6];
	s3 =	simm.s32 $0x1E980  }
0x1a: {  	[tilespmem:s3], [sflag:$0x1] =	stream.linear.gather [hbm4b:s4+s2], $0x800, $0x38;
	[tilespmem:$0x1F180] =	vst v63  }
0x1b: {  	s5 =	rddreg [dreg:$0x7];
	s0 =	simm.s32 $0x17180  }
0x1c: {  	[tilespmem:s0], [sflag:$0x1] =	stream.linear.gather [hbm4b:s5+s2], $0x800, $0x38;
	[tilespmem:$0x1F180] =	vst v63  }
0x1d: {  	s6 =	simm.s32 $0x17980  }
0x1e: {  	[tilespmem:s6], [sflag:$0x1] =	stream.linear.gather [hbm4b:s8+s2], $0x800, $0x38;
	[tilespmem:$0x1F180] =	vst v63  }
0x1f: {  	s7 =	simm.s32 $0x18180  }
0x20: {  	[tilespmem:s7], [sflag:$0x1] =	stream.linear.gather [hbm4b:s9+s2], $0x800, $0x38;
	[tilespmem:$0x1F180] =	vst v63  }
0x21: {  	s4 =	simm.s32 $0x18980  }
0x22: {  	[tilespmem:s4], [sflag:$0x1] =	stream.linear.gather [hbm4b:s10+s2], $0x800, $0x38;
	[tilespmem:$0x1F180] =	vst v63  }
0x23: {  	s5 =	simm.s32 $0x19180  }
0x24: {  	[tilespmem:s5], [sflag:$0x1] =	stream.linear.gather [hbm4b:s11+s2], $0x800, $0x38;
	[tilespmem:$0x1F180] =	vst v63  }
0x25: {  	s6 =	simm.s32 $0x19980  }
0x26: {  	[tilespmem:s6], [sflag:$0x1] =	stream.linear.gather [hbm4b:s12+s2], $0x800, $0x38;
	[tilespmem:$0x1F180] =	vst v63  }
0x27: {  	s7 =	simm.s32 $0x1A180  }
0x28: {  	[tilespmem:s7], [sflag:$0x1] =	stream.linear.gather [hbm4b:s13+s2], $0x800, $0x38;
	[tilespmem:$0x1F180] =	vst v63  }
0x29: {  	s4 =	simm.s32 $0x1A980  }
0x2a: {  	[tilespmem:s4], [sflag:$0x1] =	stream.linear.gather [hbm4b:s14+s2], $0x800, $0x38;
	[tilespmem:$0x1F180] =	vst v63  }
0x2b: {  	s5 =	simm.s32 $0x1B180  }
0x2c: {  	[tilespmem:s5], [sflag:$0x1] =	stream.linear.gather [hbm4b:s15+s2], $0x800, $0x38;
	[tilespmem:$0x1F180] =	vst v63  }
0x2d: {  	s6 =	simm.s32 $0x1B980  }
0x2e: {  	[tilespmem:s6], [sflag:$0x1] =	stream.linear.gather [hbm4b:s16+s2], $0x800, $0x38;
	[tilespmem:$0x1F180] =	vst v63  }
0x2f: {  	s7 =	simm.s32 $0x1C180  }
0x30: {  	[tilespmem:s7], [sflag:$0x1] =	stream.linear.gather [hbm4b:s17+s2], $0x800, $0x38;
	[tilespmem:$0x1F180] =	vst v63  }
0x31: {  	s4 =	simm.s32 $0x1C980  }
0x32: {  	[tilespmem:s4], [sflag:$0x1] =	stream.linear.gather [hbm4b:s18+s2], $0x800, $0x38;
	[tilespmem:$0x1F180] =	vst v63  }
0x33: {  	s5 =	simm.s32 $0x1D180  }
0x34: {  	[tilespmem:s5], [sflag:$0x1] =	stream.linear.gather [hbm4b:s19+s2], $0x800, $0x38;
	[tilespmem:$0x1F180] =	vst v63  }
0x35: {  	s6 =	simm.s32 $0x1D980  }
0x36: {  	[tilespmem:s6], [sflag:$0x1] =	stream.linear.gather [hbm4b:s20+s2], $0x800, $0x38;
	[tilespmem:$0x1F180] =	vst v63  }
0x37: {  	s7 =	simm.s32 $0x1E180  }
0x38: {  	[tilespmem:s7], [sflag:$0x1] =	stream.linear.gather [hbm4b:s21+s2], $0x800, $0x38;
	[tilespmem:$0x1F180] =	vst v63  }
0x39: {  	_ =	swait.ge [sflag:s1], $0x6688  }
0x3a: {  	[sflag:s1] =	ssyncset.done $0x0  }
0x3b: {  	[sflag:s1] =	ssyncadd.s32 $0xFFFF9978  }
0x3c: {  	_ =	swait.ge [sflag:s1], $0x6688  }
0x3d: {  	[sflag:s1] =	ssyncset.done $0x0  }
0x3e: {  	[sflag:s1] =	ssyncadd.s32 $0xFFFF9978  }
0x3f: {  	_ =	swait.ge [sflag:s1], $0x2380  }
0x40: {  	[sflag:s1] =	ssyncset.done $0x0  }
0x41: {  	[sflag:s1] =	ssyncadd.s32 $0xFFFFDC80  }
0x42: {  	_ =	swait.ge [sflag:s1], $0x800  }
0x43: {  	[sflag:s1] =	ssyncset.done $0x0  }
0x44: {  	[sflag:s1] =	ssyncadd.s32 $0xFFFFF800  }
0x45: {  	_ =	swait.ge [sflag:s1], $0x800  }
0x46: {  	[sflag:s1] =	ssyncset.done $0x0  }
0x47: {  	[sflag:s1] =	ssyncadd.s32 $0xFFFFF800  }
0x48: {  	_ =	swait.ge [sflag:s1], $0x800  }
0x49: {  	[sflag:s1] =	ssyncset.done $0x0  }
0x4a: {  	[sflag:s1] =	ssyncadd.s32 $0xFFFFF800  }
0x4b: {  	_ =	swait.ge [sflag:s1], $0x800  }
0x4c: {  	[sflag:s1] =	ssyncset.done $0x0  }
0x4d: {  	[sflag:s1] =	ssyncadd.s32 $0xFFFFF800  }
0x4e: {  	_ =	swait.ge [sflag:s1], $0x800  }
0x4f: {  	[sflag:s1] =	ssyncset.done $0x0  }
0x50: {  	[sflag:s1] =	ssyncadd.s32 $0xFFFFF800  }
0x51: {  	_ =	swait.ge [sflag:s1], $0x800  }
0x52: {  	[sflag:s1] =	ssyncset.done $0x0  }
0x53: {  	[sflag:s1] =	ssyncadd.s32 $0xFFFFF800  }
0x54: {  	_ =	swait.ge [sflag:s1], $0x800  }
0x55: {  	[sflag:s1] =	ssyncset.done $0x0  }
0x56: {  	[sflag:s1] =	ssyncadd.s32 $0xFFFFF800  }
0x57: {  	_ =	swait.ge [sflag:s1], $0x800  }
0x58: {  	[sflag:s1] =	ssyncset.done $0x0  }
0x59: {  	[sflag:s1] =	ssyncadd.s32 $0xFFFFF800  }
0x5a: {  	_ =	swait.ge [sflag:s1], $0x800  }
0x5b: {  	[sflag:s1] =	ssyncset.done $0x0  }
0x5c: {  	[sflag:s1] =	ssyncadd.s32 $0xFFFFF800  }
0x5d: {  	_ =	swait.ge [sflag:s1], $0x800  }
0x5e: {  	[sflag:s1] =	ssyncset.done $0x0  }
0x5f: {  	[sflag:s1] =	ssyncadd.s32 $0xFFFFF800  }
0x60: {  	_ =	swait.ge [sflag:s1], $0x800  }
0x61: {  	[sflag:s1] =	ssyncset.done $0x0  }
0x62: {  	[sflag:s1] =	ssyncadd.s32 $0xFFFFF800  }
0x63: {  	_ =	swait.ge [sflag:s1], $0x800  }
0x64: {  	[sflag:s1] =	ssyncset.done $0x0  }
0x65: {  	[sflag:s1] =	ssyncadd.s32 $0xFFFFF800  }
0x66: {  	_ =	swait.ge [sflag:s1], $0x800  }
0x67: {  	[sflag:s1] =	ssyncset.done $0x0  }
0x68: {  	[sflag:s1] =	ssyncadd.s32 $0xFFFFF800  }
0x69: {  	_ =	swait.ge [sflag:s1], $0x800  }
0x6a: {  	[sflag:s1] =	ssyncset.done $0x0  }
0x6b: {  	[sflag:s1] =	ssyncadd.s32 $0xFFFFF800  }
0x6c: {  	_ =	swait.ge [sflag:s1], $0x800  }
0x6d: {  	[sflag:s1] =	ssyncset.done $0x0  }
0x6e: {  	[sflag:s1] =	ssyncadd.s32 $0xFFFFF800  }
0x6f: {  	_ =	swait.ge [sflag:s1], $0x800  }
0x70: {  	s3 =	simm.s32 $0x0;
	[sflag:s1] =	ssyncset.done $0x0  }
0x71: {  	s4 =	simm.s32 $0x0;
	s5 =	simm.s32 $0x0;
	[sflag:s1] =	ssyncadd.s32 $0xFFFFF800  }
.LBB2_2:
0x72: {  	v1 =	vld [tilespmem:s0+$0x0];
	s6 =	sand.u32 $0x7F0, s5  }
0x73: {  	v2 =	vld [tilespmem:s6+$0x17980]  }
0x74: {  	v4 =	vld [tilespmem:s6+$0x18180]  }
0x75: {  	v5 =	vld [tilespmem:s6+$0x18980]  }
0x76: {  	v7 =	vld [tilespmem:s6+$0x19180]  }
0x77: {  	v3 =	vmul.u32 $0x11, v1;
	v1 =	vld [tilespmem:s6+$0x19980]  }
0x78: {  	v6 =	vmul.u32 $0x11, v2  }
0x79: {  	v4 =	vmul.u32 $0x11, v4  }
0x7a: {  	v5 =	vmul.u32 $0x11, v5  }
0x7b: {  	v2 =	vmul.u32 $0x11, v7  }
0x7c: {  	v1 =	vmul.u32 $0x11, v1  }
0x7d: {  	v25 =	vld.idx.msk [tilespmem:v3+s2+$0x0], $0xffff  }
0x7e: {  	v8 =	vld.idx.msk [tilespmem:v6+s2+$0x0], $0xffff  }
0x7f: {  	v9 =	vld.idx.msk [tilespmem:v4+s2+$0x0], $0xffff  }
0x80: {  	v10 =	vld.idx.msk [tilespmem:v5+s28+$0x0], $0xffff  }
0x81: {  	v11 =	vld.idx.msk [tilespmem:v2+s28+$0x0], $0xffff  }
0x82: {  	v12 =	vld.idx.msk [tilespmem:v1+s28+$0x0], $0xffff;
	_ =	sdelay $0x2  }
0x83: {  	v7 =	vadd.bf16 v8, v25;
	v26 =	vadd.bf16 v10, v9;
	_ =	sdelay $0x1  }
0x84: {  	v28 =	vadd.s32 $0x1, v3;
	v7 =	vadd.bf16 v26, v7;
	v27 =	vadd.bf16 v12, v11  }
0x85: {  	v29 =	vadd.s32 $0x1, v6  }
0x86: {  	s7 =	sand.u32 $0x3C00, s4;
	s6 =	sand.u32 $0x70, s5;
	v30 =	vadd.s32 $0x1, v4;
	v7 =	vadd.bf16 v27, v7  }
0x87: {  	s6 =	sor.u32 s6, s7;
	v31 =	vadd.s32 $0x1, v5  }
0x88: {  	v32 =	vadd.s32 $0x1, v2;
	[tilespmem:s6+$0xF180] =	vst v7  }
0x89: {  	v33 =	vadd.s32 $0x1, v1;
	v8 =	vld.idx.msk [tilespmem:v28+s2+$0x0], $0xffff  }
0x8a: {  	v10 =	vld.idx.msk [tilespmem:v29+s2+$0x0], $0xffff  }
0x8b: {  	v9 =	vld.idx.msk [tilespmem:v30+s2+$0x0], $0xffff  }
0x8c: {  	v11 =	vld.idx.msk [tilespmem:v31+s28+$0x0], $0xffff  }
0x8d: {  	v7 =	vld.idx.msk [tilespmem:v32+s28+$0x0], $0xffff  }
0x8e: {  	v12 =	vld.idx.msk [tilespmem:v33+s28+$0x0], $0xffff;
	_ =	sdelay $0x2  }
0x8f: {  	v8 =	vadd.bf16 v10, v8;
	v9 =	vadd.bf16 v11, v9;
	_ =	sdelay $0x1  }
0x90: {  	v34 =	vadd.s32 $0x2, v3;
	v7 =	vadd.bf16 v12, v7;
	v8 =	vadd.bf16 v9, v8  }
0x91: {  	v35 =	vadd.s32 $0x2, v6  }
0x92: {  	v36 =	vadd.s32 $0x2, v4;
	v7 =	vadd.bf16 v7, v8  }
0x93: {  	v37 =	vadd.s32 $0x2, v5  }
0x94: {  	v38 =	vadd.s32 $0x2, v2;
	[tilespmem:s6+$0xF200] =	vst v7  }
0x95: {  	v39 =	vadd.s32 $0x2, v1;
	v9 =	vld.idx.msk [tilespmem:v34+s2+$0x0], $0xffff  }
0x96: {  	v10 =	vld.idx.msk [tilespmem:v35+s2+$0x0], $0xffff  }
0x97: {  	v8 =	vld.idx.msk [tilespmem:v36+s2+$0x0], $0xffff  }
0x98: {  	v11 =	vld.idx.msk [tilespmem:v37+s28+$0x0], $0xffff  }
0x99: {  	v7 =	vld.idx.msk [tilespmem:v38+s28+$0x0], $0xffff  }
0x9a: {  	v12 =	vld.idx.msk [tilespmem:v39+s28+$0x0], $0xffff;
	_ =	sdelay $0x2  }
0x9b: {  	v9 =	vadd.bf16 v10, v9;
	v8 =	vadd.bf16 v11, v8;
	_ =	sdelay $0x1  }
0x9c: {  	v40 =	vadd.s32 $0x3, v3;
	v7 =	vadd.bf16 v12, v7;
	v8 =	vadd.bf16 v8, v9  }
0x9d: {  	v41 =	vadd.s32 $0x3, v6  }
0x9e: {  	v42 =	vadd.s32 $0x3, v4;
	v7 =	vadd.bf16 v7, v8  }
0x9f: {  	v43 =	vadd.s32 $0x3, v5  }
0xa0: {  	v44 =	vadd.s32 $0x3, v2;
	[tilespmem:s6+$0xF280] =	vst v7  }
0xa1: {  	v45 =	vadd.s32 $0x3, v1;
	v9 =	vld.idx.msk [tilespmem:v40+s2+$0x0], $0xffff  }
0xa2: {  	v10 =	vld.idx.msk [tilespmem:v41+s2+$0x0], $0xffff  }
0xa3: {  	v8 =	vld.idx.msk [tilespmem:v42+s2+$0x0], $0xffff  }
0xa4: {  	v11 =	vld.idx.msk [tilespmem:v43+s28+$0x0], $0xffff  }
0xa5: {  	v7 =	vld.idx.msk [tilespmem:v44+s28+$0x0], $0xffff  }
0xa6: {  	v12 =	vld.idx.msk [tilespmem:v45+s28+$0x0], $0xffff;
	_ =	sdelay $0x2  }
0xa7: {  	v9 =	vadd.bf16 v10, v9;
	v8 =	vadd.bf16 v11, v8;
	_ =	sdelay $0x1  }
0xa8: {  	v46 =	vadd.s32 $0x4, v3;
	v7 =	vadd.bf16 v12, v7;
	v8 =	vadd.bf16 v8, v9  }
0xa9: {  	v47 =	vadd.s32 $0x4, v6  }
0xaa: {  	v48 =	vadd.s32 $0x4, v4;
	v7 =	vadd.bf16 v7, v8  }
0xab: {  	v49 =	vadd.s32 $0x4, v5  }
0xac: {  	v50 =	vadd.s32 $0x4, v2;
	[tilespmem:s6+$0xF300] =	vst v7  }
0xad: {  	v51 =	vadd.s32 $0x4, v1;
	v9 =	vld.idx.msk [tilespmem:v46+s2+$0x0], $0xffff  }
0xae: {  	v10 =	vld.idx.msk [tilespmem:v47+s2+$0x0], $0xffff  }
0xaf: {  	v8 =	vld.idx.msk [tilespmem:v48+s2+$0x0], $0xffff  }
0xb0: {  	v11 =	vld.idx.msk [tilespmem:v49+s28+$0x0], $0xffff  }
0xb1: {  	v7 =	vld.idx.msk [tilespmem:v50+s28+$0x0], $0xffff  }
0xb2: {  	v12 =	vld.idx.msk [tilespmem:v51+s28+$0x0], $0xffff;
	_ =	sdelay $0x2  }
0xb3: {  	v9 =	vadd.bf16 v10, v9;
	v8 =	vadd.bf16 v11, v8;
	_ =	sdelay $0x1  }
0xb4: {  	v52 =	vadd.s32 $0x5, v3;
	v7 =	vadd.bf16 v12, v7;
	v8 =	vadd.bf16 v8, v9  }
0xb5: {  	v53 =	vadd.s32 $0x5, v6  }
0xb6: {  	v54 =	vadd.s32 $0x5, v4;
	v7 =	vadd.bf16 v7, v8  }
0xb7: {  	v55 =	vadd.s32 $0x5, v5  }
0xb8: {  	v56 =	vadd.s32 $0x5, v2;
	[tilespmem:s6+$0xF380] =	vst v7  }
0xb9: {  	v57 =	vadd.s32 $0x5, v1;
	v9 =	vld.idx.msk [tilespmem:v52+s2+$0x0], $0xffff  }
0xba: {  	v10 =	vld.idx.msk [tilespmem:v53+s2+$0x0], $0xffff  }
0xbb: {  	v8 =	vld.idx.msk [tilespmem:v54+s2+$0x0], $0xffff  }
0xbc: {  	v11 =	vld.idx.msk [tilespmem:v55+s28+$0x0], $0xffff  }
0xbd: {  	v7 =	vld.idx.msk [tilespmem:v56+s28+$0x0], $0xffff  }
0xbe: {  	v12 =	vld.idx.msk [tilespmem:v57+s28+$0x0], $0xffff;
	_ =	sdelay $0x2  }
0xbf: {  	v9 =	vadd.bf16 v10, v9;
	v8 =	vadd.bf16 v11, v8;
	_ =	sdelay $0x1  }
0xc0: {  	v58 =	vadd.s32 $0x6, v3;
	v7 =	vadd.bf16 v12, v7;
	v8 =	vadd.bf16 v8, v9  }
0xc1: {  	v59 =	vadd.s32 $0x6, v6  }
0xc2: {  	v60 =	vadd.s32 $0x6, v4;
	v7 =	vadd.bf16 v7, v8  }
0xc3: {  	v61 =	vadd.s32 $0x6, v5  }
0xc4: {  	v62 =	vadd.s32 $0x6, v2;
	[tilespmem:s6+$0xF400] =	vst v7  }
0xc5: {  	v63 =	vadd.s32 $0x6, v1;
	v9 =	vld.idx.msk [tilespmem:v58+s2+$0x0], $0xffff  }
0xc6: {  	v10 =	vld.idx.msk [tilespmem:v59+s2+$0x0], $0xffff  }
0xc7: {  	v8 =	vld.idx.msk [tilespmem:v60+s2+$0x0], $0xffff  }
0xc8: {  	v11 =	vld.idx.msk [tilespmem:v61+s28+$0x0], $0xffff  }
0xc9: {  	v7 =	vld.idx.msk [tilespmem:v62+s28+$0x0], $0xffff  }
0xca: {  	v12 =	vld.idx.msk [tilespmem:v63+s28+$0x0], $0xffff;
	_ =	sdelay $0x2  }
0xcb: {  	v9 =	vadd.bf16 v10, v9;
	v8 =	vadd.bf16 v11, v8;
	_ =	sdelay $0x1  }
0xcc: {  	v16 =	vadd.s32 $0x7, v3;
	v7 =	vadd.bf16 v12, v7;
	v8 =	vadd.bf16 v8, v9  }
0xcd: {  	v17 =	vadd.s32 $0x7, v6  }
0xce: {  	v18 =	vadd.s32 $0x7, v4;
	v7 =	vadd.bf16 v7, v8  }
0xcf: {  	v19 =	vadd.s32 $0x7, v5  }
0xd0: {  	v20 =	vadd.s32 $0x7, v2;
	[tilespmem:s6+$0xF480] =	vst v7  }
0xd1: {  	v21 =	vadd.s32 $0x7, v1;
	v9 =	vld.idx.msk [tilespmem:v16+s2+$0x0], $0xffff  }
0xd2: {  	v10 =	vld.idx.msk [tilespmem:v17+s2+$0x0], $0xffff  }
0xd3: {  	v8 =	vld.idx.msk [tilespmem:v18+s2+$0x0], $0xffff  }
0xd4: {  	v11 =	vld.idx.msk [tilespmem:v19+s28+$0x0], $0xffff  }
0xd5: {  	v7 =	vld.idx.msk [tilespmem:v20+s28+$0x0], $0xffff  }
0xd6: {  	v12 =	vld.idx.msk [tilespmem:v21+s28+$0x0], $0xffff;
	_ =	sdelay $0x2  }
0xd7: {  	v9 =	vadd.bf16 v10, v9;
	v8 =	vadd.bf16 v11, v8;
	_ =	sdelay $0x1  }
0xd8: {  	s7 =	sand.u32 $0x7, s3;
	v22 =	vadd.s32 $0x8, v3;
	v7 =	vadd.bf16 v12, v7;
	v8 =	vadd.bf16 v8, v9  }
0xd9: {  	s7 =	sshll.u32 s7, $0x4;
	v23 =	vadd.s32 $0x8, v6  }
0xda: {  	s7 =	sadd.s32 s7, s4;
	v24 =	vadd.s32 $0x8, v4;
	v7 =	vadd.bf16 v7, v8  }
0xdb: {  	s7 =	sor.u32 $0x380, s7;
	v25 =	vadd.s32 $0x8, v5  }
0xdc: {  	v26 =	vadd.s32 $0x8, v2;
	[tilespmem:s7+$0xF180] =	vst v7  }
0xdd: {  	v27 =	vadd.s32 $0x8, v1;
	v9 =	vld.idx.msk [tilespmem:v22+s2+$0x0], $0xffff  }
0xde: {  	v10 =	vld.idx.msk [tilespmem:v23+s2+$0x0], $0xffff  }
0xdf: {  	v8 =	vld.idx.msk [tilespmem:v24+s2+$0x0], $0xffff  }
0xe0: {  	v11 =	vld.idx.msk [tilespmem:v25+s28+$0x0], $0xffff  }
0xe1: {  	v7 =	vld.idx.msk [tilespmem:v26+s28+$0x0], $0xffff  }
0xe2: {  	v12 =	vld.idx.msk [tilespmem:v27+s28+$0x0], $0xffff;
	_ =	sdelay $0x2  }
0xe3: {  	v9 =	vadd.bf16 v10, v9;
	v8 =	vadd.bf16 v11, v8;
	_ =	sdelay $0x1  }
0xe4: {  	v28 =	vadd.s32 $0x9, v3;
	v7 =	vadd.bf16 v12, v7;
	v8 =	vadd.bf16 v8, v9  }
0xe5: {  	v29 =	vadd.s32 $0x9, v6  }
0xe6: {  	v30 =	vadd.s32 $0x9, v4;
	v7 =	vadd.bf16 v7, v8  }
0xe7: {  	v31 =	vadd.s32 $0x9, v5  }
0xe8: {  	v32 =	vadd.s32 $0x9, v2;
	[tilespmem:s6+$0x13180] =	vst v7  }
0xe9: {  	v33 =	vadd.s32 $0x9, v1;
	v9 =	vld.idx.msk [tilespmem:v28+s2+$0x0], $0xffff  }
0xea: {  	v10 =	vld.idx.msk [tilespmem:v29+s2+$0x0], $0xffff  }
0xeb: {  	v8 =	vld.idx.msk [tilespmem:v30+s2+$0x0], $0xffff  }
0xec: {  	v11 =	vld.idx.msk [tilespmem:v31+s28+$0x0], $0xffff  }
0xed: {  	v7 =	vld.idx.msk [tilespmem:v32+s28+$0x0], $0xffff  }
0xee: {  	v12 =	vld.idx.msk [tilespmem:v33+s28+$0x0], $0xffff;
	_ =	sdelay $0x2  }
0xef: {  	v9 =	vadd.bf16 v10, v9;
	v8 =	vadd.bf16 v11, v8;
	_ =	sdelay $0x1  }
0xf0: {  	v34 =	vadd.s32 $0xA, v3;
	v7 =	vadd.bf16 v12, v7;
	v8 =	vadd.bf16 v8, v9  }
0xf1: {  	v35 =	vadd.s32 $0xA, v6  }
0xf2: {  	v36 =	vadd.s32 $0xA, v4;
	v7 =	vadd.bf16 v7, v8  }
0xf3: {  	v37 =	vadd.s32 $0xA, v5  }
0xf4: {  	v38 =	vadd.s32 $0xA, v2;
	[tilespmem:s6+$0x13200] =	vst v7  }
0xf5: {  	v39 =	vadd.s32 $0xA, v1;
	v9 =	vld.idx.msk [tilespmem:v34+s2+$0x0], $0xffff  }
0xf6: {  	v10 =	vld.idx.msk [tilespmem:v35+s2+$0x0], $0xffff  }
0xf7: {  	v8 =	vld.idx.msk [tilespmem:v36+s2+$0x0], $0xffff  }
0xf8: {  	v11 =	vld.idx.msk [tilespmem:v37+s28+$0x0], $0xffff  }
0xf9: {  	v7 =	vld.idx.msk [tilespmem:v38+s28+$0x0], $0xffff  }
0xfa: {  	v12 =	vld.idx.msk [tilespmem:v39+s28+$0x0], $0xffff;
	_ =	sdelay $0x2  }
0xfb: {  	v9 =	vadd.bf16 v10, v9;
	v8 =	vadd.bf16 v11, v8;
	_ =	sdelay $0x1  }
0xfc: {  	v40 =	vadd.s32 $0xB, v3;
	v7 =	vadd.bf16 v12, v7;
	v8 =	vadd.bf16 v8, v9  }
0xfd: {  	v41 =	vadd.s32 $0xB, v6  }
0xfe: {  	v42 =	vadd.s32 $0xB, v4;
	v7 =	vadd.bf16 v7, v8  }
0xff: {  	v43 =	vadd.s32 $0xB, v5  }
0x100: {  	v44 =	vadd.s32 $0xB, v2;
	[tilespmem:s6+$0x13280] =	vst v7  }
0x101: {  	v45 =	vadd.s32 $0xB, v1;
	v9 =	vld.idx.msk [tilespmem:v40+s2+$0x0], $0xffff  }
0x102: {  	v10 =	vld.idx.msk [tilespmem:v41+s2+$0x0], $0xffff  }
0x103: {  	v8 =	vld.idx.msk [tilespmem:v42+s2+$0x0], $0xffff  }
0x104: {  	v11 =	vld.idx.msk [tilespmem:v43+s28+$0x0], $0xffff  }
0x105: {  	v7 =	vld.idx.msk [tilespmem:v44+s28+$0x0], $0xffff  }
0x106: {  	v12 =	vld.idx.msk [tilespmem:v45+s28+$0x0], $0xffff;
	_ =	sdelay $0x2  }
0x107: {  	v9 =	vadd.bf16 v10, v9;
	v8 =	vadd.bf16 v11, v8;
	_ =	sdelay $0x1  }
0x108: {  	v46 =	vadd.s32 $0xC, v3;
	v7 =	vadd.bf16 v12, v7;
	v8 =	vadd.bf16 v8, v9  }
0x109: {  	v47 =	vadd.s32 $0xC, v6  }
0x10a: {  	v48 =	vadd.s32 $0xC, v4;
	v7 =	vadd.bf16 v7, v8  }
0x10b: {  	v49 =	vadd.s32 $0xC, v5  }
0x10c: {  	v50 =	vadd.s32 $0xC, v2;
	[tilespmem:s6+$0x13300] =	vst v7  }
0x10d: {  	v51 =	vadd.s32 $0xC, v1;
	v9 =	vld.idx.msk [tilespmem:v46+s2+$0x0], $0xffff  }
0x10e: {  	v10 =	vld.idx.msk [tilespmem:v47+s2+$0x0], $0xffff  }
0x10f: {  	v8 =	vld.idx.msk [tilespmem:v48+s2+$0x0], $0xffff  }
0x110: {  	v11 =	vld.idx.msk [tilespmem:v49+s28+$0x0], $0xffff  }
0x111: {  	v7 =	vld.idx.msk [tilespmem:v50+s28+$0x0], $0xffff  }
0x112: {  	v12 =	vld.idx.msk [tilespmem:v51+s28+$0x0], $0xffff;
	_ =	sdelay $0x2  }
0x113: {  	v9 =	vadd.bf16 v10, v9;
	v8 =	vadd.bf16 v11, v8;
	_ =	sdelay $0x1  }
0x114: {  	v52 =	vadd.s32 $0xD, v3;
	v7 =	vadd.bf16 v12, v7;
	v8 =	vadd.bf16 v8, v9  }
0x115: {  	v53 =	vadd.s32 $0xD, v6  }
0x116: {  	v54 =	vadd.s32 $0xD, v4;
	v7 =	vadd.bf16 v7, v8  }
0x117: {  	v55 =	vadd.s32 $0xD, v5  }
0x118: {  	v56 =	vadd.s32 $0xD, v2;
	[tilespmem:s6+$0x13380] =	vst v7  }
0x119: {  	v57 =	vadd.s32 $0xD, v1;
	v9 =	vld.idx.msk [tilespmem:v52+s2+$0x0], $0xffff  }
0x11a: {  	v10 =	vld.idx.msk [tilespmem:v53+s2+$0x0], $0xffff  }
0x11b: {  	v8 =	vld.idx.msk [tilespmem:v54+s2+$0x0], $0xffff  }
0x11c: {  	v11 =	vld.idx.msk [tilespmem:v55+s28+$0x0], $0xffff  }
0x11d: {  	v7 =	vld.idx.msk [tilespmem:v56+s28+$0x0], $0xffff  }
0x11e: {  	v12 =	vld.idx.msk [tilespmem:v57+s28+$0x0], $0xffff;
	_ =	sdelay $0x2  }
0x11f: {  	v9 =	vadd.bf16 v10, v9;
	v8 =	vadd.bf16 v11, v8;
	_ =	sdelay $0x1  }
0x120: {  	v58 =	vadd.s32 $0xE, v3;
	v7 =	vadd.bf16 v12, v7;
	v8 =	vadd.bf16 v8, v9  }
0x121: {  	v59 =	vadd.s32 $0xE, v6  }
0x122: {  	v60 =	vadd.s32 $0xE, v4;
	v7 =	vadd.bf16 v7, v8  }
0x123: {  	v61 =	vadd.s32 $0xE, v5  }
0x124: {  	v62 =	vadd.s32 $0xE, v2;
	[tilespmem:s6+$0x13400] =	vst v7  }
0x125: {  	v63 =	vadd.s32 $0xE, v1;
	v9 =	vld.idx.msk [tilespmem:v58+s2+$0x0], $0xffff  }
0x126: {  	v10 =	vld.idx.msk [tilespmem:v59+s2+$0x0], $0xffff  }
0x127: {  	v8 =	vld.idx.msk [tilespmem:v60+s2+$0x0], $0xffff  }
0x128: {  	v11 =	vld.idx.msk [tilespmem:v61+s28+$0x0], $0xffff  }
0x129: {  	v7 =	vld.idx.msk [tilespmem:v62+s28+$0x0], $0xffff  }
0x12a: {  	v12 =	vld.idx.msk [tilespmem:v63+s28+$0x0], $0xffff;
	_ =	sdelay $0x2  }
0x12b: {  	v9 =	vadd.bf16 v10, v9;
	v8 =	vadd.bf16 v11, v8;
	_ =	sdelay $0x1  }
0x12c: {  	v3 =	vadd.s32 $0xF, v3;
	v7 =	vadd.bf16 v12, v7;
	v8 =	vadd.bf16 v8, v9  }
0x12d: {  	v6 =	vadd.s32 $0xF, v6  }
0x12e: {  	v4 =	vadd.s32 $0xF, v4;
	v7 =	vadd.bf16 v7, v8  }
0x12f: {  	v5 =	vadd.s32 $0xF, v5  }
0x130: {  	v2 =	vadd.s32 $0xF, v2;
	[tilespmem:s6+$0x13480] =	vst v7  }
0x131: {  	v1 =	vadd.s32 $0xF, v1;
	v3 =	vld.idx.msk [tilespmem:v3+s2+$0x0], $0xffff  }
0x132: {  	v6 =	vld.idx.msk [tilespmem:v6+s2+$0x0], $0xffff  }
0x133: {  	v4 =	vld.idx.msk [tilespmem:v4+s2+$0x0], $0xffff  }
0x134: {  	v5 =	vld.idx.msk [tilespmem:v5+s28+$0x0], $0xffff  }
0x135: {  	v2 =	vld.idx.msk [tilespmem:v2+s28+$0x0], $0xffff  }
0x136: {  	v1 =	vld.idx.msk [tilespmem:v1+s28+$0x0], $0xffff;
	_ =	sdelay $0x2  }
0x137: {  	v3 =	vadd.bf16 v6, v3;
	v4 =	vadd.bf16 v5, v4  }
0x138: {  	p0 =	sne.s32 s5, $0x7F0  }
.Ltmp0:
0x139: {  	v1 =	vadd.bf16 v1, v2;
	v2 =	vadd.bf16 v4, v3;
	(pc) =	sbr.rel @p0 .LBB2_2-.Ltmp0, $4  }
0x13a: {  	_ = 	snop  }
0x13b: {  	v1 =	vadd.bf16 v1, v2  }
0x13c: {  	s0 =	sadd.s32 $0x10, s0  }
0x13d: {  	s5 =	sadd.s32 $0x10, s5;
	s3 =	sadd.s32 $0x1, s3;
	s4 =	sadd.s32 $0x80, s4;
	[tilespmem:s6+$0x13500] =	vst v1  }
0x13e: {  	s0 =	simm.s32 $0x0  }
0x13f: {  	[tilespmem:s0], [sflag:$0x1] =	stream.linear.gather [hbm4b:s23+s0], $0x6688, $0x38;
	[tilespmem:$0x1F180] =	vst v63  }
0x140: {  	_ = 	snop  }
0x141: {  	[tilespmem:s28], [sflag:$0x1] =	stream.linear.gather [hbm4b:s24+s0], $0x6688, $0x38;
	[tilespmem:$0x1F180] =	vst v63  }
0x142: {  	_ =	swait.ge [sflag:s1], $0x6688  }
0x143: {  	[sflag:s1] =	ssyncset.done $0x0  }
0x144: {  	[sflag:s1] =	ssyncadd.s32 $0xFFFF9978  }
0x145: {  	_ =	swait.ge [sflag:s1], $0x6688  }
0x146: {  	[sflag:s1] =	ssyncset.done $0x0  }
0x147: {  	s3 =	simm.s32 $0x0;
	s4 =	simm.s32 $0x0;
	[sflag:s1] =	ssyncadd.s32 $0xFFFF9978  }
.LBB2_4:
0x148: {  	s5 =	sand.u32 $0x7F0, s4  }
0x149: {  	v1 =	vld [tilespmem:s5+$0x1A180]  }
0x14a: {  	v2 =	vld [tilespmem:s5+$0x1A980]  }
0x14b: {  	v4 =	vld [tilespmem:s5+$0x1B180]  }
0x14c: {  	v5 =	vld [tilespmem:s5+$0x1B980]  }
0x14d: {  	v7 =	vld [tilespmem:s5+$0x1C180]  }
0x14e: {  	v3 =	vmul.u32 $0x11, v1;
	v1 =	vld [tilespmem:s5+$0x1C980]  }
0x14f: {  	v6 =	vmul.u32 $0x11, v2  }
0x150: {  	v4 =	vmul.u32 $0x11, v4  }
0x151: {  	v5 =	vmul.u32 $0x11, v5  }
0x152: {  	v2 =	vmul.u32 $0x11, v7  }
0x153: {  	v1 =	vmul.u32 $0x11, v1  }
0x154: {  	v47 =	vld.idx.msk [tilespmem:v3+s2+$0x0], $0xffff  }
0x155: {  	v8 =	vld.idx.msk [tilespmem:v6+s2+$0x0], $0xffff  }
0x156: {  	v9 =	vld.idx.msk [tilespmem:v4+s2+$0x0], $0xffff  }
0x157: {  	v10 =	vld.idx.msk [tilespmem:v5+s28+$0x0], $0xffff  }
0x158: {  	v11 =	vld.idx.msk [tilespmem:v2+s28+$0x0], $0xffff  }
0x159: {  	v12 =	vld.idx.msk [tilespmem:v1+s28+$0x0], $0xffff;
	_ =	sdelay $0x1  }
0x15a: {  	s7 =	sand.u32 $0x70, s4;
	s6 =	sand.u32 $0x3C00, s3  }
0x15b: {  	s5 =	sor.u32 s7, s6;
	v7 =	vadd.bf16 v8, v47;
	v48 =	vadd.bf16 v10, v9  }
0x15c: {  	v49 =	vld [tilespmem:s5+$0xF180]  }
0x15d: {  	v7 =	vadd.bf16 v48, v7;
	v50 =	vadd.bf16 v12, v11;
	_ =	sdelay $0x1  }
0x15e: {  	v51 =	vadd.s32 $0x1, v3;
	v7 =	vadd.bf16 v50, v7  }
0x15f: {  	v52 =	vadd.s32 $0x1, v6  }
0x160: {  	v53 =	vadd.s32 $0x1, v4;
	v7 =	vadd.bf16 v7, v49  }
0x161: {  	v54 =	vadd.s32 $0x1, v5  }
0x162: {  	v55 =	vadd.s32 $0x1, v2;
	[tilespmem:s5+$0xF180] =	vst v7  }
0x163: {  	v56 =	vadd.s32 $0x1, v1;
	v8 =	vld.idx.msk [tilespmem:v51+s2+$0x0], $0xffff  }
0x164: {  	v10 =	vld.idx.msk [tilespmem:v52+s2+$0x0], $0xffff  }
0x165: {  	v9 =	vld.idx.msk [tilespmem:v53+s2+$0x0], $0xffff  }
0x166: {  	v11 =	vld.idx.msk [tilespmem:v54+s28+$0x0], $0xffff  }
0x167: {  	v7 =	vld.idx.msk [tilespmem:v55+s28+$0x0], $0xffff  }
0x168: {  	v12 =	vld.idx.msk [tilespmem:v56+s28+$0x0], $0xffff;
	_ =	sdelay $0x2  }
0x169: {  	v8 =	vadd.bf16 v10, v8;
	v9 =	vadd.bf16 v11, v9  }
0x16a: {  	v57 =	vld [tilespmem:s5+$0xF200]  }
0x16b: {  	v7 =	vadd.bf16 v12, v7;
	v8 =	vadd.bf16 v9, v8;
	_ =	sdelay $0x1  }
0x16c: {  	v58 =	vadd.s32 $0x2, v3;
	v7 =	vadd.bf16 v7, v8  }
0x16d: {  	v59 =	vadd.s32 $0x2, v6  }
0x16e: {  	v60 =	vadd.s32 $0x2, v4;
	v7 =	vadd.bf16 v7, v57  }
0x16f: {  	v61 =	vadd.s32 $0x2, v5  }
0x170: {  	v62 =	vadd.s32 $0x2, v2;
	[tilespmem:s5+$0xF200] =	vst v7  }
0x171: {  	v63 =	vadd.s32 $0x2, v1;
	v8 =	vld.idx.msk [tilespmem:v58+s2+$0x0], $0xffff  }
0x172: {  	v9 =	vld.idx.msk [tilespmem:v59+s2+$0x0], $0xffff  }
0x173: {  	v10 =	vld.idx.msk [tilespmem:v60+s2+$0x0], $0xffff  }
0x174: {  	v11 =	vld.idx.msk [tilespmem:v61+s28+$0x0], $0xffff  }
0x175: {  	v7 =	vld.idx.msk [tilespmem:v62+s28+$0x0], $0xffff  }
0x176: {  	v12 =	vld.idx.msk [tilespmem:v63+s28+$0x0], $0xffff;
	_ =	sdelay $0x2  }
0x177: {  	v8 =	vadd.bf16 v9, v8;
	v16 =	vadd.bf16 v11, v10  }
0x178: {  	v17 =	vld [tilespmem:s5+$0xF280]  }
0x179: {  	v7 =	vadd.bf16 v12, v7;
	v8 =	vadd.bf16 v16, v8;
	_ =	sdelay $0x1  }
0x17a: {  	v18 =	vadd.s32 $0x3, v3;
	v7 =	vadd.bf16 v7, v8  }
0x17b: {  	v19 =	vadd.s32 $0x3, v6  }
0x17c: {  	v20 =	vadd.s32 $0x3, v4;
	v7 =	vadd.bf16 v7, v17  }
0x17d: {  	v21 =	vadd.s32 $0x3, v5  }
0x17e: {  	v22 =	vadd.s32 $0x3, v2;
	[tilespmem:s5+$0xF280] =	vst v7  }
0x17f: {  	v23 =	vadd.s32 $0x3, v1;
	v8 =	vld.idx.msk [tilespmem:v18+s2+$0x0], $0xffff  }
0x180: {  	v9 =	vld.idx.msk [tilespmem:v19+s2+$0x0], $0xffff  }
0x181: {  	v10 =	vld.idx.msk [tilespmem:v20+s2+$0x0], $0xffff  }
0x182: {  	v11 =	vld.idx.msk [tilespmem:v21+s28+$0x0], $0xffff  }
0x183: {  	v7 =	vld.idx.msk [tilespmem:v22+s28+$0x0], $0xffff  }
0x184: {  	v12 =	vld.idx.msk [tilespmem:v23+s28+$0x0], $0xffff;
	_ =	sdelay $0x2  }
0x185: {  	v8 =	vadd.bf16 v9, v8;
	v24 =	vadd.bf16 v11, v10  }
0x186: {  	v25 =	vld [tilespmem:s5+$0xF300]  }
0x187: {  	v7 =	vadd.bf16 v12, v7;
	v8 =	vadd.bf16 v24, v8;
	_ =	sdelay $0x1  }
0x188: {  	v26 =	vadd.s32 $0x4, v3;
	v7 =	vadd.bf16 v7, v8  }
0x189: {  	v27 =	vadd.s32 $0x4, v6  }
0x18a: {  	v28 =	vadd.s32 $0x4, v4;
	v7 =	vadd.bf16 v7, v25  }
0x18b: {  	v29 =	vadd.s32 $0x4, v5  }
0x18c: {  	v30 =	vadd.s32 $0x4, v2;
	[tilespmem:s5+$0xF300] =	vst v7  }
0x18d: {  	v31 =	vadd.s32 $0x4, v1;
	v8 =	vld.idx.msk [tilespmem:v26+s2+$0x0], $0xffff  }
0x18e: {  	v9 =	vld.idx.msk [tilespmem:v27+s2+$0x0], $0xffff  }
0x18f: {  	v10 =	vld.idx.msk [tilespmem:v28+s2+$0x0], $0xffff  }
0x190: {  	v11 =	vld.idx.msk [tilespmem:v29+s28+$0x0], $0xffff  }
0x191: {  	v7 =	vld.idx.msk [tilespmem:v30+s28+$0x0], $0xffff  }
0x192: {  	v12 =	vld.idx.msk [tilespmem:v31+s28+$0x0], $0xffff;
	_ =	sdelay $0x2  }
0x193: {  	v8 =	vadd.bf16 v9, v8;
	v32 =	vadd.bf16 v11, v10  }
0x194: {  	v33 =	vld [tilespmem:s5+$0xF380]  }
0x195: {  	v7 =	vadd.bf16 v12, v7;
	v8 =	vadd.bf16 v32, v8;
	_ =	sdelay $0x1  }
0x196: {  	v34 =	vadd.s32 $0x5, v3;
	v7 =	vadd.bf16 v7, v8  }
0x197: {  	v35 =	vadd.s32 $0x5, v6  }
0x198: {  	v36 =	vadd.s32 $0x5, v4;
	v7 =	vadd.bf16 v7, v33  }
0x199: {  	v37 =	vadd.s32 $0x5, v5  }
0x19a: {  	v38 =	vadd.s32 $0x5, v2;
	[tilespmem:s5+$0xF380] =	vst v7  }
0x19b: {  	v39 =	vadd.s32 $0x5, v1;
	v8 =	vld.idx.msk [tilespmem:v34+s2+$0x0], $0xffff  }
0x19c: {  	v9 =	vld.idx.msk [tilespmem:v35+s2+$0x0], $0xffff  }
0x19d: {  	v10 =	vld.idx.msk [tilespmem:v36+s2+$0x0], $0xffff  }
0x19e: {  	v11 =	vld.idx.msk [tilespmem:v37+s28+$0x0], $0xffff  }
0x19f: {  	v7 =	vld.idx.msk [tilespmem:v38+s28+$0x0], $0xffff  }
0x1a0: {  	v12 =	vld.idx.msk [tilespmem:v39+s28+$0x0], $0xffff;
	_ =	sdelay $0x2  }
0x1a1: {  	v8 =	vadd.bf16 v9, v8;
	v40 =	vadd.bf16 v11, v10  }
0x1a2: {  	v41 =	vld [tilespmem:s5+$0xF400]  }
0x1a3: {  	v7 =	vadd.bf16 v12, v7;
	v8 =	vadd.bf16 v40, v8;
	_ =	sdelay $0x1  }
0x1a4: {  	v42 =	vadd.s32 $0x6, v3;
	v7 =	vadd.bf16 v7, v8  }
0x1a5: {  	v43 =	vadd.s32 $0x6, v6  }
0x1a6: {  	v44 =	vadd.s32 $0x6, v4;
	v7 =	vadd.bf16 v7, v41  }
0x1a7: {  	v45 =	vadd.s32 $0x6, v5  }
0x1a8: {  	v46 =	vadd.s32 $0x6, v2;
	[tilespmem:s5+$0xF400] =	vst v7  }
0x1a9: {  	v47 =	vadd.s32 $0x6, v1;
	v8 =	vld.idx.msk [tilespmem:v42+s2+$0x0], $0xffff  }
0x1aa: {  	v9 =	vld.idx.msk [tilespmem:v43+s2+$0x0], $0xffff  }
0x1ab: {  	v10 =	vld.idx.msk [tilespmem:v44+s2+$0x0], $0xffff  }
0x1ac: {  	v11 =	vld.idx.msk [tilespmem:v45+s28+$0x0], $0xffff  }
0x1ad: {  	v7 =	vld.idx.msk [tilespmem:v46+s28+$0x0], $0xffff  }
0x1ae: {  	v12 =	vld.idx.msk [tilespmem:v47+s28+$0x0], $0xffff;
	_ =	sdelay $0x2  }
0x1af: {  	v8 =	vadd.bf16 v9, v8;
	v48 =	vadd.bf16 v11, v10  }
0x1b0: {  	v49 =	vld [tilespmem:s5+$0xF480]  }
0x1b1: {  	v7 =	vadd.bf16 v12, v7;
	v8 =	vadd.bf16 v48, v8;
	_ =	sdelay $0x1  }
0x1b2: {  	v50 =	vadd.s32 $0x7, v3;
	v7 =	vadd.bf16 v7, v8  }
0x1b3: {  	v51 =	vadd.s32 $0x7, v6  }
0x1b4: {  	v52 =	vadd.s32 $0x7, v4;
	v7 =	vadd.bf16 v7, v49  }
0x1b5: {  	v53 =	vadd.s32 $0x7, v5  }
0x1b6: {  	v54 =	vadd.s32 $0x7, v2;
	[tilespmem:s5+$0xF480] =	vst v7  }
0x1b7: {  	v55 =	vadd.s32 $0x7, v1;
	v8 =	vld.idx.msk [tilespmem:v50+s2+$0x0], $0xffff  }
0x1b8: {  	v9 =	vld.idx.msk [tilespmem:v51+s2+$0x0], $0xffff  }
0x1b9: {  	v10 =	vld.idx.msk [tilespmem:v52+s2+$0x0], $0xffff  }
0x1ba: {  	v11 =	vld.idx.msk [tilespmem:v53+s28+$0x0], $0xffff  }
0x1bb: {  	v7 =	vld.idx.msk [tilespmem:v54+s28+$0x0], $0xffff  }
0x1bc: {  	s7 =	sand.u32 $0x7, s0;
	v12 =	vld.idx.msk [tilespmem:v55+s28+$0x0], $0xffff  }
0x1bd: {  	s6 =	sshll.u32 s7, $0x4  }
0x1be: {  	s6 =	sadd.s32 s6, s3  }
0x1bf: {  	s6 =	sor.u32 $0x380, s6;
	v8 =	vadd.bf16 v9, v8;
	v56 =	vadd.bf16 v11, v10  }
0x1c0: {  	v57 =	vld [tilespmem:s6+$0xF180]  }
0x1c1: {  	v7 =	vadd.bf16 v12, v7;
	v8 =	vadd.bf16 v56, v8;
	_ =	sdelay $0x1  }
0x1c2: {  	v58 =	vadd.s32 $0x8, v3;
	v7 =	vadd.bf16 v7, v8  }
0x1c3: {  	v59 =	vadd.s32 $0x8, v6  }
0x1c4: {  	v60 =	vadd.s32 $0x8, v4;
	v7 =	vadd.bf16 v7, v57  }
0x1c5: {  	v61 =	vadd.s32 $0x8, v5  }
0x1c6: {  	v62 =	vadd.s32 $0x8, v2;
	[tilespmem:s6+$0xF180] =	vst v7  }
0x1c7: {  	v63 =	vadd.s32 $0x8, v1;
	v8 =	vld.idx.msk [tilespmem:v58+s2+$0x0], $0xffff  }
0x1c8: {  	v9 =	vld.idx.msk [tilespmem:v59+s2+$0x0], $0xffff  }
0x1c9: {  	v10 =	vld.idx.msk [tilespmem:v60+s2+$0x0], $0xffff  }
0x1ca: {  	v11 =	vld.idx.msk [tilespmem:v61+s28+$0x0], $0xffff  }
0x1cb: {  	v7 =	vld.idx.msk [tilespmem:v62+s28+$0x0], $0xffff  }
0x1cc: {  	v12 =	vld.idx.msk [tilespmem:v63+s28+$0x0], $0xffff;
	_ =	sdelay $0x2  }
0x1cd: {  	v8 =	vadd.bf16 v9, v8;
	v13 =	vadd.bf16 v11, v10  }
0x1ce: {  	v14 =	vld [tilespmem:s5+$0x13180]  }
0x1cf: {  	v7 =	vadd.bf16 v12, v7;
	v8 =	vadd.bf16 v13, v8;
	_ =	sdelay $0x1  }
0x1d0: {  	v15 =	vadd.s32 $0x9, v3;
	v7 =	vadd.bf16 v7, v8  }
0x1d1: {  	v16 =	vadd.s32 $0x9, v6  }
0x1d2: {  	v17 =	vadd.s32 $0x9, v4;
	v7 =	vadd.bf16 v7, v14  }
0x1d3: {  	v18 =	vadd.s32 $0x9, v5  }
0x1d4: {  	v19 =	vadd.s32 $0x9, v2;
	[tilespmem:s5+$0x13180] =	vst v7  }
0x1d5: {  	v20 =	vadd.s32 $0x9, v1;
	v8 =	vld.idx.msk [tilespmem:v15+s2+$0x0], $0xffff  }
0x1d6: {  	v9 =	vld.idx.msk [tilespmem:v16+s2+$0x0], $0xffff  }
0x1d7: {  	v10 =	vld.idx.msk [tilespmem:v17+s2+$0x0], $0xffff  }
0x1d8: {  	v11 =	vld.idx.msk [tilespmem:v18+s28+$0x0], $0xffff  }
0x1d9: {  	v7 =	vld.idx.msk [tilespmem:v19+s28+$0x0], $0xffff  }
0x1da: {  	v12 =	vld.idx.msk [tilespmem:v20+s28+$0x0], $0xffff;
	_ =	sdelay $0x2  }
0x1db: {  	v8 =	vadd.bf16 v9, v8;
	v21 =	vadd.bf16 v11, v10  }
0x1dc: {  	v22 =	vld [tilespmem:s5+$0x13200]  }
0x1dd: {  	v7 =	vadd.bf16 v12, v7;
	v8 =	vadd.bf16 v21, v8;
	_ =	sdelay $0x1  }
0x1de: {  	v23 =	vadd.s32 $0xA, v3;
	v7 =	vadd.bf16 v7, v8  }
0x1df: {  	v24 =	vadd.s32 $0xA, v6  }
0x1e0: {  	v25 =	vadd.s32 $0xA, v4;
	v7 =	vadd.bf16 v7, v22  }
0x1e1: {  	v26 =	vadd.s32 $0xA, v5  }
0x1e2: {  	v27 =	vadd.s32 $0xA, v2;
	[tilespmem:s5+$0x13200] =	vst v7  }
0x1e3: {  	v28 =	vadd.s32 $0xA, v1;
	v8 =	vld.idx.msk [tilespmem:v23+s2+$0x0], $0xffff  }
0x1e4: {  	v9 =	vld.idx.msk [tilespmem:v24+s2+$0x0], $0xffff  }
0x1e5: {  	v10 =	vld.idx.msk [tilespmem:v25+s2+$0x0], $0xffff  }
0x1e6: {  	v11 =	vld.idx.msk [tilespmem:v26+s28+$0x0], $0xffff  }
0x1e7: {  	v7 =	vld.idx.msk [tilespmem:v27+s28+$0x0], $0xffff  }
0x1e8: {  	v12 =	vld.idx.msk [tilespmem:v28+s28+$0x0], $0xffff;
	_ =	sdelay $0x2  }
0x1e9: {  	v8 =	vadd.bf16 v9, v8;
	v29 =	vadd.bf16 v11, v10  }
0x1ea: {  	v30 =	vld [tilespmem:s5+$0x13280]  }
0x1eb: {  	v7 =	vadd.bf16 v12, v7;
	v8 =	vadd.bf16 v29, v8;
	_ =	sdelay $0x1  }
0x1ec: {  	v31 =	vadd.s32 $0xB, v3;
	v7 =	vadd.bf16 v7, v8  }
0x1ed: {  	v32 =	vadd.s32 $0xB, v6  }
0x1ee: {  	v33 =	vadd.s32 $0xB, v4;
	v7 =	vadd.bf16 v7, v30  }
0x1ef: {  	v34 =	vadd.s32 $0xB, v5  }
0x1f0: {  	v35 =	vadd.s32 $0xB, v2;
	[tilespmem:s5+$0x13280] =	vst v7  }
0x1f1: {  	v36 =	vadd.s32 $0xB, v1;
	v8 =	vld.idx.msk [tilespmem:v31+s2+$0x0], $0xffff  }
0x1f2: {  	v9 =	vld.idx.msk [tilespmem:v32+s2+$0x0], $0xffff  }
0x1f3: {  	v10 =	vld.idx.msk [tilespmem:v33+s2+$0x0], $0xffff  }
0x1f4: {  	v11 =	vld.idx.msk [tilespmem:v34+s28+$0x0], $0xffff  }
0x1f5: {  	v7 =	vld.idx.msk [tilespmem:v35+s28+$0x0], $0xffff  }
0x1f6: {  	v12 =	vld.idx.msk [tilespmem:v36+s28+$0x0], $0xffff;
	_ =	sdelay $0x2  }
0x1f7: {  	v8 =	vadd.bf16 v9, v8;
	v37 =	vadd.bf16 v11, v10  }
0x1f8: {  	v38 =	vld [tilespmem:s5+$0x13300]  }
0x1f9: {  	v7 =	vadd.bf16 v12, v7;
	v8 =	vadd.bf16 v37, v8;
	_ =	sdelay $0x1  }
0x1fa: {  	v39 =	vadd.s32 $0xC, v3;
	v7 =	vadd.bf16 v7, v8  }
0x1fb: {  	v40 =	vadd.s32 $0xC, v6  }
0x1fc: {  	v41 =	vadd.s32 $0xC, v4;
	v7 =	vadd.bf16 v7, v38  }
0x1fd: {  	v42 =	vadd.s32 $0xC, v5  }
0x1fe: {  	v43 =	vadd.s32 $0xC, v2;
	[tilespmem:s5+$0x13300] =	vst v7  }
0x1ff: {  	v44 =	vadd.s32 $0xC, v1;
	v8 =	vld.idx.msk [tilespmem:v39+s2+$0x0], $0xffff  }
0x200: {  	v9 =	vld.idx.msk [tilespmem:v40+s2+$0x0], $0xffff  }
0x201: {  	v10 =	vld.idx.msk [tilespmem:v41+s2+$0x0], $0xffff  }
0x202: {  	v11 =	vld.idx.msk [tilespmem:v42+s28+$0x0], $0xffff  }
0x203: {  	v7 =	vld.idx.msk [tilespmem:v43+s28+$0x0], $0xffff  }
0x204: {  	v12 =	vld.idx.msk [tilespmem:v44+s28+$0x0], $0xffff;
	_ =	sdelay $0x2  }
0x205: {  	v8 =	vadd.bf16 v9, v8;
	v45 =	vadd.bf16 v11, v10  }
0x206: {  	v46 =	vld [tilespmem:s5+$0x13380]  }
0x207: {  	v7 =	vadd.bf16 v12, v7;
	v8 =	vadd.bf16 v45, v8;
	_ =	sdelay $0x1  }
0x208: {  	v47 =	vadd.s32 $0xD, v3;
	v7 =	vadd.bf16 v7, v8  }
0x209: {  	v48 =	vadd.s32 $0xD, v6  }
0x20a: {  	v49 =	vadd.s32 $0xD, v4;
	v7 =	vadd.bf16 v7, v46  }
0x20b: {  	v50 =	vadd.s32 $0xD, v5  }
0x20c: {  	v51 =	vadd.s32 $0xD, v2;
	[tilespmem:s5+$0x13380] =	vst v7  }
0x20d: {  	v52 =	vadd.s32 $0xD, v1;
	v8 =	vld.idx.msk [tilespmem:v47+s2+$0x0], $0xffff  }
0x20e: {  	v9 =	vld.idx.msk [tilespmem:v48+s2+$0x0], $0xffff  }
0x20f: {  	v10 =	vld.idx.msk [tilespmem:v49+s2+$0x0], $0xffff  }
0x210: {  	v11 =	vld.idx.msk [tilespmem:v50+s28+$0x0], $0xffff  }
0x211: {  	v7 =	vld.idx.msk [tilespmem:v51+s28+$0x0], $0xffff  }
0x212: {  	v12 =	vld.idx.msk [tilespmem:v52+s28+$0x0], $0xffff;
	_ =	sdelay $0x2  }
0x213: {  	v8 =	vadd.bf16 v9, v8;
	v53 =	vadd.bf16 v11, v10  }
0x214: {  	v54 =	vld [tilespmem:s5+$0x13400]  }
0x215: {  	v7 =	vadd.bf16 v12, v7;
	v8 =	vadd.bf16 v53, v8;
	_ =	sdelay $0x1  }
0x216: {  	v55 =	vadd.s32 $0xE, v3;
	v7 =	vadd.bf16 v7, v8  }
0x217: {  	v56 =	vadd.s32 $0xE, v6  }
0x218: {  	v57 =	vadd.s32 $0xE, v4;
	v7 =	vadd.bf16 v7, v54  }
0x219: {  	v58 =	vadd.s32 $0xE, v5  }
0x21a: {  	v59 =	vadd.s32 $0xE, v2;
	[tilespmem:s5+$0x13400] =	vst v7  }
0x21b: {  	v60 =	vadd.s32 $0xE, v1;
	v8 =	vld.idx.msk [tilespmem:v55+s2+$0x0], $0xffff  }
0x21c: {  	v9 =	vld.idx.msk [tilespmem:v56+s2+$0x0], $0xffff  }
0x21d: {  	v10 =	vld.idx.msk [tilespmem:v57+s2+$0x0], $0xffff  }
0x21e: {  	v11 =	vld.idx.msk [tilespmem:v58+s28+$0x0], $0xffff  }
0x21f: {  	v7 =	vld.idx.msk [tilespmem:v59+s28+$0x0], $0xffff  }
0x220: {  	v12 =	vld.idx.msk [tilespmem:v60+s28+$0x0], $0xffff;
	_ =	sdelay $0x2  }
0x221: {  	v8 =	vadd.bf16 v9, v8;
	v61 =	vadd.bf16 v11, v10  }
0x222: {  	v62 =	vld [tilespmem:s5+$0x13480]  }
0x223: {  	v7 =	vadd.bf16 v12, v7;
	v8 =	vadd.bf16 v61, v8;
	_ =	sdelay $0x1  }
0x224: {  	v3 =	vadd.s32 $0xF, v3;
	v7 =	vadd.bf16 v7, v8  }
0x225: {  	v6 =	vadd.s32 $0xF, v6  }
0x226: {  	v4 =	vadd.s32 $0xF, v4;
	v7 =	vadd.bf16 v7, v62  }
0x227: {  	v5 =	vadd.s32 $0xF, v5  }
0x228: {  	v2 =	vadd.s32 $0xF, v2;
	[tilespmem:s5+$0x13480] =	vst v7  }
0x229: {  	v1 =	vadd.s32 $0xF, v1;
	v3 =	vld.idx.msk [tilespmem:v3+s2+$0x0], $0xffff  }
0x22a: {  	v6 =	vld.idx.msk [tilespmem:v6+s2+$0x0], $0xffff  }
0x22b: {  	v4 =	vld.idx.msk [tilespmem:v4+s2+$0x0], $0xffff  }
0x22c: {  	v5 =	vld.idx.msk [tilespmem:v5+s28+$0x0], $0xffff  }
0x22d: {  	v2 =	vld.idx.msk [tilespmem:v2+s28+$0x0], $0xffff  }
0x22e: {  	v1 =	vld.idx.msk [tilespmem:v1+s28+$0x0], $0xffff;
	_ =	sdelay $0x2  }
0x22f: {  	v3 =	vadd.bf16 v6, v3;
	v4 =	vadd.bf16 v5, v4  }
0x230: {  	v63 =	vld [tilespmem:s5+$0x13500]  }
0x231: {  	v1 =	vadd.bf16 v1, v2;
	v2 =	vadd.bf16 v4, v3  }
0x232: {  	p0 =	sne.s32 s4, $0x7F0  }
.Ltmp1:
0x233: {  	v1 =	vadd.bf16 v1, v2;
	(pc) =	sbr.rel @p0 .LBB2_4-.Ltmp1, $3  }
0x234: {  	_ = 	snop  }
0x235: {  	v1 =	vadd.bf16 v1, v63;
	_ =	sdelay $0x1  }
0x236: {  	s4 =	sadd.s32 $0x10, s4;
	s0 =	sadd.s32 $0x1, s0;
	s3 =	sadd.s32 $0x80, s3;
	[tilespmem:s5+$0x13500] =	vst v1  }
0x237: {  	s0 =	simm.s32 $0x0  }
0x238: {  	[tilespmem:s0], [sflag:$0x1] =	stream.linear.gather [hbm4b:s25+s0], $0x6688, $0x38;
	[tilespmem:$0x1F180] =	vst v63  }
0x239: {  	_ =	swait.ge [sflag:s1], $0x6688  }
0x23a: {  	[sflag:s1] =	ssyncset.done $0x0  }
0x23b: {  	s3 =	simm.s32 $0x1E980;
	[sflag:s1] =	ssyncadd.s32 $0xFFFF9978  }
0x23c: {  	v1 =	vld [tilespmem:s3+$0x0];
	_ =	sdelay $0x1  }
0x23d: {  	s4 =	sand.u32 $0x7F0, s0  }
0x23e: {  	v3 =	vld [tilespmem:s4+$0x1D980]  }
0x23f: {  	v2 =	vld [tilespmem:s4+$0x1D180]  }
0x240: {  	v4 =	vmax.u32 v1, $0x1  }
0x241: {  	v5 =	vld [tilespmem:s4+$0x1E180];
	vm0 =	vgt.s32 v4, $0x1  }
0x242: {  	v6 =	vsel vm0, $0xFFFFFFFF, v0  }
0x243: {  	v3 =	vmul.u32 $0x11, v3;
	v4 =	vadd.s32 v6, v4  }
0x244: {  	v2 =	vmul.u32 $0x11, v2;
	vm15 =	vlt.s32 v4, $0x5  }
0x245: {  	v6 =	vnsel vm15, $0x5, v4  }
0x246: {  	v4 =	vmul.u32 $0x11, v5;
	v5 =	vcvt.s32.f32 v6;
	_ =	sdelay $0x1  }
0x247: {  	(erf) = vrcp.f32 v5  }
0x248: {  	v6 =	vld.idx.msk [tilespmem:v3+s2+$0x0], $0xffff  }
0x249: {  	v5 =	vld.idx.msk [tilespmem:v2+s2+$0x0], $0xffff;
	_ =	sdelay $0x1  }
0x24a: {  	s6 =	sand.u32 $0x70, s0;
	s5 =	sand.u32 $0x3C00, s0;
	v1 =	vmul.u32 $0x11, v1;
	v7 =	vld.idx.msk [tilespmem:v4+s2+$0x0], $0xffff  }
0x24b: {  	s4 =	sor.u32 s6, s5  }
0x24c: {  	v8 =	vld [tilespmem:s4+$0xF180]  }
0x24d: {  	v5 =	vadd.bf16 v6, v5;
	_ =	sdelay $0x1  }
0x24e: {  	v5 =	vadd.bf16 v7, v5;
	v6 =	vpop (erf)  }
0x24f: {  	v7 =	vld.idx.msk [tilespmem:v1+s29+$0x0], $0xffff;
	v6 =	vmul.f32 $3.333333430e-01, v6  }
0x250: {  	v8 =	vadd.bf16 v5, v8  }
0x251: {  	v5 =	vpack.i.f32.bf16 v6, v6  }
0x252: {  	v6 =	vmul.bf16 v8, v5;
	v8 =	vadd.s32 $0x1, v3  }
0x253: {  	v9 =	vadd.s32 $0x1, v2  }
0x254: {  	v6 =	vadd.bf16 v7, v6  }
0x255: {  	v7 =	vadd.s32 $0x1, v4  }
0x256: {  	[tilespmem:s4+$0xF180] =	vst v6  }
0x257: {  	v6 =	vld.idx.msk [tilespmem:v8+s2+$0x0], $0xffff  }
0x258: {  	v8 =	vld.idx.msk [tilespmem:v9+s2+$0x0], $0xffff;
	_ =	sdelay $0x1  }
0x259: {  	v7 =	vld.idx.msk [tilespmem:v7+s2+$0x0], $0xffff  }
0x25a: {  	v9 =	vadd.s32 $0x1, v1  }
0x25b: {  	v10 =	vld [tilespmem:s4+$0xF200]  }
0x25c: {  	v6 =	vadd.bf16 v6, v8;
	_ =	sdelay $0x1  }
0x25d: {  	v6 =	vadd.bf16 v7, v6  }
0x25e: {  	v7 =	vld.idx.msk [tilespmem:v9+s29+$0x0], $0xffff  }
0x25f: {  	v6 =	vadd.bf16 v6, v10;
	_ =	sdelay $0x1  }
0x260: {  	v8 =	vadd.s32 $0x2, v2;
	v6 =	vmul.bf16 v6, v5  }
0x261: {  	v9 =	vadd.s32 $0x2, v3  }
0x262: {  	v6 =	vadd.bf16 v7, v6  }
0x263: {  	v7 =	vadd.s32 $0x2, v4  }
0x264: {  	[tilespmem:s4+$0xF200] =	vst v6  }
0x265: {  	v6 =	vld.idx.msk [tilespmem:v8+s2+$0x0], $0xffff  }
0x266: {  	v8 =	vld.idx.msk [tilespmem:v9+s2+$0x0], $0xffff;
	_ =	sdelay $0x1  }
0x267: {  	v7 =	vld.idx.msk [tilespmem:v7+s2+$0x0], $0xffff  }
0x268: {  	v9 =	vadd.s32 $0x2, v1  }
0x269: {  	v10 =	vld [tilespmem:s4+$0xF280]  }
0x26a: {  	v6 =	vadd.bf16 v8, v6;
	_ =	sdelay $0x1  }
0x26b: {  	v6 =	vadd.bf16 v7, v6  }
0x26c: {  	v7 =	vld.idx.msk [tilespmem:v9+s29+$0x0], $0xffff  }
0x26d: {  	v6 =	vadd.bf16 v6, v10;
	_ =	sdelay $0x1  }
0x26e: {  	v8 =	vadd.s32 $0x3, v2;
	v6 =	vmul.bf16 v6, v5  }
0x26f: {  	v9 =	vadd.s32 $0x3, v3  }
0x270: {  	v6 =	vadd.bf16 v7, v6  }
0x271: {  	v7 =	vadd.s32 $0x3, v4  }
0x272: {  	[tilespmem:s4+$0xF280] =	vst v6  }
0x273: {  	v6 =	vld.idx.msk [tilespmem:v8+s2+$0x0], $0xffff  }
0x274: {  	v8 =	vld.idx.msk [tilespmem:v9+s2+$0x0], $0xffff;
	_ =	sdelay $0x1  }
0x275: {  	v7 =	vld.idx.msk [tilespmem:v7+s2+$0x0], $0xffff  }
0x276: {  	v9 =	vadd.s32 $0x3, v1  }
0x277: {  	v10 =	vld [tilespmem:s4+$0xF300]  }
0x278: {  	v6 =	vadd.bf16 v8, v6;
	_ =	sdelay $0x1  }
0x279: {  	v6 =	vadd.bf16 v7, v6  }
0x27a: {  	v7 =	vld.idx.msk [tilespmem:v9+s29+$0x0], $0xffff  }
0x27b: {  	v6 =	vadd.bf16 v6, v10;
	_ =	sdelay $0x1  }
0x27c: {  	v8 =	vadd.s32 $0x4, v2;
	v6 =	vmul.bf16 v6, v5  }
0x27d: {  	v9 =	vadd.s32 $0x4, v3  }
0x27e: {  	v6 =	vadd.bf16 v7, v6  }
0x27f: {  	v7 =	vadd.s32 $0x4, v4  }
0x280: {  	[tilespmem:s4+$0xF300] =	vst v6  }
0x281: {  	v6 =	vld.idx.msk [tilespmem:v8+s2+$0x0], $0xffff  }
0x282: {  	v8 =	vld.idx.msk [tilespmem:v9+s2+$0x0], $0xffff;
	_ =	sdelay $0x1  }
0x283: {  	v7 =	vld.idx.msk [tilespmem:v7+s2+$0x0], $0xffff  }
0x284: {  	v9 =	vadd.s32 $0x4, v1  }
0x285: {  	v10 =	vld [tilespmem:s4+$0xF380]  }
0x286: {  	v6 =	vadd.bf16 v8, v6;
	_ =	sdelay $0x1  }
0x287: {  	v6 =	vadd.bf16 v7, v6  }
0x288: {  	v7 =	vld.idx.msk [tilespmem:v9+s29+$0x0], $0xffff  }
0x289: {  	v6 =	vadd.bf16 v6, v10;
	_ =	sdelay $0x1  }
0x28a: {  	v8 =	vadd.s32 $0x5, v2;
	v6 =	vmul.bf16 v6, v5  }
0x28b: {  	v9 =	vadd.s32 $0x5, v3  }
0x28c: {  	v6 =	vadd.bf16 v7, v6  }
0x28d: {  	v7 =	vadd.s32 $0x5, v4  }
0x28e: {  	[tilespmem:s4+$0xF380] =	vst v6  }
0x28f: {  	v6 =	vld.idx.msk [tilespmem:v8+s2+$0x0], $0xffff  }
0x290: {  	v8 =	vld.idx.msk [tilespmem:v9+s2+$0x0], $0xffff;
	_ =	sdelay $0x1  }
0x291: {  	v7 =	vld.idx.msk [tilespmem:v7+s2+$0x0], $0xffff  }
0x292: {  	v9 =	vadd.s32 $0x5, v1  }
0x293: {  	v10 =	vld [tilespmem:s4+$0xF400]  }
0x294: {  	v6 =	vadd.bf16 v8, v6;
	_ =	sdelay $0x1  }
0x295: {  	v6 =	vadd.bf16 v7, v6  }
0x296: {  	v7 =	vld.idx.msk [tilespmem:v9+s29+$0x0], $0xffff  }
0x297: {  	v6 =	vadd.bf16 v6, v10;
	_ =	sdelay $0x1  }
0x298: {  	v8 =	vadd.s32 $0x6, v2;
	v6 =	vmul.bf16 v6, v5  }
0x299: {  	v9 =	vadd.s32 $0x6, v3  }
0x29a: {  	v6 =	vadd.bf16 v7, v6  }
0x29b: {  	v7 =	vadd.s32 $0x6, v4  }
0x29c: {  	[tilespmem:s4+$0xF400] =	vst v6  }
0x29d: {  	v6 =	vld.idx.msk [tilespmem:v8+s2+$0x0], $0xffff  }
0x29e: {  	v8 =	vld.idx.msk [tilespmem:v9+s2+$0x0], $0xffff;
	_ =	sdelay $0x1  }
0x29f: {  	v7 =	vld.idx.msk [tilespmem:v7+s2+$0x0], $0xffff  }
0x2a0: {  	v9 =	vadd.s32 $0x6, v1  }
0x2a1: {  	v10 =	vld [tilespmem:s4+$0xF480]  }
0x2a2: {  	v6 =	vadd.bf16 v8, v6;
	_ =	sdelay $0x1  }
0x2a3: {  	v6 =	vadd.bf16 v7, v6  }
0x2a4: {  	v7 =	vld.idx.msk [tilespmem:v9+s29+$0x0], $0xffff  }
0x2a5: {  	v6 =	vadd.bf16 v6, v10;
	_ =	sdelay $0x1  }
0x2a6: {  	v8 =	vadd.s32 $0x7, v2;
	v6 =	vmul.bf16 v6, v5  }
0x2a7: {  	v9 =	vadd.s32 $0x7, v3  }
0x2a8: {  	v6 =	vadd.bf16 v7, v6  }
0x2a9: {  	v7 =	vadd.s32 $0x7, v4  }
0x2aa: {  	[tilespmem:s4+$0xF480] =	vst v6  }
0x2ab: {  	v6 =	vld.idx.msk [tilespmem:v8+s2+$0x0], $0xffff  }
0x2ac: {  	s7 =	sand.u32 $0x7, s0;
	v8 =	vld.idx.msk [tilespmem:v9+s2+$0x0], $0xffff  }
0x2ad: {  	s5 =	sshll.u32 s7, $0x4  }
0x2ae: {  	s5 =	sadd.s32 $0x0, s5;
	v7 =	vld.idx.msk [tilespmem:v7+s2+$0x0], $0xffff  }
0x2af: {  	s5 =	sor.u32 $0x380, s5;
	v9 =	vadd.s32 $0x7, v1  }
0x2b0: {  	v10 =	vld [tilespmem:s5+$0xF180]  }
0x2b1: {  	v6 =	vadd.bf16 v8, v6;
	_ =	sdelay $0x1  }
0x2b2: {  	v6 =	vadd.bf16 v7, v6  }
0x2b3: {  	v7 =	vld.idx.msk [tilespmem:v9+s29+$0x0], $0xffff  }
0x2b4: {  	v6 =	vadd.bf16 v6, v10;
	_ =	sdelay $0x1  }
0x2b5: {  	v8 =	vadd.s32 $0x8, v2;
	v6 =	vmul.bf16 v6, v5  }
0x2b6: {  	v9 =	vadd.s32 $0x8, v3  }
0x2b7: {  	v6 =	vadd.bf16 v7, v6  }
0x2b8: {  	v7 =	vadd.s32 $0x8, v4  }
0x2b9: {  	[tilespmem:s5+$0xF180] =	vst v6  }
0x2ba: {  	v6 =	vld.idx.msk [tilespmem:v8+s2+$0x0], $0xffff  }
0x2bb: {  	v8 =	vld.idx.msk [tilespmem:v9+s2+$0x0], $0xffff;
	_ =	sdelay $0x1  }
0x2bc: {  	v7 =	vld.idx.msk [tilespmem:v7+s2+$0x0], $0xffff  }
0x2bd: {  	v9 =	vadd.s32 $0x8, v1  }
0x2be: {  	v10 =	vld [tilespmem:s4+$0x13180]  }
0x2bf: {  	v6 =	vadd.bf16 v8, v6;
	_ =	sdelay $0x1  }
0x2c0: {  	v6 =	vadd.bf16 v7, v6  }
0x2c1: {  	v7 =	vld.idx.msk [tilespmem:v9+s29+$0x0], $0xffff  }
0x2c2: {  	v6 =	vadd.bf16 v6, v10;
	_ =	sdelay $0x1  }
0x2c3: {  	v8 =	vadd.s32 $0x9, v2;
	v6 =	vmul.bf16 v6, v5  }
0x2c4: {  	v9 =	vadd.s32 $0x9, v3  }
0x2c5: {  	v6 =	vadd.bf16 v7, v6  }
0x2c6: {  	v7 =	vadd.s32 $0x9, v4  }
0x2c7: {  	[tilespmem:s4+$0x13180] =	vst v6  }
0x2c8: {  	v6 =	vld.idx.msk [tilespmem:v8+s2+$0x0], $0xffff  }
0x2c9: {  	v8 =	vld.idx.msk [tilespmem:v9+s2+$0x0], $0xffff;
	_ =	sdelay $0x1  }
0x2ca: {  	v7 =	vld.idx.msk [tilespmem:v7+s2+$0x0], $0xffff  }
0x2cb: {  	v9 =	vadd.s32 $0x9, v1  }
0x2cc: {  	v10 =	vld [tilespmem:s4+$0x13200]  }
0x2cd: {  	v6 =	vadd.bf16 v8, v6;
	_ =	sdelay $0x1  }
0x2ce: {  	v6 =	vadd.bf16 v7, v6  }
0x2cf: {  	v7 =	vld.idx.msk [tilespmem:v9+s29+$0x0], $0xffff  }
0x2d0: {  	v6 =	vadd.bf16 v6, v10;
	_ =	sdelay $0x1  }
0x2d1: {  	v8 =	vadd.s32 $0xA, v2;
	v6 =	vmul.bf16 v6, v5  }
0x2d2: {  	v9 =	vadd.s32 $0xA, v3  }
0x2d3: {  	v6 =	vadd.bf16 v7, v6  }
0x2d4: {  	v7 =	vadd.s32 $0xA, v4  }
0x2d5: {  	[tilespmem:s4+$0x13200] =	vst v6  }
0x2d6: {  	v6 =	vld.idx.msk [tilespmem:v8+s2+$0x0], $0xffff  }
0x2d7: {  	v8 =	vld.idx.msk [tilespmem:v9+s2+$0x0], $0xffff;
	_ =	sdelay $0x1  }
0x2d8: {  	v7 =	vld.idx.msk [tilespmem:v7+s2+$0x0], $0xffff  }
0x2d9: {  	v9 =	vadd.s32 $0xA, v1  }
0x2da: {  	v10 =	vld [tilespmem:s4+$0x13280]  }
0x2db: {  	v6 =	vadd.bf16 v8, v6;
	_ =	sdelay $0x1  }
0x2dc: {  	v6 =	vadd.bf16 v7, v6  }
0x2dd: {  	v7 =	vld.idx.msk [tilespmem:v9+s29+$0x0], $0xffff  }
0x2de: {  	v6 =	vadd.bf16 v6, v10;
	_ =	sdelay $0x1  }
0x2df: {  	v8 =	vadd.s32 $0xB, v2;
	v6 =	vmul.bf16 v6, v5  }
0x2e0: {  	v9 =	vadd.s32 $0xB, v3  }
0x2e1: {  	v6 =	vadd.bf16 v7, v6  }
0x2e2: {  	v7 =	vadd.s32 $0xB, v4  }
0x2e3: {  	[tilespmem:s4+$0x13280] =	vst v6  }
0x2e4: {  	v6 =	vld.idx.msk [tilespmem:v8+s2+$0x0], $0xffff  }
0x2e5: {  	v8 =	vld.idx.msk [tilespmem:v9+s2+$0x0], $0xffff;
	_ =	sdelay $0x1  }
0x2e6: {  	v7 =	vld.idx.msk [tilespmem:v7+s2+$0x0], $0xffff  }
0x2e7: {  	v9 =	vadd.s32 $0xB, v1  }
0x2e8: {  	v10 =	vld [tilespmem:s4+$0x13300]  }
0x2e9: {  	v6 =	vadd.bf16 v8, v6;
	_ =	sdelay $0x1  }
0x2ea: {  	v6 =	vadd.bf16 v7, v6  }
0x2eb: {  	v7 =	vld.idx.msk [tilespmem:v9+s29+$0x0], $0xffff  }
0x2ec: {  	v6 =	vadd.bf16 v6, v10;
	_ =	sdelay $0x1  }
0x2ed: {  	v8 =	vadd.s32 $0xC, v2;
	v6 =	vmul.bf16 v6, v5  }
0x2ee: {  	v9 =	vadd.s32 $0xC, v3  }
0x2ef: {  	v6 =	vadd.bf16 v7, v6  }
0x2f0: {  	v7 =	vadd.s32 $0xC, v4  }
0x2f1: {  	[tilespmem:s4+$0x13300] =	vst v6  }
0x2f2: {  	v6 =	vld.idx.msk [tilespmem:v8+s2+$0x0], $0xffff  }
0x2f3: {  	v8 =	vld.idx.msk [tilespmem:v9+s2+$0x0], $0xffff;
	_ =	sdelay $0x1  }
0x2f4: {  	v7 =	vld.idx.msk [tilespmem:v7+s2+$0x0], $0xffff  }
0x2f5: {  	v9 =	vadd.s32 $0xC, v1  }
0x2f6: {  	v10 =	vld [tilespmem:s4+$0x13380]  }
0x2f7: {  	v6 =	vadd.bf16 v8, v6;
	_ =	sdelay $0x1  }
0x2f8: {  	v6 =	vadd.bf16 v7, v6  }
0x2f9: {  	v7 =	vld.idx.msk [tilespmem:v9+s29+$0x0], $0xffff  }
0x2fa: {  	v6 =	vadd.bf16 v6, v10;
	_ =	sdelay $0x1  }
0x2fb: {  	v8 =	vadd.s32 $0xD, v2;
	v6 =	vmul.bf16 v6, v5  }
0x2fc: {  	v9 =	vadd.s32 $0xD, v3  }
0x2fd: {  	v6 =	vadd.bf16 v7, v6  }
0x2fe: {  	v7 =	vadd.s32 $0xD, v4  }
0x2ff: {  	[tilespmem:s4+$0x13380] =	vst v6  }
0x300: {  	v6 =	vld.idx.msk [tilespmem:v8+s2+$0x0], $0xffff  }
0x301: {  	v8 =	vld.idx.msk [tilespmem:v9+s2+$0x0], $0xffff;
	_ =	sdelay $0x1  }
0x302: {  	v7 =	vld.idx.msk [tilespmem:v7+s2+$0x0], $0xffff  }
0x303: {  	v9 =	vadd.s32 $0xD, v1  }
0x304: {  	v10 =	vld [tilespmem:s4+$0x13400]  }
0x305: {  	v6 =	vadd.bf16 v8, v6;
	_ =	sdelay $0x1  }
0x306: {  	v6 =	vadd.bf16 v7, v6  }
0x307: {  	v7 =	vld.idx.msk [tilespmem:v9+s29+$0x0], $0xffff  }
0x308: {  	v6 =	vadd.bf16 v6, v10;
	_ =	sdelay $0x1  }
0x309: {  	v8 =	vadd.s32 $0xE, v2;
	v6 =	vmul.bf16 v6, v5  }
0x30a: {  	v9 =	vadd.s32 $0xE, v3  }
0x30b: {  	v6 =	vadd.bf16 v7, v6  }
0x30c: {  	v7 =	vadd.s32 $0xE, v4  }
0x30d: {  	[tilespmem:s4+$0x13400] =	vst v6  }
0x30e: {  	v10 =	vld.idx.msk [tilespmem:v8+s2+$0x0], $0xffff  }
0x30f: {  	v6 =	vadd.s32 $0xE, v1;
	v9 =	vld.idx.msk [tilespmem:v9+s2+$0x0], $0xffff;
	_ =	sdelay $0x1  }
0x310: {  	v7 =	vld.idx.msk [tilespmem:v7+s2+$0x0], $0xffff;
	_ =	sdelay $0x1  }
0x311: {  	v8 =	vld [tilespmem:s4+$0x13480]  }
0x312: {  	s6 =	simm.s32 $0x0;
	s5 =	simm.s32 $0x10;
	v6 =	vld.idx.msk [tilespmem:v6+s29+$0x0], $0xffff;
	v9 =	vadd.bf16 v9, v10  }
.LBB2_6:
0x313: {  	s0 =	sadd.s32 $0x80, s0;
	s6 =	sadd.s32 $0x1, s6;
	s3 =	sadd.s32 $0x10, s3  }
0x314: {  	p0 =	sne.s32 s5, $0x7F0;
	s7 =	smov.u32 s5;
	s5 =	sadd.s32 $0x10, s5;
	v7 =	vadd.bf16 v7, v9  }
0x315: {  	_ = 	snop  }
0x316: {  	v7 =	vadd.bf16 v7, v8;
	_ =	sdelay $0x1  }
0x317: {  	v2 =	vadd.s32 $0xF, v2;
	v7 =	vmul.bf16 v7, v5  }
0x318: {  	v3 =	vadd.s32 $0xF, v3  }
0x319: {  	v4 =	vadd.s32 $0xF, v4;
	v6 =	vadd.bf16 v6, v7  }
0x31a: {  	v1 =	vadd.s32 $0xF, v1  }
0x31b: {  	[tilespmem:s4+$0x13480] =	vst v6  }
0x31c: {  	v2 =	vld.idx.msk [tilespmem:v2+s2+$0x0], $0xffff  }
0x31d: {  	v3 =	vld.idx.msk [tilespmem:v3+s2+$0x0], $0xffff  }
0x31e: {  	v4 =	vld.idx.msk [tilespmem:v4+s2+$0x0], $0xffff  }
0x31f: {  	v1 =	vld.idx.msk [tilespmem:v1+s29+$0x0], $0xffff  }
0x320: {  	v6 =	vld [tilespmem:s4+$0x13500];
	_ =	sdelay $0x2  }
0x321: {  	v2 =	vadd.bf16 v3, v2;
	_ =	sdelay $0x1  }
0x322: {  	v2 =	vadd.bf16 v4, v2;
	_ =	sdelay $0x1  }
0x323: {  	v2 =	vadd.bf16 v2, v6;
	_ =	sdelay $0x1  }
0x324: {  	v2 =	vmul.bf16 v2, v5;
	_ =	sdelay $0x1  }
0x325: {  	v1 =	vadd.bf16 v1, v2;
	_ =	sdelay $0x1  }
0x326: {  	[tilespmem:s4+$0x13500] =	vst v1  }
0x327: {  	s4 =	sand.u32 $0x7F0, s7;
	v1 =	vld [tilespmem:s3+$0x0]  }
0x328: {  	v2 =	vld [tilespmem:s4+$0x1D180]  }
0x329: {  	v3 =	vld [tilespmem:s4+$0x1D980]  }
0x32a: {  	v4 =	vld [tilespmem:s4+$0x1E180];
	_ =	sdelay $0x1  }
0x32b: {  	v5 =	vmax.u32 v1, $0x1;
	v1 =	vmul.u32 $0x11, v1  }
0x32c: {  	v2 =	vmul.u32 $0x11, v2;
	vm0 =	vgt.s32 v5, $0x1  }
0x32d: {  	v3 =	vmul.u32 $0x11, v3;
	v6 =	vsel vm0, $0xFFFFFFFF, v0  }
0x32e: {  	v4 =	vmul.u32 $0x11, v4;
	v5 =	vadd.s32 v6, v5  }
0x32f: {  	vm0 =	vlt.s32 v5, $0x5  }
0x330: {  	v5 =	vnsel vm0, $0x5, v5  }
0x331: {  	v5 =	vcvt.s32.f32 v5  }
0x332: {  	v6 =	vld.idx.msk [tilespmem:v2+s2+$0x0], $0xffff  }
0x333: {  	v7 =	vld.idx.msk [tilespmem:v3+s2+$0x0], $0xffff;
	(erf) = vrcp.f32 v5  }
0x334: {  	v5 =	vld.idx.msk [tilespmem:v4+s2+$0x0], $0xffff;
	_ =	sdelay $0x1  }
0x335: {  	s4 =	sand.u32 $0x70, s7;
	s7 =	sand.u32 $0x3C00, s0  }
0x336: {  	s4 =	sor.u32 s4, s7  }
0x337: {  	v8 =	vld [tilespmem:s4+$0xF180]  }
0x338: {  	v6 =	vadd.bf16 v7, v6;
	_ =	sdelay $0x1  }
0x339: {  	v5 =	vadd.bf16 v5, v6  }
0x33a: {  	v6 =	vld.idx.msk [tilespmem:v1+s29+$0x0], $0xffff;
	v7 =	vpop (erf)  }
0x33b: {  	v7 =	vmul.f32 $3.333333430e-01, v7;
	v8 =	vadd.bf16 v5, v8;
	_ =	sdelay $0x1  }
0x33c: {  	v5 =	vpack.i.f32.bf16 v7, v7  }
0x33d: {  	v7 =	vmul.bf16 v8, v5;
	v8 =	vadd.s32 $0x1, v3  }
0x33e: {  	v9 =	vadd.s32 $0x1, v2  }
0x33f: {  	v6 =	vadd.bf16 v6, v7;
	v7 =	vadd.s32 $0x1, v4;
	_ =	sdelay $0x1  }
0x340: {  	[tilespmem:s4+$0xF180] =	vst v6  }
0x341: {  	v6 =	vld.idx.msk [tilespmem:v8+s2+$0x0], $0xffff  }
0x342: {  	v8 =	vld.idx.msk [tilespmem:v9+s2+$0x0], $0xffff  }
0x343: {  	v7 =	vld.idx.msk [tilespmem:v7+s2+$0x0], $0xffff;
	_ =	sdelay $0x1  }
0x344: {  	v9 =	vadd.s32 $0x1, v1;
	_ =	sdelay $0x1  }
0x345: {  	v10 =	vld [tilespmem:s4+$0xF200]  }
0x346: {  	v6 =	vadd.bf16 v6, v8;
	_ =	sdelay $0x1  }
0x347: {  	v6 =	vadd.bf16 v7, v6;
	v7 =	vld.idx.msk [tilespmem:v9+s29+$0x0], $0xffff;
	_ =	sdelay $0x1  }
0x348: {  	v6 =	vadd.bf16 v6, v10;
	_ =	sdelay $0x1  }
0x349: {  	v8 =	vadd.s32 $0x2, v2;
	v6 =	vmul.bf16 v6, v5  }
0x34a: {  	v9 =	vadd.s32 $0x2, v3  }
0x34b: {  	v6 =	vadd.bf16 v7, v6  }
0x34c: {  	v7 =	vadd.s32 $0x2, v4  }
0x34d: {  	[tilespmem:s4+$0xF200] =	vst v6  }
0x34e: {  	v6 =	vld.idx.msk [tilespmem:v8+s2+$0x0], $0xffff  }
0x34f: {  	v8 =	vld.idx.msk [tilespmem:v9+s2+$0x0], $0xffff;
	_ =	sdelay $0x1  }
0x350: {  	v7 =	vld.idx.msk [tilespmem:v7+s2+$0x0], $0xffff  }
0x351: {  	v9 =	vadd.s32 $0x2, v1;
	_ =	sdelay $0x1  }
0x352: {  	v10 =	vld [tilespmem:s4+$0xF280]  }
0x353: {  	v6 =	vadd.bf16 v8, v6;
	_ =	sdelay $0x1  }
0x354: {  	v6 =	vadd.bf16 v7, v6;
	v7 =	vld.idx.msk [tilespmem:v9+s29+$0x0], $0xffff;
	_ =	sdelay $0x1  }
0x355: {  	v6 =	vadd.bf16 v6, v10;
	_ =	sdelay $0x1  }
0x356: {  	v8 =	vadd.s32 $0x3, v2;
	v6 =	vmul.bf16 v6, v5  }
0x357: {  	v9 =	vadd.s32 $0x3, v3  }
0x358: {  	v6 =	vadd.bf16 v7, v6  }
0x359: {  	v7 =	vadd.s32 $0x3, v4  }
0x35a: {  	[tilespmem:s4+$0xF280] =	vst v6  }
0x35b: {  	v6 =	vld.idx.msk [tilespmem:v8+s2+$0x0], $0xffff  }
0x35c: {  	v8 =	vld.idx.msk [tilespmem:v9+s2+$0x0], $0xffff;
	_ =	sdelay $0x1  }
0x35d: {  	v7 =	vld.idx.msk [tilespmem:v7+s2+$0x0], $0xffff  }
0x35e: {  	v9 =	vadd.s32 $0x3, v1;
	_ =	sdelay $0x1  }
0x35f: {  	v10 =	vld [tilespmem:s4+$0xF300]  }
0x360: {  	v6 =	vadd.bf16 v8, v6;
	_ =	sdelay $0x1  }
0x361: {  	v6 =	vadd.bf16 v7, v6;
	v7 =	vld.idx.msk [tilespmem:v9+s29+$0x0], $0xffff;
	_ =	sdelay $0x1  }
0x362: {  	v6 =	vadd.bf16 v6, v10;
	_ =	sdelay $0x1  }
0x363: {  	v8 =	vadd.s32 $0x4, v2;
	v6 =	vmul.bf16 v6, v5  }
0x364: {  	v9 =	vadd.s32 $0x4, v3  }
0x365: {  	v6 =	vadd.bf16 v7, v6  }
0x366: {  	v7 =	vadd.s32 $0x4, v4  }
0x367: {  	[tilespmem:s4+$0xF300] =	vst v6  }
0x368: {  	v6 =	vld.idx.msk [tilespmem:v8+s2+$0x0], $0xffff  }
0x369: {  	v8 =	vld.idx.msk [tilespmem:v9+s2+$0x0], $0xffff;
	_ =	sdelay $0x1  }
0x36a: {  	v7 =	vld.idx.msk [tilespmem:v7+s2+$0x0], $0xffff  }
0x36b: {  	v9 =	vadd.s32 $0x4, v1;
	_ =	sdelay $0x1  }
0x36c: {  	v10 =	vld [tilespmem:s4+$0xF380]  }
0x36d: {  	v6 =	vadd.bf16 v8, v6;
	_ =	sdelay $0x1  }
0x36e: {  	v6 =	vadd.bf16 v7, v6;
	v7 =	vld.idx.msk [tilespmem:v9+s29+$0x0], $0xffff;
	_ =	sdelay $0x1  }
0x36f: {  	v6 =	vadd.bf16 v6, v10;
	_ =	sdelay $0x1  }
0x370: {  	v8 =	vadd.s32 $0x5, v2;
	v6 =	vmul.bf16 v6, v5  }
0x371: {  	v9 =	vadd.s32 $0x5, v3  }
0x372: {  	v6 =	vadd.bf16 v7, v6  }
0x373: {  	v7 =	vadd.s32 $0x5, v4  }
0x374: {  	[tilespmem:s4+$0xF380] =	vst v6  }
0x375: {  	v6 =	vld.idx.msk [tilespmem:v8+s2+$0x0], $0xffff  }
0x376: {  	v8 =	vld.idx.msk [tilespmem:v9+s2+$0x0], $0xffff;
	_ =	sdelay $0x1  }
0x377: {  	v7 =	vld.idx.msk [tilespmem:v7+s2+$0x0], $0xffff  }
0x378: {  	v9 =	vadd.s32 $0x5, v1;
	_ =	sdelay $0x1  }
0x379: {  	v10 =	vld [tilespmem:s4+$0xF400]  }
0x37a: {  	v6 =	vadd.bf16 v8, v6;
	_ =	sdelay $0x1  }
0x37b: {  	v6 =	vadd.bf16 v7, v6;
	v7 =	vld.idx.msk [tilespmem:v9+s29+$0x0], $0xffff;
	_ =	sdelay $0x1  }
0x37c: {  	v6 =	vadd.bf16 v6, v10;
	_ =	sdelay $0x1  }
0x37d: {  	v8 =	vadd.s32 $0x6, v2;
	v6 =	vmul.bf16 v6, v5  }
0x37e: {  	v9 =	vadd.s32 $0x6, v3  }
0x37f: {  	v6 =	vadd.bf16 v7, v6  }
0x380: {  	v7 =	vadd.s32 $0x6, v4  }
0x381: {  	[tilespmem:s4+$0xF400] =	vst v6  }
0x382: {  	v6 =	vld.idx.msk [tilespmem:v8+s2+$0x0], $0xffff  }
0x383: {  	v8 =	vld.idx.msk [tilespmem:v9+s2+$0x0], $0xffff;
	_ =	sdelay $0x1  }
0x384: {  	v7 =	vld.idx.msk [tilespmem:v7+s2+$0x0], $0xffff  }
0x385: {  	v9 =	vadd.s32 $0x6, v1;
	_ =	sdelay $0x1  }
0x386: {  	v10 =	vld [tilespmem:s4+$0xF480]  }
0x387: {  	v6 =	vadd.bf16 v8, v6;
	_ =	sdelay $0x1  }
0x388: {  	v6 =	vadd.bf16 v7, v6;
	v7 =	vld.idx.msk [tilespmem:v9+s29+$0x0], $0xffff;
	_ =	sdelay $0x1  }
0x389: {  	v6 =	vadd.bf16 v6, v10;
	_ =	sdelay $0x1  }
0x38a: {  	v8 =	vadd.s32 $0x7, v2;
	v6 =	vmul.bf16 v6, v5  }
0x38b: {  	v9 =	vadd.s32 $0x7, v3  }
0x38c: {  	v6 =	vadd.bf16 v7, v6  }
0x38d: {  	s7 =	sand.u32 $0x7, s6;
	v7 =	vadd.s32 $0x7, v4  }
0x38e: {  	s7 =	sshll.u32 s7, $0x4;
	[tilespmem:s4+$0xF480] =	vst v6  }
0x38f: {  	s7 =	sadd.s32 s7, s0;
	v6 =	vld.idx.msk [tilespmem:v8+s2+$0x0], $0xffff  }
0x390: {  	s7 =	sor.u32 $0x380, s7;
	v8 =	vld.idx.msk [tilespmem:v9+s2+$0x0], $0xffff  }
0x391: {  	v9 =	vld [tilespmem:s7+$0xF180]  }
0x392: {  	v7 =	vld.idx.msk [tilespmem:v7+s2+$0x0], $0xffff  }
0x393: {  	v10 =	vadd.s32 $0x7, v1;
	_ =	sdelay $0x2  }
0x394: {  	v6 =	vadd.bf16 v8, v6;
	_ =	sdelay $0x1  }
0x395: {  	v6 =	vadd.bf16 v7, v6;
	v7 =	vld.idx.msk [tilespmem:v10+s29+$0x0], $0xffff;
	_ =	sdelay $0x1  }
0x396: {  	v6 =	vadd.bf16 v6, v9;
	_ =	sdelay $0x1  }
0x397: {  	v8 =	vadd.s32 $0x8, v2;
	v6 =	vmul.bf16 v6, v5  }
0x398: {  	v9 =	vadd.s32 $0x8, v3  }
0x399: {  	v6 =	vadd.bf16 v7, v6;
	v7 =	vadd.s32 $0x8, v4;
	_ =	sdelay $0x1  }
0x39a: {  	[tilespmem:s7+$0xF180] =	vst v6  }
0x39b: {  	v6 =	vld.idx.msk [tilespmem:v8+s2+$0x0], $0xffff  }
0x39c: {  	v8 =	vld.idx.msk [tilespmem:v9+s2+$0x0], $0xffff  }
0x39d: {  	v7 =	vld.idx.msk [tilespmem:v7+s2+$0x0], $0xffff;
	_ =	sdelay $0x1  }
0x39e: {  	v9 =	vadd.s32 $0x8, v1;
	_ =	sdelay $0x1  }
0x39f: {  	v10 =	vld [tilespmem:s4+$0x13180]  }
0x3a0: {  	v6 =	vadd.bf16 v8, v6;
	_ =	sdelay $0x1  }
0x3a1: {  	v6 =	vadd.bf16 v7, v6;
	v7 =	vld.idx.msk [tilespmem:v9+s29+$0x0], $0xffff;
	_ =	sdelay $0x1  }
0x3a2: {  	v6 =	vadd.bf16 v6, v10;
	_ =	sdelay $0x1  }
0x3a3: {  	v8 =	vadd.s32 $0x9, v2;
	v6 =	vmul.bf16 v6, v5  }
0x3a4: {  	v9 =	vadd.s32 $0x9, v3  }
0x3a5: {  	v6 =	vadd.bf16 v7, v6;
	v7 =	vadd.s32 $0x9, v4  }
0x3a6: {  	v10 =	vadd.s32 $0x9, v1  }
0x3a7: {  	[tilespmem:s4+$0x13180] =	vst v6  }
0x3a8: {  	v6 =	vld.idx.msk [tilespmem:v8+s2+$0x0], $0xffff  }
0x3a9: {  	v8 =	vld.idx.msk [tilespmem:v9+s2+$0x0], $0xffff  }
0x3aa: {  	v7 =	vld.idx.msk [tilespmem:v7+s2+$0x0], $0xffff  }
0x3ab: {  	v9 =	vld.idx.msk [tilespmem:v10+s29+$0x0], $0xffff;
	_ =	sdelay $0x2  }
0x3ac: {  	v10 =	vld [tilespmem:s4+$0x13200]  }
0x3ad: {  	v6 =	vadd.bf16 v8, v6;
	_ =	sdelay $0x1  }
0x3ae: {  	v6 =	vadd.bf16 v7, v6;
	_ =	sdelay $0x1  }
0x3af: {  	v6 =	vadd.bf16 v6, v10;
	_ =	sdelay $0x1  }
0x3b0: {  	v7 =	vadd.s32 $0xA, v2;
	v6 =	vmul.bf16 v6, v5  }
0x3b1: {  	v8 =	vadd.s32 $0xA, v3  }
0x3b2: {  	v6 =	vadd.bf16 v9, v6;
	v9 =	vadd.s32 $0xA, v4  }
0x3b3: {  	v10 =	vadd.s32 $0xA, v1  }
0x3b4: {  	[tilespmem:s4+$0x13200] =	vst v6  }
0x3b5: {  	v6 =	vld.idx.msk [tilespmem:v7+s2+$0x0], $0xffff  }
0x3b6: {  	v7 =	vld.idx.msk [tilespmem:v8+s2+$0x0], $0xffff  }
0x3b7: {  	v8 =	vld.idx.msk [tilespmem:v9+s2+$0x0], $0xffff  }
0x3b8: {  	v9 =	vld.idx.msk [tilespmem:v10+s29+$0x0], $0xffff;
	_ =	sdelay $0x2  }
0x3b9: {  	v10 =	vld [tilespmem:s4+$0x13280]  }
0x3ba: {  	v6 =	vadd.bf16 v7, v6;
	_ =	sdelay $0x1  }
0x3bb: {  	v6 =	vadd.bf16 v8, v6;
	_ =	sdelay $0x1  }
0x3bc: {  	v6 =	vadd.bf16 v6, v10;
	_ =	sdelay $0x1  }
0x3bd: {  	v7 =	vadd.s32 $0xB, v2;
	v6 =	vmul.bf16 v6, v5  }
0x3be: {  	v8 =	vadd.s32 $0xB, v3  }
0x3bf: {  	v6 =	vadd.bf16 v9, v6;
	v9 =	vadd.s32 $0xB, v4  }
0x3c0: {  	v10 =	vadd.s32 $0xB, v1  }
0x3c1: {  	[tilespmem:s4+$0x13280] =	vst v6  }
0x3c2: {  	v6 =	vld.idx.msk [tilespmem:v7+s2+$0x0], $0xffff  }
0x3c3: {  	v7 =	vld.idx.msk [tilespmem:v8+s2+$0x0], $0xffff  }
0x3c4: {  	v8 =	vld.idx.msk [tilespmem:v9+s2+$0x0], $0xffff  }
0x3c5: {  	v9 =	vld.idx.msk [tilespmem:v10+s29+$0x0], $0xffff;
	_ =	sdelay $0x2  }
0x3c6: {  	v10 =	vld [tilespmem:s4+$0x13300]  }
0x3c7: {  	v6 =	vadd.bf16 v7, v6;
	_ =	sdelay $0x1  }
0x3c8: {  	v6 =	vadd.bf16 v8, v6;
	_ =	sdelay $0x1  }
0x3c9: {  	v6 =	vadd.bf16 v6, v10;
	_ =	sdelay $0x1  }
0x3ca: {  	v7 =	vadd.s32 $0xC, v2;
	v6 =	vmul.bf16 v6, v5  }
0x3cb: {  	v8 =	vadd.s32 $0xC, v3  }
0x3cc: {  	v6 =	vadd.bf16 v9, v6;
	v9 =	vadd.s32 $0xC, v4  }
0x3cd: {  	v10 =	vadd.s32 $0xC, v1  }
0x3ce: {  	[tilespmem:s4+$0x13300] =	vst v6  }
0x3cf: {  	v6 =	vld.idx.msk [tilespmem:v7+s2+$0x0], $0xffff  }
0x3d0: {  	v7 =	vld.idx.msk [tilespmem:v8+s2+$0x0], $0xffff  }
0x3d1: {  	v8 =	vld.idx.msk [tilespmem:v9+s2+$0x0], $0xffff  }
0x3d2: {  	v9 =	vld.idx.msk [tilespmem:v10+s29+$0x0], $0xffff;
	_ =	sdelay $0x2  }
0x3d3: {  	v10 =	vld [tilespmem:s4+$0x13380]  }
0x3d4: {  	v6 =	vadd.bf16 v7, v6;
	_ =	sdelay $0x1  }
0x3d5: {  	v6 =	vadd.bf16 v8, v6;
	_ =	sdelay $0x1  }
0x3d6: {  	v6 =	vadd.bf16 v6, v10;
	_ =	sdelay $0x1  }
0x3d7: {  	v7 =	vadd.s32 $0xD, v2;
	v6 =	vmul.bf16 v6, v5  }
0x3d8: {  	v8 =	vadd.s32 $0xD, v3  }
0x3d9: {  	v6 =	vadd.bf16 v9, v6;
	v9 =	vadd.s32 $0xD, v4  }
0x3da: {  	v10 =	vadd.s32 $0xD, v1  }
0x3db: {  	[tilespmem:s4+$0x13380] =	vst v6  }
0x3dc: {  	v6 =	vld.idx.msk [tilespmem:v7+s2+$0x0], $0xffff  }
0x3dd: {  	v7 =	vld.idx.msk [tilespmem:v8+s2+$0x0], $0xffff  }
0x3de: {  	v8 =	vld.idx.msk [tilespmem:v9+s2+$0x0], $0xffff  }
0x3df: {  	v9 =	vld.idx.msk [tilespmem:v10+s29+$0x0], $0xffff;
	_ =	sdelay $0x2  }
0x3e0: {  	v10 =	vld [tilespmem:s4+$0x13400]  }
0x3e1: {  	v6 =	vadd.bf16 v7, v6;
	_ =	sdelay $0x1  }
0x3e2: {  	v6 =	vadd.bf16 v8, v6;
	_ =	sdelay $0x1  }
0x3e3: {  	v6 =	vadd.bf16 v6, v10;
	_ =	sdelay $0x1  }
0x3e4: {  	v7 =	vadd.s32 $0xE, v2;
	v6 =	vmul.bf16 v6, v5  }
0x3e5: {  	v8 =	vadd.s32 $0xE, v3  }
0x3e6: {  	v6 =	vadd.bf16 v9, v6;
	v9 =	vadd.s32 $0xE, v4  }
0x3e7: {  	v10 =	vadd.s32 $0xE, v1  }
0x3e8: {  	[tilespmem:s4+$0x13400] =	vst v6  }
0x3e9: {  	v11 =	vld.idx.msk [tilespmem:v7+s2+$0x0], $0xffff  }
0x3ea: {  	v12 =	vld.idx.msk [tilespmem:v8+s2+$0x0], $0xffff  }
0x3eb: {  	v7 =	vld.idx.msk [tilespmem:v9+s2+$0x0], $0xffff  }
.Ltmp2:
0x3ec: {  	v6 =	vld.idx.msk [tilespmem:v10+s29+$0x0], $0xffff;
	(pc) =	sbr.rel @p0 .LBB2_6-.Ltmp2, $3  }
0x3ed: {  	_ =	sdelay $0x1  }
0x3ee: {  	v8 =	vld [tilespmem:s4+$0x13480]  }
0x3ef: {  	v9 =	vadd.bf16 v12, v11  }
0x3f0: {  	_ = 	snop  }
0x3f1: {  	v7 =	vadd.bf16 v7, v9;
	_ =	sdelay $0x1  }
0x3f2: {  	v7 =	vadd.bf16 v7, v8;
	_ =	sdelay $0x1  }
0x3f3: {  	v2 =	vadd.s32 $0xF, v2;
	v7 =	vmul.bf16 v7, v5  }
0x3f4: {  	v3 =	vadd.s32 $0xF, v3  }
0x3f5: {  	v6 =	vadd.bf16 v6, v7  }
0x3f6: {  	v4 =	vadd.s32 $0xF, v4  }
0x3f7: {  	[tilespmem:s4+$0x13480] =	vst v6  }
0x3f8: {  	v2 =	vld.idx.msk [tilespmem:v2+s2+$0x0], $0xffff  }
0x3f9: {  	v3 =	vld.idx.msk [tilespmem:v3+s2+$0x0], $0xffff;
	_ =	sdelay $0x1  }
0x3fa: {  	v4 =	vld.idx.msk [tilespmem:v4+s2+$0x0], $0xffff  }
0x3fb: {  	v1 =	vadd.s32 $0xF, v1  }
0x3fc: {  	v63 =	vld [tilespmem:s4+$0x13500]  }
0x3fd: {  	v2 =	vadd.bf16 v3, v2;
	_ =	sdelay $0x1  }
0x3fe: {  	v2 =	vadd.bf16 v4, v2  }
0x3ff: {  	v1 =	vld.idx.msk [tilespmem:v1+s29+$0x0], $0xffff  }
0x400: {  	v2 =	vadd.bf16 v2, v63;
	_ =	sdelay $0x1  }
0x401: {  	v2 =	vmul.bf16 v2, v5;
	_ =	sdelay $0x1  }
0x402: {  	s31 =	sadd.s32 $0x1, s31;
	v1 =	vadd.bf16 v1, v2  }
0x403: {  	s0 =	simm.s32 $0x4000;
	p0 =	sne.s32 s31, s26  }
.Ltmp3:
0x404: {  	s3 =	simm.s32 $0x80000;
	s7 =	simm.s32 $0xF180;
	[tilespmem:s4+$0x13500] =	vst v1;
	(pc) =	sbr.rel @p0 .LBB2_1-.Ltmp3, $4  }
0x405: {  	[hbm4b:s22+s0] =	stream.strided.scatter [tilespmem:s7], [sflag:$0x2], $0x8000, s3, s0, $0x38;
	[tilespmem:$0x1F180] =	vst v63  }
0x406: {  	_ =	swait.ge [sflag:s30], $0x8000  }
0x407: {  	[sflag:s30] =	ssyncset.done $0x0  }
0x408: {  	[sflag:s30] =	ssyncadd.s32 $0xFFFF8000  }
0x409: {  	_ =	sfence.sel $0x180000  }
0x40a: {  	[bflag:$0x0] =	sbarrier.arrive $0xFFFF  }
0x40b: {  	_ =	strace $0x90000047  }
0x40c: {  	s0 =	stileid.u32;
	[bflag:$0x2] =	sbarrier.arrive $0xFFFF  }
0x40d: {  	p0 =	sne.s32 s0, $0x0;
	s0 =	rddreg [dreg:$0x2]  }
0x40e: {  	s0 =	sadd.s32 @!p0 $0x100000, s0  }
0x40f: {  	[sflag:s0] =	ssyncadd.tile.s32 @!p0 $0x1;
	_ =	shalt  }
.Lfunc_end2:
_tile_overlayer_lowered:
.L_overlay_start_2:
0x410: {  	(tag) =	ssettag $0x2  }
0x411: {  	s0 =	rddreg [dreg:$0x0];
	s2 =	stileid.u32  }
0x412: {  	s1 =	rddreg [dreg:$0x1];
	p0 =	sne.s32 s2, $0x0  }
0x413: {  	s3 =	rddreg [dreg:$0x2];
	[bflag:$0x3] =	sbarrier.arrive $0xFFFF;
	s2 =	simm.s32 @!p0 $0x1C02  }
0x414: {  	[timem:s3], [sflag:s2] =	dma.local @!p0 [hbm:s0], s1  }
0x415: {  	s0 =	simm.s32 @!p0 $0x2  }
0x416: {  	_ =	swait.ge @!p0 [sflag:s0], s1  }
0x417: {  	s1 =	ssub.s32 @!p0 $0x0, s1;
	[sflag:s0] =	ssyncset.done @!p0 $0x0  }
0x418: {  	[sflag:s0] =	ssyncadd.s32 @!p0 s1  }
0x419: {  	[bflag:$0x3] =	sbarrier.arrive $0xFFFF  }
0x41a: {  	_ =	shalt  }

</sc_bundles>
